<compile_context>
chip_gen: v7x
topology: tpu7x:2x2x1
jax: 0.10.2.dev20260603
libtpu: 0.0.44.dev20260713+nightly
codegen_flags: <defaults>
</compile_context>

<pallas_src>
import jax
import jax.numpy as jnp
from jax import lax
from jax.experimental import pallas as pl
from jax.experimental.pallas import tpu as pltpu
from jax.experimental.pallas import tpu_sc as plsc

N_NODES = 10000
N_EDGES = 320000
DIM = 128
NC = 2
NS = 16
NW = NC * NS
EPT = N_EDGES // NW
K = 80
NCH = EPT // K
NCH_P = 127
RPT = N_NODES // NS
L = 16
NV = DIM // L
ROWBLK = 125
ZBLK = 25


def _tc_h_body(x_ref, wt_ref, b_ref, a2_ref, h_ref, al_ref):
    h = jnp.dot(x_ref[...], wt_ref[...], preferred_element_type=jnp.float32)
    h = h + b_ref[...]
    h_ref[...] = h
    al_ref[...] = jnp.dot(h, a2_ref[...], preferred_element_type=jnp.float32)


def _edge_logits_body(as_hbm, ad_hbm, row_hbm, col_hbm, par_hbm,
                      e_hbm, ms_hbm,
                      as_v, ad_v, row_v, col_v, e_v, par_v, ms_v):
    cid = lax.axis_index("c")
    sid = lax.axis_index("s")
    wid = sid * NC + cid
    pltpu.sync_copy(as_hbm, as_v)
    pltpu.sync_copy(ad_hbm, ad_v)
    pltpu.sync_copy(row_hbm.at[wid], row_v)
    pltpu.sync_copy(col_hbm.at[wid], col_v)
    pltpu.sync_copy(par_hbm, par_v)
    pv = par_v[...]
    ab = pv[0]

    def pass1(j, m_run):
        for k in range(K // L):
            sl = pl.ds(k * L, L)
            r = row_v[j, sl]
            c = col_v[j, sl]
            z = plsc.load_gather(as_v, [r]) + plsc.load_gather(ad_v, [c]) + ab
            e = jnp.where(z >= 0.0, z, z * 0.01)
            e_v[j, sl] = e
            m_run = jnp.maximum(m_run, e)
        return m_run

    m_run = lax.fori_loop(0, NCH, pass1, jnp.full((L,), -1e30, jnp.float32))
    m_t = jnp.max(m_run)

    def pass2(j, s_run):
        for k in range(K // L):
            s_run = s_run + jnp.exp(e_v[j, pl.ds(k * L, L)] - m_t)
        return s_run

    s_run = lax.fori_loop(0, NCH, pass2, jnp.zeros((L,), jnp.float32))
    s_t = jnp.sum(s_run)
    pltpu.sync_copy(e_v, e_hbm.at[wid])
    ii = lax.iota(jnp.int32, L)
    ms_v[...] = jnp.where(ii == 0, m_t, jnp.where(ii == 1, s_t, 0.0))
    pltpu.sync_copy(ms_v, ms_hbm.at[wid])


def _gat_scatter_body(h_hbm, row_hbm, col_hbm, e_hbm, par_hbm,
                      out_hbm,
                      rows0, rows1, colb0, colb1, rowb0, rowb1,
                      eb0, eb1, attb0, attb1, zbuf, par_v, acc,
                      isem0, isem1, gsem0, gsem1, ssem0, ssem1):
    cid = lax.axis_index("c")
    sid = lax.axis_index("s")
    wid = sid * NC + cid
    pltpu.sync_copy(par_hbm, par_v)
    pv = par_v[...]
    m_g = pv[0]
    inv_s = pv[1]

    z16 = jnp.zeros((L,), jnp.float32)

    def zero_row(j, carry):
        for v in range(NV):
            zbuf[j, pl.ds(v * L, L)] = z16
        return carry

    lax.fori_loop(0, ZBLK, zero_row, 0)
    for t in range(RPT // ZBLK):
        pltpu.sync_copy(zbuf, acc.at[pl.ds(sid * RPT + t * ZBLK, ZBLK)])
    plsc.subcore_barrier()

    def issue_idx(j, colb, rowb, eb, isem):
        pltpu.async_copy(col_hbm.at[wid, j], colb, isem)
        pltpu.async_copy(row_hbm.at[wid, j], rowb, isem)
        pltpu.async_copy(e_hbm.at[wid, j], eb, isem)

    def wait_idx(j, colb, rowb, eb, isem):
        pltpu.make_async_copy(col_hbm.at[wid, j], colb, isem).wait()
        pltpu.make_async_copy(row_hbm.at[wid, j], rowb, isem).wait()
        pltpu.make_async_copy(e_hbm.at[wid, j], eb, isem).wait()

    def to_att(eb, attb):
        for k in range(K // L):
            sl = pl.ds(k * L, L)
            attb[sl] = jnp.exp(eb[0, sl] - m_g) * inv_s

    def scale(rows, attb):
        def body(i, c2):
            a = plsc.load_gather(attb, [jnp.full((L,), i, jnp.int32)])
            for v in range(NV):
                s2 = pl.ds(v * L, L)
                rows[i, s2] = rows[i, s2] * a
            return c2

        lax.fori_loop(0, K, body, 0)

    issue_idx(0, colb0, rowb0, eb0, isem0)
    wait_idx(0, colb0, rowb0, eb0, isem0)
    pltpu.async_copy(h_hbm.at[colb0.at[0]], rows0, gsem0)
    issue_idx(1, colb1, rowb1, eb1, isem1)

    def pair(t, carry):
        a = 2 * t + 1
        b = 2 * t + 2
        nxt = jnp.minimum(a + 2, NCH_P - 1)
        wait_idx(a, colb1, rowb1, eb1, isem1)
        pltpu.async_copy(h_hbm.at[colb1.at[0]], rows1, gsem1)
        pltpu.make_async_copy(h_hbm.at[colb0.at[0]], rows0, gsem0).wait()
        to_att(eb0, attb0)
        scale(rows0, attb0)
        pltpu.async_copy(rows0, acc.at[rowb0.at[0]], ssem0, add=True)
        pltpu.make_async_copy(h_hbm.at[colb1.at[0]], rows1, gsem1).wait()
        to_att(eb1, attb1)
        pltpu.make_async_copy(rows0, acc.at[rowb0.at[0]], ssem0).wait()
        issue_idx(b, colb0, rowb0, eb0, isem0)
        scale(rows1, attb1)
        pltpu.async_copy(rows1, acc.at[rowb1.at[0]], ssem1, add=True)
        wait_idx(b, colb0, rowb0, eb0, isem0)
        pltpu.async_copy(h_hbm.at[colb0.at[0]], rows0, gsem0)
        pltpu.make_async_copy(rows1, acc.at[rowb1.at[0]], ssem1).wait()
        issue_idx(nxt, colb1, rowb1, eb1, isem1)
        return carry

    lax.fori_loop(0, (NCH_P - 1) // 2, pair, 0)
    wait_idx(NCH_P - 1, colb1, rowb1, eb1, isem1)
    pltpu.make_async_copy(h_hbm.at[colb0.at[0]], rows0, gsem0).wait()
    to_att(eb0, attb0)
    scale(rows0, attb0)
    pltpu.async_copy(rows0, acc.at[rowb0.at[0]], ssem0, add=True)
    pltpu.make_async_copy(rows0, acc.at[rowb0.at[0]], ssem0).wait()
    plsc.subcore_barrier()
    for t in range(RPT // ROWBLK):
        sl = pl.ds(sid * RPT + t * ROWBLK, ROWBLK)
        pltpu.sync_copy(acc.at[sl], out_hbm.at[cid, sid, t])


_SC_KERNEL_CACHE = []


def _make_sc_kernels():
    if _SC_KERNEL_CACHE:
        return _SC_KERNEL_CACHE[0]
    mesh = plsc.VectorSubcoreMesh(core_axis_name="c", subcore_axis_name="s",
                                  num_cores=NC, num_subcores=NS)
    edge_logits = pl.kernel(
        _edge_logits_body,
        out_type=(jax.ShapeDtypeStruct((NW, NCH, K), jnp.float32),
                  jax.ShapeDtypeStruct((NW, L), jnp.float32)),
        mesh=mesh,
        compiler_params=pltpu.CompilerParams(needs_layout_passes=False),
        scratch_types=[
            pltpu.VMEM((N_NODES,), jnp.float32),
            pltpu.VMEM((N_NODES,), jnp.float32),
            pltpu.VMEM((NCH, K), jnp.int32),
            pltpu.VMEM((NCH, K), jnp.int32),
            pltpu.VMEM((NCH, K), jnp.float32),
            pltpu.VMEM((L,), jnp.float32),
            pltpu.VMEM((L,), jnp.float32),
        ],
    )
    gat_scatter = pl.kernel(
        _gat_scatter_body,
        out_type=jax.ShapeDtypeStruct(
            (NC, NS, RPT // ROWBLK, ROWBLK, DIM), jnp.float32),
        mesh=mesh,
        compiler_params=pltpu.CompilerParams(needs_layout_passes=False),
        scratch_types=[
            pltpu.VMEM((K, DIM), jnp.float32),
            pltpu.VMEM((K, DIM), jnp.float32),
            pltpu.VMEM((1, K), jnp.int32),
            pltpu.VMEM((1, K), jnp.int32),
            pltpu.VMEM((1, K), jnp.int32),
            pltpu.VMEM((1, K), jnp.int32),
            pltpu.VMEM((1, K), jnp.float32),
            pltpu.VMEM((1, K), jnp.float32),
            pltpu.VMEM((K,), jnp.float32),
            pltpu.VMEM((K,), jnp.float32),
            pltpu.VMEM((ZBLK, DIM), jnp.float32),
            pltpu.VMEM((L,), jnp.float32),
            pltpu.VMEM_SHARED((N_NODES, DIM), jnp.float32),
            pltpu.SemaphoreType.DMA,
            pltpu.SemaphoreType.DMA,
            pltpu.SemaphoreType.DMA,
            pltpu.SemaphoreType.DMA,
            pltpu.SemaphoreType.DMA,
            pltpu.SemaphoreType.DMA,
        ],
    )
    _SC_KERNEL_CACHE.append((edge_logits, gat_scatter))
    return edge_logits, gat_scatter


_TC_BLK = 1000


def kernel(x, edge_index, W_w, W_b, a_w, a_b):
    wt = W_w.T
    b2 = W_b.reshape(1, DIM)
    a2 = jnp.zeros((DIM, DIM), jnp.float32)
    a2 = a2.at[:, 0].set(a_w[0, :DIM]).at[:, 1].set(a_w[0, DIM:])
    h, al = pl.pallas_call(
        _tc_h_body,
        grid=(N_NODES // _TC_BLK,),
        in_specs=[
            pl.BlockSpec((_TC_BLK, DIM), lambda i: (i, 0)),
            pl.BlockSpec((DIM, DIM), lambda i: (0, 0)),
            pl.BlockSpec((1, DIM), lambda i: (0, 0)),
            pl.BlockSpec((DIM, DIM), lambda i: (0, 0)),
        ],
        out_specs=[
            pl.BlockSpec((_TC_BLK, DIM), lambda i: (i, 0)),
            pl.BlockSpec((_TC_BLK, DIM), lambda i: (i, 0)),
        ],
        out_shape=[
            jax.ShapeDtypeStruct((N_NODES, DIM), jnp.float32),
            jax.ShapeDtypeStruct((N_NODES, DIM), jnp.float32),
        ],
    )(x, wt, b2, a2)
    alpha_s = al[:, 0]
    alpha_d = al[:, 1]
    row3 = edge_index[0].reshape(NW, NCH, K)
    col3 = edge_index[1].reshape(NW, NCH, K)
    zpad = jnp.zeros((NW, NCH_P - NCH, 1, K), jnp.int32)
    row4 = jnp.concatenate(
        [edge_index[0].reshape(NW, NCH, 1, K), zpad], axis=1)
    col4 = jnp.concatenate(
        [edge_index[1].reshape(NW, NCH, 1, K), zpad], axis=1)
    par1 = jnp.zeros((L,), jnp.float32).at[0].set(a_b[0])
    edge_logits, gat_scatter = _make_sc_kernels()
    e3, ms = edge_logits(alpha_s, alpha_d, row3, col3, par1)
    m = ms[:, 0]
    s = ms[:, 1]
    m_g = jnp.max(m)
    s_g = jnp.sum(s * jnp.exp(m - m_g))
    par2 = jnp.zeros((L,), jnp.float32).at[0].set(m_g).at[1].set(1.0 / s_g)
    e4 = jnp.concatenate(
        [e3.reshape(NW, NCH, 1, K),
         jnp.full((NW, NCH_P - NCH, 1, K), -1e30, jnp.float32)], axis=1)
    partials = gat_scatter(h, row4, col4, e4, par2)
    partials = partials.reshape(NC, N_NODES, DIM)
    return partials[0] + partials[1]

# --- scband reference (transcript-rebuilt; emitter-appended) ---
"""Pipeline reference for scband-gatlayer-53249004536214 (READ-ONLY COPY).

The authoritative reference and input builder live on the scoring server;
editing this copy changes nothing except your own understanding.
"""

import jax, jax.numpy as jnp
import numpy as np

N_NODES = 10000
N_EDGES = 320000
IN_DIM = 128
OUT_DIM = 128


def setup_inputs(seed: int = 0) -> dict:
    key = jax.random.key(seed)
    k1, k2, k3, k4, k5, k6 = jax.random.split(key, 6)
    x = jax.random.normal(k1, (N_NODES, IN_DIM), dtype=jnp.float32)
    edge_index = jax.random.randint(k2, (2, N_EDGES), 0, N_NODES, dtype=jnp.int32)
    # Parameters for W = nn.Linear(in_dim, out_dim)
    W_w = jax.random.normal(k3, (OUT_DIM, IN_DIM), dtype=jnp.float32) * (1.0 / np.sqrt(IN_DIM))
    W_b = jax.random.normal(k4, (OUT_DIM,), dtype=jnp.float32) * 0.01
    # Parameters for a = nn.Linear(2*out_dim, 1)
    a_w = jax.random.normal(k5, (1, 2 * OUT_DIM), dtype=jnp.float32) * (1.0 / np.sqrt(2 * OUT_DIM))
    a_b = jax.random.normal(k6, (1,), dtype=jnp.float32) * 0.01
    return {"x": x, "edge_index": edge_index, "W_w": W_w, "W_b": W_b, "a_w": a_w, "a_b": a_b}


def reference(x, edge_index, W_w, W_b, a_w, a_b):
    # h = self.W(x)
    h = x @ W_w.T + W_b
    row = edge_index[0]
    col = edge_index[1]
    # a_input = cat([h[row], h[col]], dim=1)  -- gather
    a_input = jnp.concatenate([jnp.take(h, row, axis=0), jnp.take(h, col, axis=0)], axis=1)
    # e = leaky_relu(self.a(a_input))  (default negative_slope=0.01)
    e = jax.nn.leaky_relu(a_input @ a_w.T + a_b, negative_slope=0.01)
    # attention = softmax(e, dim=0)  -- softmax over ALL edges (faithful to original)
    attention = jax.nn.softmax(e, axis=0)
    # out[row[i]] += attention[i] * h[col[i]]  -- scatter-add
    msgs = attention * jnp.take(h, col, axis=0)
    out = jnp.zeros_like(h).at[row].add(msgs)
    return out

if __name__ == "__main__":
    import jax
    _d = setup_inputs()
    print(jax.jit(kernel)(*tuple(_d.values())))

</pallas_src>

<mosaic_0001>
#map = affine_map<(d0, d1) -> (0)>
#map1 = affine_map<(d0, d1) -> (0, 0, 0)>
#map2 = affine_map<(d0, d1) -> (0, 0)>
module attributes {stable_mosaic.version = 14 : i64} {
  func.func @_edge_logits_body(%arg0: i32, %arg1: i32, %arg2: memref<10000xf32, #tpu.memory_space<hbm>>, %arg3: memref<10000xf32, #tpu.memory_space<hbm>>, %arg4: memref<32x125x80xi32, #tpu.memory_space<hbm>>, %arg5: memref<32x125x80xi32, #tpu.memory_space<hbm>>, %arg6: memref<16xf32, #tpu.memory_space<hbm>>, %arg7: memref<32x125x80xf32, #tpu.memory_space<hbm>>, %arg8: memref<32x16xf32, #tpu.memory_space<hbm>>, %arg9: memref<10000xf32, #tpu.memory_space<vmem>>, %arg10: memref<10000xf32, #tpu.memory_space<vmem>>, %arg11: memref<125x80xi32, #tpu.memory_space<vmem>>, %arg12: memref<125x80xi32, #tpu.memory_space<vmem>>, %arg13: memref<125x80xf32, #tpu.memory_space<vmem>>, %arg14: memref<16xf32, #tpu.memory_space<vmem>>, %arg15: memref<16xf32, #tpu.memory_space<vmem>>) attributes {dimension_semantics = [#tpu.dimension_semantics<core_parallel>, #tpu.dimension_semantics<subcore_parallel>], iteration_bounds = array<i64: 2, 16>, scalar_prefetch = 0 : i64, scratch_operands = 7 : i64, tpu.core_type = #tpu.core_type<sc_vector_subcore>, window_params = [{transform_indices = #map}, {transform_indices = #map}, {transform_indices = #map1}, {transform_indices = #map1}, {transform_indices = #map}, {transform_indices = #map1}, {transform_indices = #map2}]} {
    %mul3A = arith.constant 2 : i32
    %mul3A_0 = arith.muli %arg1, %mul3A : i32
    %add3A = arith.addi %mul3A_0, %arg0 : i32
    "tpu.region"() ({
      %run_scoped3A = tpu.sem_alloc : memref<!tpu.dma_semaphore, #tpu.memory_space<semaphore_mem>>
      tpu.enqueue_dma source(%arg2 : memref<10000xf32, #tpu.memory_space<hbm>>) target(%arg9 : memref<10000xf32, #tpu.memory_space<vmem>>) target_semaphore(%run_scoped3A : memref<!tpu.dma_semaphore, #tpu.memory_space<semaphore_mem>>)
      tpu.wait_dma2 semaphore(%run_scoped3A : memref<!tpu.dma_semaphore, #tpu.memory_space<semaphore_mem>>) src(%arg2 : memref<10000xf32, #tpu.memory_space<hbm>>) dst(%arg9 : memref<10000xf32, #tpu.memory_space<vmem>>)
      tpu.yield
    }) : () -> ()
    "tpu.region"() ({
      %run_scoped3A = tpu.sem_alloc : memref<!tpu.dma_semaphore, #tpu.memory_space<semaphore_mem>>
      tpu.enqueue_dma source(%arg3 : memref<10000xf32, #tpu.memory_space<hbm>>) target(%arg10 : memref<10000xf32, #tpu.memory_space<vmem>>) target_semaphore(%run_scoped3A : memref<!tpu.dma_semaphore, #tpu.memory_space<semaphore_mem>>)
      tpu.wait_dma2 semaphore(%run_scoped3A : memref<!tpu.dma_semaphore, #tpu.memory_space<semaphore_mem>>) src(%arg3 : memref<10000xf32, #tpu.memory_space<hbm>>) dst(%arg10 : memref<10000xf32, #tpu.memory_space<vmem>>)
      tpu.yield
    }) : () -> ()
    "tpu.region"() ({
      %run_scoped3A = tpu.sem_alloc : memref<!tpu.dma_semaphore, #tpu.memory_space<semaphore_mem>>
      %dma_start3A = arith.constant 0 : i32
      %dma_start3A_32 = arith.constant 0 : i32
      %dma_start3A_33 = tpu.memref_slice %arg4[%add3A, %dma_start3A, %dma_start3A_32] : memref<32x125x80xi32, #tpu.memory_space<hbm>> -> memref<1x125x80xi32, #tpu.memory_space<hbm>>
      %dma_start3A_34 = tpu.memref_squeeze %dma_start3A_33 : memref<1x125x80xi32, #tpu.memory_space<hbm>> -> memref<125x80xi32, #tpu.memory_space<hbm>>
      %dma_start3A_35 = arith.constant 0 : i32
      %dma_start3A_36 = arith.constant 0 : i32
      %dma_start3A_37 = tpu.memref_slice %arg4[%add3A, %dma_start3A_35, %dma_start3A_36] : memref<32x125x80xi32, #tpu.memory_space<hbm>> -> memref<1x125x80xi32, #tpu.memory_space<hbm>>
      %dma_start3A_38 = tpu.memref_squeeze %dma_start3A_37 : memref<1x125x80xi32, #tpu.memory_space<hbm>> -> memref<125x80xi32, #tpu.memory_space<hbm>>
      tpu.enqueue_dma source(%dma_start3A_38 : memref<125x80xi32, #tpu.memory_space<hbm>>) target(%arg11 : memref<125x80xi32, #tpu.memory_space<vmem>>) target_semaphore(%run_scoped3A : memref<!tpu.dma_semaphore, #tpu.memory_space<semaphore_mem>>)
      %dma_wait3A = arith.constant 0 : i32
      %dma_wait3A_39 = arith.constant 0 : i32
      %dma_wait3A_40 = tpu.memref_slice %arg4[%add3A, %dma_wait3A, %dma_wait3A_39] : memref<32x125x80xi32, #tpu.memory_space<hbm>> -> memref<1x125x80xi32, #tpu.memory_space<hbm>>
      %dma_wait3A_41 = tpu.memref_squeeze %dma_wait3A_40 : memref<1x125x80xi32, #tpu.memory_space<hbm>> -> memref<125x80xi32, #tpu.memory_space<hbm>>
      %dma_wait3A_42 = arith.constant 0 : i32
      %dma_wait3A_43 = arith.constant 0 : i32
      %dma_wait3A_44 = tpu.memref_slice %arg4[%add3A, %dma_wait3A_42, %dma_wait3A_43] : memref<32x125x80xi32, #tpu.memory_space<hbm>> -> memref<1x125x80xi32, #tpu.memory_space<hbm>>
      %dma_wait3A_45 = tpu.memref_squeeze %dma_wait3A_44 : memref<1x125x80xi32, #tpu.memory_space<hbm>> -> memref<125x80xi32, #tpu.memory_space<hbm>>
      tpu.wait_dma2 semaphore(%run_scoped3A : memref<!tpu.dma_semaphore, #tpu.memory_space<semaphore_mem>>) src(%dma_wait3A_45 : memref<125x80xi32, #tpu.memory_space<hbm>>) dst(%arg11 : memref<125x80xi32, #tpu.memory_space<vmem>>)
      tpu.yield
    }) : () -> ()
    "tpu.region"() ({
      %run_scoped3A = tpu.sem_alloc : memref<!tpu.dma_semaphore, #tpu.memory_space<semaphore_mem>>
      %dma_start3A = arith.constant 0 : i32
      %dma_start3A_32 = arith.constant 0 : i32
      %dma_start3A_33 = tpu.memref_slice %arg5[%add3A, %dma_start3A, %dma_start3A_32] : memref<32x125x80xi32, #tpu.memory_space<hbm>> -> memref<1x125x80xi32, #tpu.memory_space<hbm>>
      %dma_start3A_34 = tpu.memref_squeeze %dma_start3A_33 : memref<1x125x80xi32, #tpu.memory_space<hbm>> -> memref<125x80xi32, #tpu.memory_space<hbm>>
      %dma_start3A_35 = arith.constant 0 : i32
      %dma_start3A_36 = arith.constant 0 : i32
      %dma_start3A_37 = tpu.memref_slice %arg5[%add3A, %dma_start3A_35, %dma_start3A_36] : memref<32x125x80xi32, #tpu.memory_space<hbm>> -> memref<1x125x80xi32, #tpu.memory_space<hbm>>
      %dma_start3A_38 = tpu.memref_squeeze %dma_start3A_37 : memref<1x125x80xi32, #tpu.memory_space<hbm>> -> memref<125x80xi32, #tpu.memory_space<hbm>>
      tpu.enqueue_dma source(%dma_start3A_38 : memref<125x80xi32, #tpu.memory_space<hbm>>) target(%arg12 : memref<125x80xi32, #tpu.memory_space<vmem>>) target_semaphore(%run_scoped3A : memref<!tpu.dma_semaphore, #tpu.memory_space<semaphore_mem>>)
      %dma_wait3A = arith.constant 0 : i32
      %dma_wait3A_39 = arith.constant 0 : i32
      %dma_wait3A_40 = tpu.memref_slice %arg5[%add3A, %dma_wait3A, %dma_wait3A_39] : memref<32x125x80xi32, #tpu.memory_space<hbm>> -> memref<1x125x80xi32, #tpu.memory_space<hbm>>
      %dma_wait3A_41 = tpu.memref_squeeze %dma_wait3A_40 : memref<1x125x80xi32, #tpu.memory_space<hbm>> -> memref<125x80xi32, #tpu.memory_space<hbm>>
      %dma_wait3A_42 = arith.constant 0 : i32
      %dma_wait3A_43 = arith.constant 0 : i32
      %dma_wait3A_44 = tpu.memref_slice %arg5[%add3A, %dma_wait3A_42, %dma_wait3A_43] : memref<32x125x80xi32, #tpu.memory_space<hbm>> -> memref<1x125x80xi32, #tpu.memory_space<hbm>>
      %dma_wait3A_45 = tpu.memref_squeeze %dma_wait3A_44 : memref<1x125x80xi32, #tpu.memory_space<hbm>> -> memref<125x80xi32, #tpu.memory_space<hbm>>
      tpu.wait_dma2 semaphore(%run_scoped3A : memref<!tpu.dma_semaphore, #tpu.memory_space<semaphore_mem>>) src(%dma_wait3A_45 : memref<125x80xi32, #tpu.memory_space<hbm>>) dst(%arg12 : memref<125x80xi32, #tpu.memory_space<vmem>>)
      tpu.yield
    }) : () -> ()
    "tpu.region"() ({
      %run_scoped3A = tpu.sem_alloc : memref<!tpu.dma_semaphore, #tpu.memory_space<semaphore_mem>>
      tpu.enqueue_dma source(%arg6 : memref<16xf32, #tpu.memory_space<hbm>>) target(%arg14 : memref<16xf32, #tpu.memory_space<vmem>>) target_semaphore(%run_scoped3A : memref<!tpu.dma_semaphore, #tpu.memory_space<semaphore_mem>>)
      tpu.wait_dma2 semaphore(%run_scoped3A : memref<!tpu.dma_semaphore, #tpu.memory_space<semaphore_mem>>) src(%arg6 : memref<16xf32, #tpu.memory_space<hbm>>) dst(%arg14 : memref<16xf32, #tpu.memory_space<vmem>>)
      tpu.yield
    }) : () -> ()
    %get3A = arith.constant 0 : index
    %get3A_1 = tpu.vector_load %arg14[%get3A] {strides = array<i32>} : memref<16xf32, #tpu.memory_space<vmem>>, vector<16xf32>,
    %slice3A = vector.extract_strided_slice %get3A_1 {offsets = [0], sizes = [1], strides = [1]} : vector<16xf32> to vector<1xf32>
    %squeeze3A = vector.extract %slice3A[0] : f32 from vector<1xf32>
    %broadcast_in_dim3A = arith.constant -1.000000e+30 : f32
    %broadcast_in_dim3A_2 = vector.broadcast %broadcast_in_dim3A : f32 to vector<16xf32>
    %scan3A = arith.constant 0 : i32
    %scan3A_3 = arith.constant 125 : i32
    %scan3A_4 = arith.addi %scan3A, %scan3A_3 : i32
    %scan3A_5 = arith.constant 1 : i32
    %scan3A_6 = scf.for %scan3A_32 = %scan3A to %scan3A_4 step %scan3A_5 iter_args(%scan3A_33 = %broadcast_in_dim3A_2) -> (vector<16xf32>)  : i32 {
      %get3A_34 = arith.index_cast %scan3A_32 : i32 to index
      %get3A_35 = arith.constant 0 : index
      %get3A_36 = tpu.vector_load %arg11[%get3A_34, %get3A_35] {strides = array<i32>} : memref<125x80xi32, #tpu.memory_space<vmem>>, vector<16xi32>,
      %get3A_37 = arith.index_cast %scan3A_32 : i32 to index
      %get3A_38 = arith.constant 0 : index
      %get3A_39 = tpu.vector_load %arg12[%get3A_37, %get3A_38] {strides = array<i32>} : memref<125x80xi32, #tpu.memory_space<vmem>>, vector<16xi32>,
      %gather3A = tpu.vector_load_idx %arg9[%get3A_36] : memref<10000xf32, #tpu.memory_space<vmem>>[vector<16xi32>], vector<16xf32>,
      %gather3A_40 = tpu.vector_load_idx %arg10[%get3A_39] : memref<10000xf32, #tpu.memory_space<vmem>>[vector<16xi32>], vector<16xf32>,
      %add3A_41 = arith.addf %gather3A, %gather3A_40 : vector<16xf32>
      %add3A_42 = vector.broadcast %squeeze3A : f32 to vector<16xf32>
      %add3A_43 = arith.addf %add3A_41, %add3A_42 : vector<16xf32>
      %ge3A = arith.constant 0.000000e+00 : f32
      %ge3A_44 = vector.broadcast %ge3A : f32 to vector<16xf32>
      %ge3A_45 = arith.cmpf oge, %add3A_43, %ge3A_44 : vector<16xf32>
      %mul3A_46 = arith.constant 0.00999999977 : f32
      %mul3A_47 = vector.broadcast %mul3A_46 : f32 to vector<16xf32>
      %mul3A_48 = arith.mulf %add3A_43, %mul3A_47 : vector<16xf32>
      %select_n3A_49 = arith.select %ge3A_45, %add3A_43, %mul3A_48 : vector<16xi1>, vector<16xf32>
      %swap3A_50 = arith.index_cast %scan3A_32 : i32 to index
      %swap3A_51 = arith.constant 0 : index
      %swap3A_52 = tpu.vector_load %arg13[%swap3A_50, %swap3A_51] {strides = array<i32>} : memref<125x80xf32, #tpu.memory_space<vmem>>, vector<16xf32>,
      tpu.vector_store %arg13[%swap3A_50, %swap3A_51], %select_n3A_49 {strides = array<i32>} : memref<125x80xf32, #tpu.memory_space<vmem>>, vector<16xf32>,
      %max3A = arith.maximumf %scan3A_33, %select_n3A_49 : vector<16xf32>
      %get3A_53 = arith.index_cast %scan3A_32 : i32 to index
      %get3A_54 = arith.constant 16 : index
      %get3A_55 = tpu.vector_load %arg11[%get3A_53, %get3A_54] {strides = array<i32>} : memref<125x80xi32, #tpu.memory_space<vmem>>, vector<16xi32>,
      %get3A_56 = arith.index_cast %scan3A_32 : i32 to index
      %get3A_57 = arith.constant 16 : index
      %get3A_58 = tpu.vector_load %arg12[%get3A_56, %get3A_57] {strides = array<i32>} : memref<125x80xi32, #tpu.memory_space<vmem>>, vector<16xi32>,
      %gather3A_59 = tpu.vector_load_idx %arg9[%get3A_55] : memref<10000xf32, #tpu.memory_space<vmem>>[vector<16xi32>], vector<16xf32>,
      %gather3A_60 = tpu.vector_load_idx %arg10[%get3A_58] : memref<10000xf32, #tpu.memory_space<vmem>>[vector<16xi32>], vector<16xf32>,
      %add3A_61 = arith.addf %gather3A_59, %gather3A_60 : vector<16xf32>
      %add3A_62 = vector.broadcast %squeeze3A : f32 to vector<16xf32>
      %add3A_63 = arith.addf %add3A_61, %add3A_62 : vector<16xf32>
      %ge3A_64 = arith.constant 0.000000e+00 : f32
      %ge3A_65 = vector.broadcast %ge3A_64 : f32 to vector<16xf32>
      %ge3A_66 = arith.cmpf oge, %add3A_63, %ge3A_65 : vector<16xf32>
      %mul3A_67 = arith.constant 0.00999999977 : f32
      %mul3A_68 = vector.broadcast %mul3A_67 : f32 to vector<16xf32>
      %mul3A_69 = arith.mulf %add3A_63, %mul3A_68 : vector<16xf32>
      %select_n3A_70 = arith.select %ge3A_66, %add3A_63, %mul3A_69 : vector<16xi1>, vector<16xf32>
      %swap3A_71 = arith.index_cast %scan3A_32 : i32 to index
      %swap3A_72 = arith.constant 16 : index
      %swap3A_73 = tpu.vector_load %arg13[%swap3A_71, %swap3A_72] {strides = array<i32>} : memref<125x80xf32, #tpu.memory_space<vmem>>, vector<16xf32>,
      tpu.vector_store %arg13[%swap3A_71, %swap3A_72], %select_n3A_70 {strides = array<i32>} : memref<125x80xf32, #tpu.memory_space<vmem>>, vector<16xf32>,
      %max3A_74 = arith.maximumf %max3A, %select_n3A_70 : vector<16xf32>
      %get3A_75 = arith.index_cast %scan3A_32 : i32 to index
      %get3A_76 = arith.constant 32 : index
      %get3A_77 = tpu.vector_load %arg11[%get3A_75, %get3A_76] {strides = array<i32>} : memref<125x80xi32, #tpu.memory_space<vmem>>, vector<16xi32>,
      %get3A_78 = arith.index_cast %scan3A_32 : i32 to index
      %get3A_79 = arith.constant 32 : index
      %get3A_80 = tpu.vector_load %arg12[%get3A_78, %get3A_79] {strides = array<i32>} : memref<125x80xi32, #tpu.memory_space<vmem>>, vector<16xi32>,
      %gather3A_81 = tpu.vector_load_idx %arg9[%get3A_77] : memref<10000xf32, #tpu.memory_space<vmem>>[vector<16xi32>], vector<16xf32>,
      %gather3A_82 = tpu.vector_load_idx %arg10[%get3A_80] : memref<10000xf32, #tpu.memory_space<vmem>>[vector<16xi32>], vector<16xf32>,
      %add3A_83 = arith.addf %gather3A_81, %gather3A_82 : vector<16xf32>
      %add3A_84 = vector.broadcast %squeeze3A : f32 to vector<16xf32>
      %add3A_85 = arith.addf %add3A_83, %add3A_84 : vector<16xf32>
      %ge3A_86 = arith.constant 0.000000e+00 : f32
      %ge3A_87 = vector.broadcast %ge3A_86 : f32 to vector<16xf32>
      %ge3A_88 = arith.cmpf oge, %add3A_85, %ge3A_87 : vector<16xf32>
      %mul3A_89 = arith.constant 0.00999999977 : f32
      %mul3A_90 = vector.broadcast %mul3A_89 : f32 to vector<16xf32>
      %mul3A_91 = arith.mulf %add3A_85, %mul3A_90 : vector<16xf32>
      %select_n3A_92 = arith.select %ge3A_88, %add3A_85, %mul3A_91 : vector<16xi1>, vector<16xf32>
      %swap3A_93 = arith.index_cast %scan3A_32 : i32 to index
      %swap3A_94 = arith.constant 32 : index
      %swap3A_95 = tpu.vector_load %arg13[%swap3A_93, %swap3A_94] {strides = array<i32>} : memref<125x80xf32, #tpu.memory_space<vmem>>, vector<16xf32>,
      tpu.vector_store %arg13[%swap3A_93, %swap3A_94], %select_n3A_92 {strides = array<i32>} : memref<125x80xf32, #tpu.memory_space<vmem>>, vector<16xf32>,
      %max3A_96 = arith.maximumf %max3A_74, %select_n3A_92 : vector<16xf32>
      %get3A_97 = arith.index_cast %scan3A_32 : i32 to index
      %get3A_98 = arith.constant 48 : index
      %get3A_99 = tpu.vector_load %arg11[%get3A_97, %get3A_98] {strides = array<i32>} : memref<125x80xi32, #tpu.memory_space<vmem>>, vector<16xi32>,
      %get3A_100 = arith.index_cast %scan3A_32 : i32 to index
      %get3A_101 = arith.constant 48 : index
      %get3A_102 = tpu.vector_load %arg12[%get3A_100, %get3A_101] {strides = array<i32>} : memref<125x80xi32, #tpu.memory_space<vmem>>, vector<16xi32>,
      %gather3A_103 = tpu.vector_load_idx %arg9[%get3A_99] : memref<10000xf32, #tpu.memory_space<vmem>>[vector<16xi32>], vector<16xf32>,
      %gather3A_104 = tpu.vector_load_idx %arg10[%get3A_102] : memref<10000xf32, #tpu.memory_space<vmem>>[vector<16xi32>], vector<16xf32>,
      %add3A_105 = arith.addf %gather3A_103, %gather3A_104 : vector<16xf32>
      %add3A_106 = vector.broadcast %squeeze3A : f32 to vector<16xf32>
      %add3A_107 = arith.addf %add3A_105, %add3A_106 : vector<16xf32>
      %ge3A_108 = arith.constant 0.000000e+00 : f32
      %ge3A_109 = vector.broadcast %ge3A_108 : f32 to vector<16xf32>
      %ge3A_110 = arith.cmpf oge, %add3A_107, %ge3A_109 : vector<16xf32>
      %mul3A_111 = arith.constant 0.00999999977 : f32
      %mul3A_112 = vector.broadcast %mul3A_111 : f32 to vector<16xf32>
      %mul3A_113 = arith.mulf %add3A_107, %mul3A_112 : vector<16xf32>
      %select_n3A_114 = arith.select %ge3A_110, %add3A_107, %mul3A_113 : vector<16xi1>, vector<16xf32>
      %swap3A_115 = arith.index_cast %scan3A_32 : i32 to index
      %swap3A_116 = arith.constant 48 : index
      %swap3A_117 = tpu.vector_load %arg13[%swap3A_115, %swap3A_116] {strides = array<i32>} : memref<125x80xf32, #tpu.memory_space<vmem>>, vector<16xf32>,
      tpu.vector_store %arg13[%swap3A_115, %swap3A_116], %select_n3A_114 {strides = array<i32>} : memref<125x80xf32, #tpu.memory_space<vmem>>, vector<16xf32>,
      %max3A_118 = arith.maximumf %max3A_96, %select_n3A_114 : vector<16xf32>
      %get3A_119 = arith.index_cast %scan3A_32 : i32 to index
      %get3A_120 = arith.constant 64 : index
      %get3A_121 = tpu.vector_load %arg11[%get3A_119, %get3A_120] {strides = array<i32>} : memref<125x80xi32, #tpu.memory_space<vmem>>, vector<16xi32>,
      %get3A_122 = arith.index_cast %scan3A_32 : i32 to index
      %get3A_123 = arith.constant 64 : index
      %get3A_124 = tpu.vector_load %arg12[%get3A_122, %get3A_123] {strides = array<i32>} : memref<125x80xi32, #tpu.memory_space<vmem>>, vector<16xi32>,
      %gather3A_125 = tpu.vector_load_idx %arg9[%get3A_121] : memref<10000xf32, #tpu.memory_space<vmem>>[vector<16xi32>], vector<16xf32>,
      %gather3A_126 = tpu.vector_load_idx %arg10[%get3A_124] : memref<10000xf32, #tpu.memory_space<vmem>>[vector<16xi32>], vector<16xf32>,
      %add3A_127 = arith.addf %gather3A_125, %gather3A_126 : vector<16xf32>
      %add3A_128 = vector.broadcast %squeeze3A : f32 to vector<16xf32>
      %add3A_129 = arith.addf %add3A_127, %add3A_128 : vector<16xf32>
      %ge3A_130 = arith.constant 0.000000e+00 : f32
      %ge3A_131 = vector.broadcast %ge3A_130 : f32 to vector<16xf32>
      %ge3A_132 = arith.cmpf oge, %add3A_129, %ge3A_131 : vector<16xf32>
      %mul3A_133 = arith.constant 0.00999999977 : f32
      %mul3A_134 = vector.broadcast %mul3A_133 : f32 to vector<16xf32>
      %mul3A_135 = arith.mulf %add3A_129, %mul3A_134 : vector<16xf32>
      %select_n3A_136 = arith.select %ge3A_132, %add3A_129, %mul3A_135 : vector<16xi1>, vector<16xf32>
      %swap3A_137 = arith.index_cast %scan3A_32 : i32 to index
      %swap3A_138 = arith.constant 64 : index
      %swap3A_139 = tpu.vector_load %arg13[%swap3A_137, %swap3A_138] {strides = array<i32>} : memref<125x80xf32, #tpu.memory_space<vmem>>, vector<16xf32>,
      tpu.vector_store %arg13[%swap3A_137, %swap3A_138], %select_n3A_136 {strides = array<i32>} : memref<125x80xf32, #tpu.memory_space<vmem>>, vector<16xf32>,
      %max3A_140 = arith.maximumf %max3A_118, %select_n3A_136 : vector<16xf32>
      scf.yield %max3A_140 : vector<16xf32>
    }
    %scan3A_7 = arith.constant 125 : i32
    %reduce_max3A = arith.constant true
    %reduce_max3A_8 = vector.broadcast %reduce_max3A : i1 to vector<16xi1>
    %reduce_max3A_9 = tpu.scan <max>, %scan3A_6 masked %reduce_max3A_8 : vector<16xf32>, vector<16xi1> -> vector<16xf32>
    %reduce_max3A_10 = vector.extract %reduce_max3A_9[15] : f32 from vector<16xf32>
    %broadcast_in_dim3A_11 = arith.constant 0.000000e+00 : f32
    %broadcast_in_dim3A_12 = vector.broadcast %broadcast_in_dim3A_11 : f32 to vector<16xf32>
    %scan3A_13 = arith.constant 0 : i32
    %scan3A_14 = arith.constant 125 : i32
    %scan3A_15 = arith.addi %scan3A_13, %scan3A_14 : i32
    %scan3A_16 = arith.constant 1 : i32
    %scan3A_17 = scf.for %scan3A_32 = %scan3A_13 to %scan3A_15 step %scan3A_16 iter_args(%scan3A_33 = %broadcast_in_dim3A_12) -> (vector<16xf32>)  : i32 {
      %get3A_34 = arith.index_cast %scan3A_32 : i32 to index
      %get3A_35 = arith.constant 0 : index
      %get3A_36 = tpu.vector_load %arg13[%get3A_34, %get3A_35] {strides = array<i32>} : memref<125x80xf32, #tpu.memory_space<vmem>>, vector<16xf32>,
      %sub3A = vector.broadcast %reduce_max3A_10 : f32 to vector<16xf32>
      %sub3A_37 = arith.subf %get3A_36, %sub3A : vector<16xf32>
      %exp3A = math.exp %sub3A_37 : vector<16xf32>
      %add3A_38 = arith.addf %scan3A_33, %exp3A : vector<16xf32>
      %get3A_39 = arith.index_cast %scan3A_32 : i32 to index
      %get3A_40 = arith.constant 16 : index
      %get3A_41 = tpu.vector_load %arg13[%get3A_39, %get3A_40] {strides = array<i32>} : memref<125x80xf32, #tpu.memory_space<vmem>>, vector<16xf32>,
      %sub3A_42 = vector.broadcast %reduce_max3A_10 : f32 to vector<16xf32>
      %sub3A_43 = arith.subf %get3A_41, %sub3A_42 : vector<16xf32>
      %exp3A_44 = math.exp %sub3A_43 : vector<16xf32>
      %add3A_45 = arith.addf %add3A_38, %exp3A_44 : vector<16xf32>
      %get3A_46 = arith.index_cast %scan3A_32 : i32 to index
      %get3A_47 = arith.constant 32 : index
      %get3A_48 = tpu.vector_load %arg13[%get3A_46, %get3A_47] {strides = array<i32>} : memref<125x80xf32, #tpu.memory_space<vmem>>, vector<16xf32>,
      %sub3A_49 = vector.broadcast %reduce_max3A_10 : f32 to vector<16xf32>
      %sub3A_50 = arith.subf %get3A_48, %sub3A_49 : vector<16xf32>
      %exp3A_51 = math.exp %sub3A_50 : vector<16xf32>
      %add3A_52 = arith.addf %add3A_45, %exp3A_51 : vector<16xf32>
      %get3A_53 = arith.index_cast %scan3A_32 : i32 to index
      %get3A_54 = arith.constant 48 : index
      %get3A_55 = tpu.vector_load %arg13[%get3A_53, %get3A_54] {strides = array<i32>} : memref<125x80xf32, #tpu.memory_space<vmem>>, vector<16xf32>,
      %sub3A_56 = vector.broadcast %reduce_max3A_10 : f32 to vector<16xf32>
      %sub3A_57 = arith.subf %get3A_55, %sub3A_56 : vector<16xf32>
      %exp3A_58 = math.exp %sub3A_57 : vector<16xf32>
      %add3A_59 = arith.addf %add3A_52, %exp3A_58 : vector<16xf32>
      %get3A_60 = arith.index_cast %scan3A_32 : i32 to index
      %get3A_61 = arith.constant 64 : index
      %get3A_62 = tpu.vector_load %arg13[%get3A_60, %get3A_61] {strides = array<i32>} : memref<125x80xf32, #tpu.memory_space<vmem>>, vector<16xf32>,
      %sub3A_63 = vector.broadcast %reduce_max3A_10 : f32 to vector<16xf32>
      %sub3A_64 = arith.subf %get3A_62, %sub3A_63 : vector<16xf32>
      %exp3A_65 = math.exp %sub3A_64 : vector<16xf32>
      %add3A_66 = arith.addf %add3A_59, %exp3A_65 : vector<16xf32>
      scf.yield %add3A_66 : vector<16xf32>
    }
    %scan3A_18 = arith.constant 125 : i32
    %reduce_sum3A = arith.constant true
    %reduce_sum3A_19 = vector.broadcast %reduce_sum3A : i1 to vector<16xi1>
    %reduce_sum3A_20 = tpu.scan <sum>, %scan3A_17 masked %reduce_sum3A_19 : vector<16xf32>, vector<16xi1> -> vector<16xf32>
    %reduce_sum3A_21 = vector.extract %reduce_sum3A_20[15] : f32 from vector<16xf32>
    "tpu.region"() ({
      %run_scoped3A = tpu.sem_alloc : memref<!tpu.dma_semaphore, #tpu.memory_space<semaphore_mem>>
      %dma_start3A = arith.constant 0 : i32
      %dma_start3A_32 = arith.constant 0 : i32
      %dma_start3A_33 = tpu.memref_slice %arg7[%add3A, %dma_start3A, %dma_start3A_32] : memref<32x125x80xf32, #tpu.memory_space<hbm>> -> memref<1x125x80xf32, #tpu.memory_space<hbm>>
      %dma_start3A_34 = tpu.memref_squeeze %dma_start3A_33 : memref<1x125x80xf32, #tpu.memory_space<hbm>> -> memref<125x80xf32, #tpu.memory_space<hbm>>
      %dma_start3A_35 = arith.constant 0 : i32
      %dma_start3A_36 = arith.constant 0 : i32
      %dma_start3A_37 = tpu.memref_slice %arg7[%add3A, %dma_start3A_35, %dma_start3A_36] : memref<32x125x80xf32, #tpu.memory_space<hbm>> -> memref<1x125x80xf32, #tpu.memory_space<hbm>>
      %dma_start3A_38 = tpu.memref_squeeze %dma_start3A_37 : memref<1x125x80xf32, #tpu.memory_space<hbm>> -> memref<125x80xf32, #tpu.memory_space<hbm>>
      tpu.enqueue_dma source(%arg13 : memref<125x80xf32, #tpu.memory_space<vmem>>) target(%dma_start3A_38 : memref<125x80xf32, #tpu.memory_space<hbm>>) target_semaphore(%run_scoped3A : memref<!tpu.dma_semaphore, #tpu.memory_space<semaphore_mem>>)
      %dma_wait3A = arith.constant 0 : i32
      %dma_wait3A_39 = arith.constant 0 : i32
      %dma_wait3A_40 = tpu.memref_slice %arg7[%add3A, %dma_wait3A, %dma_wait3A_39] : memref<32x125x80xf32, #tpu.memory_space<hbm>> -> memref<1x125x80xf32, #tpu.memory_space<hbm>>
      %dma_wait3A_41 = tpu.memref_squeeze %dma_wait3A_40 : memref<1x125x80xf32, #tpu.memory_space<hbm>> -> memref<125x80xf32, #tpu.memory_space<hbm>>
      %dma_wait3A_42 = arith.constant 0 : i32
      %dma_wait3A_43 = arith.constant 0 : i32
      %dma_wait3A_44 = tpu.memref_slice %arg7[%add3A, %dma_wait3A_42, %dma_wait3A_43] : memref<32x125x80xf32, #tpu.memory_space<hbm>> -> memref<1x125x80xf32, #tpu.memory_space<hbm>>
      %dma_wait3A_45 = tpu.memref_squeeze %dma_wait3A_44 : memref<1x125x80xf32, #tpu.memory_space<hbm>> -> memref<125x80xf32, #tpu.memory_space<hbm>>
      tpu.wait_dma2 semaphore(%run_scoped3A : memref<!tpu.dma_semaphore, #tpu.memory_space<semaphore_mem>>) src(%arg13 : memref<125x80xf32, #tpu.memory_space<vmem>>) dst(%dma_wait3A_45 : memref<125x80xf32, #tpu.memory_space<hbm>>)
      tpu.yield
    }) : () -> ()
    %iota3A = tpu.iota {dimensions = array<i32: 0>} : vector<16xi32>
    %eq3A = arith.constant 0 : i32
    %eq3A_22 = vector.broadcast %eq3A : i32 to vector<16xi32>
    %eq3A_23 = arith.cmpi eq, %iota3A, %eq3A_22 : vector<16xi32>
    %eq3A_24 = arith.constant 1 : i32
    %eq3A_25 = vector.broadcast %eq3A_24 : i32 to vector<16xi32>
    %eq3A_26 = arith.cmpi eq, %iota3A, %eq3A_25 : vector<16xi32>
    %jit3A = arith.constant 0.000000e+00 : f32
    %broadcast_in_dim3A_27 = vector.broadcast %reduce_sum3A_21 : f32 to vector<16xf32>
    %broadcast_in_dim3A_28 = vector.broadcast %jit3A : f32 to vector<16xf32>
    %select_n3A = arith.select %eq3A_26, %broadcast_in_dim3A_27, %broadcast_in_dim3A_28 : vector<16xi1>, vector<16xf32>
    %broadcast_in_dim3A_29 = vector.broadcast %reduce_max3A_10 : f32 to vector<16xf32>
    %select_n3A_30 = arith.select %eq3A_23, %broadcast_in_dim3A_29, %select_n3A : vector<16xi1>, vector<16xf32>
    %swap3A = arith.constant 0 : index
    %swap3A_31 = tpu.vector_load %arg15[%swap3A] {strides = array<i32>} : memref<16xf32, #tpu.memory_space<vmem>>, vector<16xf32>,
    tpu.vector_store %arg15[%swap3A], %select_n3A_30 {strides = array<i32>} : memref<16xf32, #tpu.memory_space<vmem>>, vector<16xf32>,
    "tpu.region"() ({
      %run_scoped3A = tpu.sem_alloc : memref<!tpu.dma_semaphore, #tpu.memory_space<semaphore_mem>>
      %dma_start3A = arith.constant 0 : i32
      %dma_start3A_32 = tpu.memref_slice %arg8[%add3A, %dma_start3A] : memref<32x16xf32, #tpu.memory_space<hbm>> -> memref<1x16xf32, #tpu.memory_space<hbm>>
      %dma_start3A_33 = tpu.memref_squeeze %dma_start3A_32 : memref<1x16xf32, #tpu.memory_space<hbm>> -> memref<16xf32, #tpu.memory_space<hbm>>
      %dma_start3A_34 = arith.constant 0 : i32
      %dma_start3A_35 = tpu.memref_slice %arg8[%add3A, %dma_start3A_34] : memref<32x16xf32, #tpu.memory_space<hbm>> -> memref<1x16xf32, #tpu.memory_space<hbm>>
      %dma_start3A_36 = tpu.memref_squeeze %dma_start3A_35 : memref<1x16xf32, #tpu.memory_space<hbm>> -> memref<16xf32, #tpu.memory_space<hbm>>
      tpu.enqueue_dma source(%arg15 : memref<16xf32, #tpu.memory_space<vmem>>) target(%dma_start3A_36 : memref<16xf32, #tpu.memory_space<hbm>>) target_semaphore(%run_scoped3A : memref<!tpu.dma_semaphore, #tpu.memory_space<semaphore_mem>>)
      %dma_wait3A = arith.constant 0 : i32
      %dma_wait3A_37 = tpu.memref_slice %arg8[%add3A, %dma_wait3A] : memref<32x16xf32, #tpu.memory_space<hbm>> -> memref<1x16xf32, #tpu.memory_space<hbm>>
      %dma_wait3A_38 = tpu.memref_squeeze %dma_wait3A_37 : memref<1x16xf32, #tpu.memory_space<hbm>> -> memref<16xf32, #tpu.memory_space<hbm>>
      %dma_wait3A_39 = arith.constant 0 : i32
      %dma_wait3A_40 = tpu.memref_slice %arg8[%add3A, %dma_wait3A_39] : memref<32x16xf32, #tpu.memory_space<hbm>> -> memref<1x16xf32, #tpu.memory_space<hbm>>
      %dma_wait3A_41 = tpu.memref_squeeze %dma_wait3A_40 : memref<1x16xf32, #tpu.memory_space<hbm>> -> memref<16xf32, #tpu.memory_space<hbm>>
      tpu.wait_dma2 semaphore(%run_scoped3A : memref<!tpu.dma_semaphore, #tpu.memory_space<semaphore_mem>>) src(%arg15 : memref<16xf32, #tpu.memory_space<vmem>>) dst(%dma_wait3A_41 : memref<16xf32, #tpu.memory_space<hbm>>)
      tpu.yield
    }) : () -> ()
    return
  }
}

#map = affine_map<(d0, d1) -> (0, 0)>
#map1 = affine_map<(d0, d1) -> (0, 0, 0, 0)>
#map2 = affine_map<(d0, d1) -> (0)>
#map3 = affine_map<(d0, d1) -> (0, 0, 0, 0, 0)>
module attributes {stable_mosaic.version = 14 : i64} {
  func.func @_gat_scatter_body(%arg0: i32, %arg1: i32, %arg2: memref<10000x128xf32, #tpu.memory_space<hbm>>, %arg3: memref<32x127x1x80xi32, #tpu.memory_space<hbm>>, %arg4: memref<32x127x1x80xi32, #tpu.memory_space<hbm>>, %arg5: memref<32x127x1x80xf32, #tpu.memory_space<hbm>>, %arg6: memref<16xf32, #tpu.memory_space<hbm>>, %arg7: memref<2x16x5x125x128xf32, #tpu.memory_space<hbm>>, %arg8: memref<80x128xf32, #tpu.memory_space<vmem>>, %arg9: memref<80x128xf32, #tpu.memory_space<vmem>>, %arg10: memref<1x80xi32, #tpu.memory_space<vmem>>, %arg11: memref<1x80xi32, #tpu.memory_space<vmem>>, %arg12: memref<1x80xi32, #tpu.memory_space<vmem>>, %arg13: memref<1x80xi32, #tpu.memory_space<vmem>>, %arg14: memref<1x80xf32, #tpu.memory_space<vmem>>, %arg15: memref<1x80xf32, #tpu.memory_space<vmem>>, %arg16: memref<80xf32, #tpu.memory_space<vmem>>, %arg17: memref<80xf32, #tpu.memory_space<vmem>>, %arg18: memref<25x128xf32, #tpu.memory_space<vmem>>, %arg19: memref<16xf32, #tpu.memory_space<vmem>>, %arg20: memref<10000x128xf32, #tpu.memory_space<vmem_shared>>, %arg21: memref<!tpu.dma_semaphore, #tpu.memory_space<semaphore_mem>>, %arg22: memref<!tpu.dma_semaphore, #tpu.memory_space<semaphore_mem>>, %arg23: memref<!tpu.dma_semaphore, #tpu.memory_space<semaphore_mem>>, %arg24: memref<!tpu.dma_semaphore, #tpu.memory_space<semaphore_mem>>, %arg25: memref<!tpu.dma_semaphore, #tpu.memory_space<semaphore_mem>>, %arg26: memref<!tpu.dma_semaphore, #tpu.memory_space<semaphore_mem>>) attributes {dimension_semantics = [#tpu.dimension_semantics<core_parallel>, #tpu.dimension_semantics<subcore_parallel>], iteration_bounds = array<i64: 2, 16>, scalar_prefetch = 0 : i64, scratch_operands = 19 : i64, tpu.core_type = #tpu.core_type<sc_vector_subcore>, window_params = [{transform_indices = #map}, {transform_indices = #map1}, {transform_indices = #map1}, {transform_indices = #map1}, {transform_indices = #map2}, {transform_indices = #map3}]} {
    %mul3A = arith.constant 2 : i32
    %mul3A_0 = arith.muli %arg1, %mul3A : i32
    %add3A = arith.addi %mul3A_0, %arg0 : i32
    "tpu.region"() ({
      %run_scoped3A_333 = tpu.sem_alloc : memref<!tpu.dma_semaphore, #tpu.memory_space<semaphore_mem>>
      tpu.enqueue_dma source(%arg6 : memref<16xf32, #tpu.memory_space<hbm>>) target(%arg19 : memref<16xf32, #tpu.memory_space<vmem>>) target_semaphore(%run_scoped3A_333 : memref<!tpu.dma_semaphore, #tpu.memory_space<semaphore_mem>>)
      tpu.wait_dma2 semaphore(%run_scoped3A_333 : memref<!tpu.dma_semaphore, #tpu.memory_space<semaphore_mem>>) src(%arg6 : memref<16xf32, #tpu.memory_space<hbm>>) dst(%arg19 : memref<16xf32, #tpu.memory_space<vmem>>)
      tpu.yield
    }) : () -> ()
    %get3A = arith.constant 0 : index
    %get3A_1 = tpu.vector_load %arg19[%get3A] {strides = array<i32>} : memref<16xf32, #tpu.memory_space<vmem>>, vector<16xf32>,
    %slice3A = vector.extract_strided_slice %get3A_1 {offsets = [0], sizes = [1], strides = [1]} : vector<16xf32> to vector<1xf32>
    %squeeze3A = vector.extract %slice3A[0] : f32 from vector<1xf32>
    %slice3A_2 = vector.extract_strided_slice %get3A_1 {offsets = [1], sizes = [1], strides = [1]} : vector<16xf32> to vector<1xf32>
    %squeeze3A_3 = vector.extract %slice3A_2[0] : f32 from vector<1xf32>
    %broadcast_in_dim3A = arith.constant 0.000000e+00 : f32
    %broadcast_in_dim3A_4 = vector.broadcast %broadcast_in_dim3A : f32 to vector<16xf32>
    %scan3A = arith.constant 0 : i32
    %scan3A_5 = arith.constant 0 : i32
    %scan3A_6 = arith.constant 25 : i32
    %scan3A_7 = arith.addi %scan3A_5, %scan3A_6 : i32
    %scan3A_8 = arith.constant 1 : i32
    scf.for %scan3A_333 = %scan3A_5 to %scan3A_7 step %scan3A_8  : i32 {
      %swap3A_334 = arith.index_cast %scan3A_333 : i32 to index
      %swap3A_335 = arith.constant 0 : index
      %swap3A_336 = tpu.vector_load %arg18[%swap3A_334, %swap3A_335] {strides = array<i32>} : memref<25x128xf32, #tpu.memory_space<vmem>>, vector<16xf32>,
      tpu.vector_store %arg18[%swap3A_334, %swap3A_335], %broadcast_in_dim3A_4 {strides = array<i32>} : memref<25x128xf32, #tpu.memory_space<vmem>>, vector<16xf32>,
      %swap3A_337 = arith.index_cast %scan3A_333 : i32 to index
      %swap3A_338 = arith.constant 16 : index
      %swap3A_339 = tpu.vector_load %arg18[%swap3A_337, %swap3A_338] {strides = array<i32>} : memref<25x128xf32, #tpu.memory_space<vmem>>, vector<16xf32>,
      tpu.vector_store %arg18[%swap3A_337, %swap3A_338], %broadcast_in_dim3A_4 {strides = array<i32>} : memref<25x128xf32, #tpu.memory_space<vmem>>, vector<16xf32>,
      %swap3A_340 = arith.index_cast %scan3A_333 : i32 to index
      %swap3A_341 = arith.constant 32 : index
      %swap3A_342 = tpu.vector_load %arg18[%swap3A_340, %swap3A_341] {strides = array<i32>} : memref<25x128xf32, #tpu.memory_space<vmem>>, vector<16xf32>,
      tpu.vector_store %arg18[%swap3A_340, %swap3A_341], %broadcast_in_dim3A_4 {strides = array<i32>} : memref<25x128xf32, #tpu.memory_space<vmem>>, vector<16xf32>,
      %swap3A_343 = arith.index_cast %scan3A_333 : i32 to index
      %swap3A_344 = arith.constant 48 : index
      %swap3A_345 = tpu.vector_load %arg18[%swap3A_343, %swap3A_344] {strides = array<i32>} : memref<25x128xf32, #tpu.memory_space<vmem>>, vector<16xf32>,
      tpu.vector_store %arg18[%swap3A_343, %swap3A_344], %broadcast_in_dim3A_4 {strides = array<i32>} : memref<25x128xf32, #tpu.memory_space<vmem>>, vector<16xf32>,
      %swap3A_346 = arith.index_cast %scan3A_333 : i32 to index
      %swap3A_347 = arith.constant 64 : index
      %swap3A_348 = tpu.vector_load %arg18[%swap3A_346, %swap3A_347] {strides = array<i32>} : memref<25x128xf32, #tpu.memory_space<vmem>>, vector<16xf32>,
      tpu.vector_store %arg18[%swap3A_346, %swap3A_347], %broadcast_in_dim3A_4 {strides = array<i32>} : memref<25x128xf32, #tpu.memory_space<vmem>>, vector<16xf32>,
      %swap3A_349 = arith.index_cast %scan3A_333 : i32 to index
      %swap3A_350 = arith.constant 80 : index
      %swap3A_351 = tpu.vector_load %arg18[%swap3A_349, %swap3A_350] {strides = array<i32>} : memref<25x128xf32, #tpu.memory_space<vmem>>, vector<16xf32>,
      tpu.vector_store %arg18[%swap3A_349, %swap3A_350], %broadcast_in_dim3A_4 {strides = array<i32>} : memref<25x128xf32, #tpu.memory_space<vmem>>, vector<16xf32>,
      %swap3A_352 = arith.index_cast %scan3A_333 : i32 to index
      %swap3A_353 = arith.constant 96 : index
      %swap3A_354 = tpu.vector_load %arg18[%swap3A_352, %swap3A_353] {strides = array<i32>} : memref<25x128xf32, #tpu.memory_space<vmem>>, vector<16xf32>,
      tpu.vector_store %arg18[%swap3A_352, %swap3A_353], %broadcast_in_dim3A_4 {strides = array<i32>} : memref<25x128xf32, #tpu.memory_space<vmem>>, vector<16xf32>,
      %swap3A_355 = arith.index_cast %scan3A_333 : i32 to index
      %swap3A_356 = arith.constant 112 : index
      %swap3A_357 = tpu.vector_load %arg18[%swap3A_355, %swap3A_356] {strides = array<i32>} : memref<25x128xf32, #tpu.memory_space<vmem>>, vector<16xf32>,
      tpu.vector_store %arg18[%swap3A_355, %swap3A_356], %broadcast_in_dim3A_4 {strides = array<i32>} : memref<25x128xf32, #tpu.memory_space<vmem>>, vector<16xf32>,
    }
    %scan3A_9 = arith.constant 25 : i32
    %mul3A_10 = arith.constant 625 : i32
    %mul3A_11 = arith.muli %arg1, %mul3A_10 : i32
    %add3A_12 = arith.constant 0 : i32
    %add3A_13 = arith.addi %mul3A_11, %add3A_12 : i32
    "tpu.region"() ({
      %run_scoped3A_333 = tpu.sem_alloc : memref<!tpu.dma_semaphore, #tpu.memory_space<semaphore_mem>>
      %dma_start3A_334 = arith.constant 0 : i32
      %dma_start3A_335 = tpu.memref_slice %arg20[%add3A_13, %dma_start3A_334] : memref<10000x128xf32, #tpu.memory_space<vmem_shared>> -> memref<25x128xf32, #tpu.memory_space<vmem_shared>>
      %dma_start3A_336 = arith.constant 0 : i32
      %dma_start3A_337 = tpu.memref_slice %arg20[%add3A_13, %dma_start3A_336] : memref<10000x128xf32, #tpu.memory_space<vmem_shared>> -> memref<25x128xf32, #tpu.memory_space<vmem_shared>>
      tpu.enqueue_dma source(%arg18 : memref<25x128xf32, #tpu.memory_space<vmem>>) target(%dma_start3A_337 : memref<25x128xf32, #tpu.memory_space<vmem_shared>>) target_semaphore(%run_scoped3A_333 : memref<!tpu.dma_semaphore, #tpu.memory_space<semaphore_mem>>)
      %dma_wait3A_338 = arith.constant 0 : i32
      %dma_wait3A_339 = tpu.memref_slice %arg20[%add3A_13, %dma_wait3A_338] : memref<10000x128xf32, #tpu.memory_space<vmem_shared>> -> memref<25x128xf32, #tpu.memory_space<vmem_shared>>
      %dma_wait3A_340 = arith.constant 0 : i32
      %dma_wait3A_341 = tpu.memref_slice %arg20[%add3A_13, %dma_wait3A_340] : memref<10000x128xf32, #tpu.memory_space<vmem_shared>> -> memref<25x128xf32, #tpu.memory_space<vmem_shared>>
      tpu.wait_dma2 semaphore(%run_scoped3A_333 : memref<!tpu.dma_semaphore, #tpu.memory_space<semaphore_mem>>) src(%arg18 : memref<25x128xf32, #tpu.memory_space<vmem>>) dst(%dma_wait3A_341 : memref<25x128xf32, #tpu.memory_space<vmem_shared>>)
      tpu.yield
    }) : () -> ()
    %mul3A_14 = arith.constant 625 : i32
    %mul3A_15 = arith.muli %arg1, %mul3A_14 : i32
    %add3A_16 = arith.constant 25 : i32
    %add3A_17 = arith.addi %mul3A_15, %add3A_16 : i32
    "tpu.region"() ({
      %run_scoped3A_333 = tpu.sem_alloc : memref<!tpu.dma_semaphore, #tpu.memory_space<semaphore_mem>>
      %dma_start3A_334 = arith.constant 0 : i32
      %dma_start3A_335 = tpu.memref_slice %arg20[%add3A_17, %dma_start3A_334] : memref<10000x128xf32, #tpu.memory_space<vmem_shared>> -> memref<25x128xf32, #tpu.memory_space<vmem_shared>>
      %dma_start3A_336 = arith.constant 0 : i32
      %dma_start3A_337 = tpu.memref_slice %arg20[%add3A_17, %dma_start3A_336] : memref<10000x128xf32, #tpu.memory_space<vmem_shared>> -> memref<25x128xf32, #tpu.memory_space<vmem_shared>>
      tpu.enqueue_dma source(%arg18 : memref<25x128xf32, #tpu.memory_space<vmem>>) target(%dma_start3A_337 : memref<25x128xf32, #tpu.memory_space<vmem_shared>>) target_semaphore(%run_scoped3A_333 : memref<!tpu.dma_semaphore, #tpu.memory_space<semaphore_mem>>)
      %dma_wait3A_338 = arith.constant 0 : i32
      %dma_wait3A_339 = tpu.memref_slice %arg20[%add3A_17, %dma_wait3A_338] : memref<10000x128xf32, #tpu.memory_space<vmem_shared>> -> memref<25x128xf32, #tpu.memory_space<vmem_shared>>
      %dma_wait3A_340 = arith.constant 0 : i32
      %dma_wait3A_341 = tpu.memref_slice %arg20[%add3A_17, %dma_wait3A_340] : memref<10000x128xf32, #tpu.memory_space<vmem_shared>> -> memref<25x128xf32, #tpu.memory_space<vmem_shared>>
      tpu.wait_dma2 semaphore(%run_scoped3A_333 : memref<!tpu.dma_semaphore, #tpu.memory_space<semaphore_mem>>) src(%arg18 : memref<25x128xf32, #tpu.memory_space<vmem>>) dst(%dma_wait3A_341 : memref<25x128xf32, #tpu.memory_space<vmem_shared>>)
      tpu.yield
    }) : () -> ()
    %mul3A_18 = arith.constant 625 : i32
    %mul3A_19 = arith.muli %arg1, %mul3A_18 : i32
    %add3A_20 = arith.constant 50 : i32
    %add3A_21 = arith.addi %mul3A_19, %add3A_20 : i32
    "tpu.region"() ({
      %run_scoped3A_333 = tpu.sem_alloc : memref<!tpu.dma_semaphore, #tpu.memory_space<semaphore_mem>>
      %dma_start3A_334 = arith.constant 0 : i32
      %dma_start3A_335 = tpu.memref_slice %arg20[%add3A_21, %dma_start3A_334] : memref<10000x128xf32, #tpu.memory_space<vmem_shared>> -> memref<25x128xf32, #tpu.memory_space<vmem_shared>>
      %dma_start3A_336 = arith.constant 0 : i32
      %dma_start3A_337 = tpu.memref_slice %arg20[%add3A_21, %dma_start3A_336] : memref<10000x128xf32, #tpu.memory_space<vmem_shared>> -> memref<25x128xf32, #tpu.memory_space<vmem_shared>>
      tpu.enqueue_dma source(%arg18 : memref<25x128xf32, #tpu.memory_space<vmem>>) target(%dma_start3A_337 : memref<25x128xf32, #tpu.memory_space<vmem_shared>>) target_semaphore(%run_scoped3A_333 : memref<!tpu.dma_semaphore, #tpu.memory_space<semaphore_mem>>)
      %dma_wait3A_338 = arith.constant 0 : i32
      %dma_wait3A_339 = tpu.memref_slice %arg20[%add3A_21, %dma_wait3A_338] : memref<10000x128xf32, #tpu.memory_space<vmem_shared>> -> memref<25x128xf32, #tpu.memory_space<vmem_shared>>
      %dma_wait3A_340 = arith.constant 0 : i32
      %dma_wait3A_341 = tpu.memref_slice %arg20[%add3A_21, %dma_wait3A_340] : memref<10000x128xf32, #tpu.memory_space<vmem_shared>> -> memref<25x128xf32, #tpu.memory_space<vmem_shared>>
      tpu.wait_dma2 semaphore(%run_scoped3A_333 : memref<!tpu.dma_semaphore, #tpu.memory_space<semaphore_mem>>) src(%arg18 : memref<25x128xf32, #tpu.memory_space<vmem>>) dst(%dma_wait3A_341 : memref<25x128xf32, #tpu.memory_space<vmem_shared>>)
      tpu.yield
    }) : () -> ()
    %mul3A_22 = arith.constant 625 : i32
    %mul3A_23 = arith.muli %arg1, %mul3A_22 : i32
    %add3A_24 = arith.constant 75 : i32
    %add3A_25 = arith.addi %mul3A_23, %add3A_24 : i32
    "tpu.region"() ({
      %run_scoped3A_333 = tpu.sem_alloc : memref<!tpu.dma_semaphore, #tpu.memory_space<semaphore_mem>>
      %dma_start3A_334 = arith.constant 0 : i32
      %dma_start3A_335 = tpu.memref_slice %arg20[%add3A_25, %dma_start3A_334] : memref<10000x128xf32, #tpu.memory_space<vmem_shared>> -> memref<25x128xf32, #tpu.memory_space<vmem_shared>>
      %dma_start3A_336 = arith.constant 0 : i32
      %dma_start3A_337 = tpu.memref_slice %arg20[%add3A_25, %dma_start3A_336] : memref<10000x128xf32, #tpu.memory_space<vmem_shared>> -> memref<25x128xf32, #tpu.memory_space<vmem_shared>>
      tpu.enqueue_dma source(%arg18 : memref<25x128xf32, #tpu.memory_space<vmem>>) target(%dma_start3A_337 : memref<25x128xf32, #tpu.memory_space<vmem_shared>>) target_semaphore(%run_scoped3A_333 : memref<!tpu.dma_semaphore, #tpu.memory_space<semaphore_mem>>)
      %dma_wait3A_338 = arith.constant 0 : i32
      %dma_wait3A_339 = tpu.memref_slice %arg20[%add3A_25, %dma_wait3A_338] : memref<10000x128xf32, #tpu.memory_space<vmem_shared>> -> memref<25x128xf32, #tpu.memory_space<vmem_shared>>
      %dma_wait3A_340 = arith.constant 0 : i32
      %dma_wait3A_341 = tpu.memref_slice %arg20[%add3A_25, %dma_wait3A_340] : memref<10000x128xf32, #tpu.memory_space<vmem_shared>> -> memref<25x128xf32, #tpu.memory_space<vmem_shared>>
      tpu.wait_dma2 semaphore(%run_scoped3A_333 : memref<!tpu.dma_semaphore, #tpu.memory_space<semaphore_mem>>) src(%arg18 : memref<25x128xf32, #tpu.memory_space<vmem>>) dst(%dma_wait3A_341 : memref<25x128xf32, #tpu.memory_space<vmem_shared>>)
      tpu.yield
    }) : () -> ()
    %mul3A_26 = arith.constant 625 : i32
    %mul3A_27 = arith.muli %arg1, %mul3A_26 : i32
    %add3A_28 = arith.constant 100 : i32
    %add3A_29 = arith.addi %mul3A_27, %add3A_28 : i32
    "tpu.region"() ({
      %run_scoped3A_333 = tpu.sem_alloc : memref<!tpu.dma_semaphore, #tpu.memory_space<semaphore_mem>>
      %dma_start3A_334 = arith.constant 0 : i32
      %dma_start3A_335 = tpu.memref_slice %arg20[%add3A_29, %dma_start3A_334] : memref<10000x128xf32, #tpu.memory_space<vmem_shared>> -> memref<25x128xf32, #tpu.memory_space<vmem_shared>>
      %dma_start3A_336 = arith.constant 0 : i32
      %dma_start3A_337 = tpu.memref_slice %arg20[%add3A_29, %dma_start3A_336] : memref<10000x128xf32, #tpu.memory_space<vmem_shared>> -> memref<25x128xf32, #tpu.memory_space<vmem_shared>>
      tpu.enqueue_dma source(%arg18 : memref<25x128xf32, #tpu.memory_space<vmem>>) target(%dma_start3A_337 : memref<25x128xf32, #tpu.memory_space<vmem_shared>>) target_semaphore(%run_scoped3A_333 : memref<!tpu.dma_semaphore, #tpu.memory_space<semaphore_mem>>)
      %dma_wait3A_338 = arith.constant 0 : i32
      %dma_wait3A_339 = tpu.memref_slice %arg20[%add3A_29, %dma_wait3A_338] : memref<10000x128xf32, #tpu.memory_space<vmem_shared>> -> memref<25x128xf32, #tpu.memory_space<vmem_shared>>
      %dma_wait3A_340 = arith.constant 0 : i32
      %dma_wait3A_341 = tpu.memref_slice %arg20[%add3A_29, %dma_wait3A_340] : memref<10000x128xf32, #tpu.memory_space<vmem_shared>> -> memref<25x128xf32, #tpu.memory_space<vmem_shared>>
      tpu.wait_dma2 semaphore(%run_scoped3A_333 : memref<!tpu.dma_semaphore, #tpu.memory_space<semaphore_mem>>) src(%arg18 : memref<25x128xf32, #tpu.memory_space<vmem>>) dst(%dma_wait3A_341 : memref<25x128xf32, #tpu.memory_space<vmem_shared>>)
      tpu.yield
    }) : () -> ()
    %mul3A_30 = arith.constant 625 : i32
    %mul3A_31 = arith.muli %arg1, %mul3A_30 : i32
    %add3A_32 = arith.constant 125 : i32
    %add3A_33 = arith.addi %mul3A_31, %add3A_32 : i32
    "tpu.region"() ({
      %run_scoped3A_333 = tpu.sem_alloc : memref<!tpu.dma_semaphore, #tpu.memory_space<semaphore_mem>>
      %dma_start3A_334 = arith.constant 0 : i32
      %dma_start3A_335 = tpu.memref_slice %arg20[%add3A_33, %dma_start3A_334] : memref<10000x128xf32, #tpu.memory_space<vmem_shared>> -> memref<25x128xf32, #tpu.memory_space<vmem_shared>>
      %dma_start3A_336 = arith.constant 0 : i32
      %dma_start3A_337 = tpu.memref_slice %arg20[%add3A_33, %dma_start3A_336] : memref<10000x128xf32, #tpu.memory_space<vmem_shared>> -> memref<25x128xf32, #tpu.memory_space<vmem_shared>>
      tpu.enqueue_dma source(%arg18 : memref<25x128xf32, #tpu.memory_space<vmem>>) target(%dma_start3A_337 : memref<25x128xf32, #tpu.memory_space<vmem_shared>>) target_semaphore(%run_scoped3A_333 : memref<!tpu.dma_semaphore, #tpu.memory_space<semaphore_mem>>)
      %dma_wait3A_338 = arith.constant 0 : i32
      %dma_wait3A_339 = tpu.memref_slice %arg20[%add3A_33, %dma_wait3A_338] : memref<10000x128xf32, #tpu.memory_space<vmem_shared>> -> memref<25x128xf32, #tpu.memory_space<vmem_shared>>
      %dma_wait3A_340 = arith.constant 0 : i32
      %dma_wait3A_341 = tpu.memref_slice %arg20[%add3A_33, %dma_wait3A_340] : memref<10000x128xf32, #tpu.memory_space<vmem_shared>> -> memref<25x128xf32, #tpu.memory_space<vmem_shared>>
      tpu.wait_dma2 semaphore(%run_scoped3A_333 : memref<!tpu.dma_semaphore, #tpu.memory_space<semaphore_mem>>) src(%arg18 : memref<25x128xf32, #tpu.memory_space<vmem>>) dst(%dma_wait3A_341 : memref<25x128xf32, #tpu.memory_space<vmem_shared>>)
      tpu.yield
    }) : () -> ()
    %mul3A_34 = arith.constant 625 : i32
    %mul3A_35 = arith.muli %arg1, %mul3A_34 : i32
    %add3A_36 = arith.constant 150 : i32
    %add3A_37 = arith.addi %mul3A_35, %add3A_36 : i32
    "tpu.region"() ({
      %run_scoped3A_333 = tpu.sem_alloc : memref<!tpu.dma_semaphore, #tpu.memory_space<semaphore_mem>>
      %dma_start3A_334 = arith.constant 0 : i32
      %dma_start3A_335 = tpu.memref_slice %arg20[%add3A_37, %dma_start3A_334] : memref<10000x128xf32, #tpu.memory_space<vmem_shared>> -> memref<25x128xf32, #tpu.memory_space<vmem_shared>>
      %dma_start3A_336 = arith.constant 0 : i32
      %dma_start3A_337 = tpu.memref_slice %arg20[%add3A_37, %dma_start3A_336] : memref<10000x128xf32, #tpu.memory_space<vmem_shared>> -> memref<25x128xf32, #tpu.memory_space<vmem_shared>>
      tpu.enqueue_dma source(%arg18 : memref<25x128xf32, #tpu.memory_space<vmem>>) target(%dma_start3A_337 : memref<25x128xf32, #tpu.memory_space<vmem_shared>>) target_semaphore(%run_scoped3A_333 : memref<!tpu.dma_semaphore, #tpu.memory_space<semaphore_mem>>)
      %dma_wait3A_338 = arith.constant 0 : i32
      %dma_wait3A_339 = tpu.memref_slice %arg20[%add3A_37, %dma_wait3A_338] : memref<10000x128xf32, #tpu.memory_space<vmem_shared>> -> memref<25x128xf32, #tpu.memory_space<vmem_shared>>
      %dma_wait3A_340 = arith.constant 0 : i32
      %dma_wait3A_341 = tpu.memref_slice %arg20[%add3A_37, %dma_wait3A_340] : memref<10000x128xf32, #tpu.memory_space<vmem_shared>> -> memref<25x128xf32, #tpu.memory_space<vmem_shared>>
      tpu.wait_dma2 semaphore(%run_scoped3A_333 : memref<!tpu.dma_semaphore, #tpu.memory_space<semaphore_mem>>) src(%arg18 : memref<25x128xf32, #tpu.memory_space<vmem>>) dst(%dma_wait3A_341 : memref<25x128xf32, #tpu.memory_space<vmem_shared>>)
      tpu.yield
    }) : () -> ()
    %mul3A_38 = arith.constant 625 : i32
    %mul3A_39 = arith.muli %arg1, %mul3A_38 : i32
    %add3A_40 = arith.constant 175 : i32
    %add3A_41 = arith.addi %mul3A_39, %add3A_40 : i32
    "tpu.region"() ({
      %run_scoped3A_333 = tpu.sem_alloc : memref<!tpu.dma_semaphore, #tpu.memory_space<semaphore_mem>>
      %dma_start3A_334 = arith.constant 0 : i32
      %dma_start3A_335 = tpu.memref_slice %arg20[%add3A_41, %dma_start3A_334] : memref<10000x128xf32, #tpu.memory_space<vmem_shared>> -> memref<25x128xf32, #tpu.memory_space<vmem_shared>>
      %dma_start3A_336 = arith.constant 0 : i32
      %dma_start3A_337 = tpu.memref_slice %arg20[%add3A_41, %dma_start3A_336] : memref<10000x128xf32, #tpu.memory_space<vmem_shared>> -> memref<25x128xf32, #tpu.memory_space<vmem_shared>>
      tpu.enqueue_dma source(%arg18 : memref<25x128xf32, #tpu.memory_space<vmem>>) target(%dma_start3A_337 : memref<25x128xf32, #tpu.memory_space<vmem_shared>>) target_semaphore(%run_scoped3A_333 : memref<!tpu.dma_semaphore, #tpu.memory_space<semaphore_mem>>)
      %dma_wait3A_338 = arith.constant 0 : i32
      %dma_wait3A_339 = tpu.memref_slice %arg20[%add3A_41, %dma_wait3A_338] : memref<10000x128xf32, #tpu.memory_space<vmem_shared>> -> memref<25x128xf32, #tpu.memory_space<vmem_shared>>
      %dma_wait3A_340 = arith.constant 0 : i32
      %dma_wait3A_341 = tpu.memref_slice %arg20[%add3A_41, %dma_wait3A_340] : memref<10000x128xf32, #tpu.memory_space<vmem_shared>> -> memref<25x128xf32, #tpu.memory_space<vmem_shared>>
      tpu.wait_dma2 semaphore(%run_scoped3A_333 : memref<!tpu.dma_semaphore, #tpu.memory_space<semaphore_mem>>) src(%arg18 : memref<25x128xf32, #tpu.memory_space<vmem>>) dst(%dma_wait3A_341 : memref<25x128xf32, #tpu.memory_space<vmem_shared>>)
      tpu.yield
    }) : () -> ()
    %mul3A_42 = arith.constant 625 : i32
    %mul3A_43 = arith.muli %arg1, %mul3A_42 : i32
    %add3A_44 = arith.constant 200 : i32
    %add3A_45 = arith.addi %mul3A_43, %add3A_44 : i32
    "tpu.region"() ({
      %run_scoped3A_333 = tpu.sem_alloc : memref<!tpu.dma_semaphore, #tpu.memory_space<semaphore_mem>>
      %dma_start3A_334 = arith.constant 0 : i32
      %dma_start3A_335 = tpu.memref_slice %arg20[%add3A_45, %dma_start3A_334] : memref<10000x128xf32, #tpu.memory_space<vmem_shared>> -> memref<25x128xf32, #tpu.memory_space<vmem_shared>>
      %dma_start3A_336 = arith.constant 0 : i32
      %dma_start3A_337 = tpu.memref_slice %arg20[%add3A_45, %dma_start3A_336] : memref<10000x128xf32, #tpu.memory_space<vmem_shared>> -> memref<25x128xf32, #tpu.memory_space<vmem_shared>>
      tpu.enqueue_dma source(%arg18 : memref<25x128xf32, #tpu.memory_space<vmem>>) target(%dma_start3A_337 : memref<25x128xf32, #tpu.memory_space<vmem_shared>>) target_semaphore(%run_scoped3A_333 : memref<!tpu.dma_semaphore, #tpu.memory_space<semaphore_mem>>)
      %dma_wait3A_338 = arith.constant 0 : i32
      %dma_wait3A_339 = tpu.memref_slice %arg20[%add3A_45, %dma_wait3A_338] : memref<10000x128xf32, #tpu.memory_space<vmem_shared>> -> memref<25x128xf32, #tpu.memory_space<vmem_shared>>
      %dma_wait3A_340 = arith.constant 0 : i32
      %dma_wait3A_341 = tpu.memref_slice %arg20[%add3A_45, %dma_wait3A_340] : memref<10000x128xf32, #tpu.memory_space<vmem_shared>> -> memref<25x128xf32, #tpu.memory_space<vmem_shared>>
      tpu.wait_dma2 semaphore(%run_scoped3A_333 : memref<!tpu.dma_semaphore, #tpu.memory_space<semaphore_mem>>) src(%arg18 : memref<25x128xf32, #tpu.memory_space<vmem>>) dst(%dma_wait3A_341 : memref<25x128xf32, #tpu.memory_space<vmem_shared>>)
      tpu.yield
    }) : () -> ()
    %mul3A_46 = arith.constant 625 : i32
    %mul3A_47 = arith.muli %arg1, %mul3A_46 : i32
    %add3A_48 = arith.constant 225 : i32
    %add3A_49 = arith.addi %mul3A_47, %add3A_48 : i32
    "tpu.region"() ({
      %run_scoped3A_333 = tpu.sem_alloc : memref<!tpu.dma_semaphore, #tpu.memory_space<semaphore_mem>>
      %dma_start3A_334 = arith.constant 0 : i32
      %dma_start3A_335 = tpu.memref_slice %arg20[%add3A_49, %dma_start3A_334] : memref<10000x128xf32, #tpu.memory_space<vmem_shared>> -> memref<25x128xf32, #tpu.memory_space<vmem_shared>>
      %dma_start3A_336 = arith.constant 0 : i32
      %dma_start3A_337 = tpu.memref_slice %arg20[%add3A_49, %dma_start3A_336] : memref<10000x128xf32, #tpu.memory_space<vmem_shared>> -> memref<25x128xf32, #tpu.memory_space<vmem_shared>>
      tpu.enqueue_dma source(%arg18 : memref<25x128xf32, #tpu.memory_space<vmem>>) target(%dma_start3A_337 : memref<25x128xf32, #tpu.memory_space<vmem_shared>>) target_semaphore(%run_scoped3A_333 : memref<!tpu.dma_semaphore, #tpu.memory_space<semaphore_mem>>)
      %dma_wait3A_338 = arith.constant 0 : i32
      %dma_wait3A_339 = tpu.memref_slice %arg20[%add3A_49, %dma_wait3A_338] : memref<10000x128xf32, #tpu.memory_space<vmem_shared>> -> memref<25x128xf32, #tpu.memory_space<vmem_shared>>
      %dma_wait3A_340 = arith.constant 0 : i32
      %dma_wait3A_341 = tpu.memref_slice %arg20[%add3A_49, %dma_wait3A_340] : memref<10000x128xf32, #tpu.memory_space<vmem_shared>> -> memref<25x128xf32, #tpu.memory_space<vmem_shared>>
      tpu.wait_dma2 semaphore(%run_scoped3A_333 : memref<!tpu.dma_semaphore, #tpu.memory_space<semaphore_mem>>) src(%arg18 : memref<25x128xf32, #tpu.memory_space<vmem>>) dst(%dma_wait3A_341 : memref<25x128xf32, #tpu.memory_space<vmem_shared>>)
      tpu.yield
    }) : () -> ()
    %mul3A_50 = arith.constant 625 : i32
    %mul3A_51 = arith.muli %arg1, %mul3A_50 : i32
    %add3A_52 = arith.constant 250 : i32
    %add3A_53 = arith.addi %mul3A_51, %add3A_52 : i32
    "tpu.region"() ({
      %run_scoped3A_333 = tpu.sem_alloc : memref<!tpu.dma_semaphore, #tpu.memory_space<semaphore_mem>>
      %dma_start3A_334 = arith.constant 0 : i32
      %dma_start3A_335 = tpu.memref_slice %arg20[%add3A_53, %dma_start3A_334] : memref<10000x128xf32, #tpu.memory_space<vmem_shared>> -> memref<25x128xf32, #tpu.memory_space<vmem_shared>>
      %dma_start3A_336 = arith.constant 0 : i32
      %dma_start3A_337 = tpu.memref_slice %arg20[%add3A_53, %dma_start3A_336] : memref<10000x128xf32, #tpu.memory_space<vmem_shared>> -> memref<25x128xf32, #tpu.memory_space<vmem_shared>>
      tpu.enqueue_dma source(%arg18 : memref<25x128xf32, #tpu.memory_space<vmem>>) target(%dma_start3A_337 : memref<25x128xf32, #tpu.memory_space<vmem_shared>>) target_semaphore(%run_scoped3A_333 : memref<!tpu.dma_semaphore, #tpu.memory_space<semaphore_mem>>)
      %dma_wait3A_338 = arith.constant 0 : i32
      %dma_wait3A_339 = tpu.memref_slice %arg20[%add3A_53, %dma_wait3A_338] : memref<10000x128xf32, #tpu.memory_space<vmem_shared>> -> memref<25x128xf32, #tpu.memory_space<vmem_shared>>
      %dma_wait3A_340 = arith.constant 0 : i32
      %dma_wait3A_341 = tpu.memref_slice %arg20[%add3A_53, %dma_wait3A_340] : memref<10000x128xf32, #tpu.memory_space<vmem_shared>> -> memref<25x128xf32, #tpu.memory_space<vmem_shared>>
      tpu.wait_dma2 semaphore(%run_scoped3A_333 : memref<!tpu.dma_semaphore, #tpu.memory_space<semaphore_mem>>) src(%arg18 : memref<25x128xf32, #tpu.memory_space<vmem>>) dst(%dma_wait3A_341 : memref<25x128xf32, #tpu.memory_space<vmem_shared>>)
      tpu.yield
    }) : () -> ()
    %mul3A_54 = arith.constant 625 : i32
    %mul3A_55 = arith.muli %arg1, %mul3A_54 : i32
    %add3A_56 = arith.constant 275 : i32
    %add3A_57 = arith.addi %mul3A_55, %add3A_56 : i32
    "tpu.region"() ({
      %run_scoped3A_333 = tpu.sem_alloc : memref<!tpu.dma_semaphore, #tpu.memory_space<semaphore_mem>>
      %dma_start3A_334 = arith.constant 0 : i32
      %dma_start3A_335 = tpu.memref_slice %arg20[%add3A_57, %dma_start3A_334] : memref<10000x128xf32, #tpu.memory_space<vmem_shared>> -> memref<25x128xf32, #tpu.memory_space<vmem_shared>>
      %dma_start3A_336 = arith.constant 0 : i32
      %dma_start3A_337 = tpu.memref_slice %arg20[%add3A_57, %dma_start3A_336] : memref<10000x128xf32, #tpu.memory_space<vmem_shared>> -> memref<25x128xf32, #tpu.memory_space<vmem_shared>>
      tpu.enqueue_dma source(%arg18 : memref<25x128xf32, #tpu.memory_space<vmem>>) target(%dma_start3A_337 : memref<25x128xf32, #tpu.memory_space<vmem_shared>>) target_semaphore(%run_scoped3A_333 : memref<!tpu.dma_semaphore, #tpu.memory_space<semaphore_mem>>)
      %dma_wait3A_338 = arith.constant 0 : i32
      %dma_wait3A_339 = tpu.memref_slice %arg20[%add3A_57, %dma_wait3A_338] : memref<10000x128xf32, #tpu.memory_space<vmem_shared>> -> memref<25x128xf32, #tpu.memory_space<vmem_shared>>
      %dma_wait3A_340 = arith.constant 0 : i32
      %dma_wait3A_341 = tpu.memref_slice %arg20[%add3A_57, %dma_wait3A_340] : memref<10000x128xf32, #tpu.memory_space<vmem_shared>> -> memref<25x128xf32, #tpu.memory_space<vmem_shared>>
      tpu.wait_dma2 semaphore(%run_scoped3A_333 : memref<!tpu.dma_semaphore, #tpu.memory_space<semaphore_mem>>) src(%arg18 : memref<25x128xf32, #tpu.memory_space<vmem>>) dst(%dma_wait3A_341 : memref<25x128xf32, #tpu.memory_space<vmem_shared>>)
      tpu.yield
    }) : () -> ()
    %mul3A_58 = arith.constant 625 : i32
    %mul3A_59 = arith.muli %arg1, %mul3A_58 : i32
    %add3A_60 = arith.constant 300 : i32
    %add3A_61 = arith.addi %mul3A_59, %add3A_60 : i32
    "tpu.region"() ({
      %run_scoped3A_333 = tpu.sem_alloc : memref<!tpu.dma_semaphore, #tpu.memory_space<semaphore_mem>>
      %dma_start3A_334 = arith.constant 0 : i32
      %dma_start3A_335 = tpu.memref_slice %arg20[%add3A_61, %dma_start3A_334] : memref<10000x128xf32, #tpu.memory_space<vmem_shared>> -> memref<25x128xf32, #tpu.memory_space<vmem_shared>>
      %dma_start3A_336 = arith.constant 0 : i32
      %dma_start3A_337 = tpu.memref_slice %arg20[%add3A_61, %dma_start3A_336] : memref<10000x128xf32, #tpu.memory_space<vmem_shared>> -> memref<25x128xf32, #tpu.memory_space<vmem_shared>>
      tpu.enqueue_dma source(%arg18 : memref<25x128xf32, #tpu.memory_space<vmem>>) target(%dma_start3A_337 : memref<25x128xf32, #tpu.memory_space<vmem_shared>>) target_semaphore(%run_scoped3A_333 : memref<!tpu.dma_semaphore, #tpu.memory_space<semaphore_mem>>)
      %dma_wait3A_338 = arith.constant 0 : i32
      %dma_wait3A_339 = tpu.memref_slice %arg20[%add3A_61, %dma_wait3A_338] : memref<10000x128xf32, #tpu.memory_space<vmem_shared>> -> memref<25x128xf32, #tpu.memory_space<vmem_shared>>
      %dma_wait3A_340 = arith.constant 0 : i32
      %dma_wait3A_341 = tpu.memref_slice %arg20[%add3A_61, %dma_wait3A_340] : memref<10000x128xf32, #tpu.memory_space<vmem_shared>> -> memref<25x128xf32, #tpu.memory_space<vmem_shared>>
      tpu.wait_dma2 semaphore(%run_scoped3A_333 : memref<!tpu.dma_semaphore, #tpu.memory_space<semaphore_mem>>) src(%arg18 : memref<25x128xf32, #tpu.memory_space<vmem>>) dst(%dma_wait3A_341 : memref<25x128xf32, #tpu.memory_space<vmem_shared>>)
      tpu.yield
    }) : () -> ()
    %mul3A_62 = arith.constant 625 : i32
    %mul3A_63 = arith.muli %arg1, %mul3A_62 : i32
    %add3A_64 = arith.constant 325 : i32
    %add3A_65 = arith.addi %mul3A_63, %add3A_64 : i32
    "tpu.region"() ({
      %run_scoped3A_333 = tpu.sem_alloc : memref<!tpu.dma_semaphore, #tpu.memory_space<semaphore_mem>>
      %dma_start3A_334 = arith.constant 0 : i32
      %dma_start3A_335 = tpu.memref_slice %arg20[%add3A_65, %dma_start3A_334] : memref<10000x128xf32, #tpu.memory_space<vmem_shared>> -> memref<25x128xf32, #tpu.memory_space<vmem_shared>>
      %dma_start3A_336 = arith.constant 0 : i32
      %dma_start3A_337 = tpu.memref_slice %arg20[%add3A_65, %dma_start3A_336] : memref<10000x128xf32, #tpu.memory_space<vmem_shared>> -> memref<25x128xf32, #tpu.memory_space<vmem_shared>>
      tpu.enqueue_dma source(%arg18 : memref<25x128xf32, #tpu.memory_space<vmem>>) target(%dma_start3A_337 : memref<25x128xf32, #tpu.memory_space<vmem_shared>>) target_semaphore(%run_scoped3A_333 : memref<!tpu.dma_semaphore, #tpu.memory_space<semaphore_mem>>)
      %dma_wait3A_338 = arith.constant 0 : i32
      %dma_wait3A_339 = tpu.memref_slice %arg20[%add3A_65, %dma_wait3A_338] : memref<10000x128xf32, #tpu.memory_space<vmem_shared>> -> memref<25x128xf32, #tpu.memory_space<vmem_shared>>
      %dma_wait3A_340 = arith.constant 0 : i32
      %dma_wait3A_341 = tpu.memref_slice %arg20[%add3A_65, %dma_wait3A_340] : memref<10000x128xf32, #tpu.memory_space<vmem_shared>> -> memref<25x128xf32, #tpu.memory_space<vmem_shared>>
      tpu.wait_dma2 semaphore(%run_scoped3A_333 : memref<!tpu.dma_semaphore, #tpu.memory_space<semaphore_mem>>) src(%arg18 : memref<25x128xf32, #tpu.memory_space<vmem>>) dst(%dma_wait3A_341 : memref<25x128xf32, #tpu.memory_space<vmem_shared>>)
      tpu.yield
    }) : () -> ()
    %mul3A_66 = arith.constant 625 : i32
    %mul3A_67 = arith.muli %arg1, %mul3A_66 : i32
    %add3A_68 = arith.constant 350 : i32
    %add3A_69 = arith.addi %mul3A_67, %add3A_68 : i32
    "tpu.region"() ({
      %run_scoped3A_333 = tpu.sem_alloc : memref<!tpu.dma_semaphore, #tpu.memory_space<semaphore_mem>>
      %dma_start3A_334 = arith.constant 0 : i32
      %dma_start3A_335 = tpu.memref_slice %arg20[%add3A_69, %dma_start3A_334] : memref<10000x128xf32, #tpu.memory_space<vmem_shared>> -> memref<25x128xf32, #tpu.memory_space<vmem_shared>>
      %dma_start3A_336 = arith.constant 0 : i32
      %dma_start3A_337 = tpu.memref_slice %arg20[%add3A_69, %dma_start3A_336] : memref<10000x128xf32, #tpu.memory_space<vmem_shared>> -> memref<25x128xf32, #tpu.memory_space<vmem_shared>>
      tpu.enqueue_dma source(%arg18 : memref<25x128xf32, #tpu.memory_space<vmem>>) target(%dma_start3A_337 : memref<25x128xf32, #tpu.memory_space<vmem_shared>>) target_semaphore(%run_scoped3A_333 : memref<!tpu.dma_semaphore, #tpu.memory_space<semaphore_mem>>)
      %dma_wait3A_338 = arith.constant 0 : i32
      %dma_wait3A_339 = tpu.memref_slice %arg20[%add3A_69, %dma_wait3A_338] : memref<10000x128xf32, #tpu.memory_space<vmem_shared>> -> memref<25x128xf32, #tpu.memory_space<vmem_shared>>
      %dma_wait3A_340 = arith.constant 0 : i32
      %dma_wait3A_341 = tpu.memref_slice %arg20[%add3A_69, %dma_wait3A_340] : memref<10000x128xf32, #tpu.memory_space<vmem_shared>> -> memref<25x128xf32, #tpu.memory_space<vmem_shared>>
      tpu.wait_dma2 semaphore(%run_scoped3A_333 : memref<!tpu.dma_semaphore, #tpu.memory_space<semaphore_mem>>) src(%arg18 : memref<25x128xf32, #tpu.memory_space<vmem>>) dst(%dma_wait3A_341 : memref<25x128xf32, #tpu.memory_space<vmem_shared>>)
      tpu.yield
    }) : () -> ()
    %mul3A_70 = arith.constant 625 : i32
    %mul3A_71 = arith.muli %arg1, %mul3A_70 : i32
    %add3A_72 = arith.constant 375 : i32
    %add3A_73 = arith.addi %mul3A_71, %add3A_72 : i32
    "tpu.region"() ({
      %run_scoped3A_333 = tpu.sem_alloc : memref<!tpu.dma_semaphore, #tpu.memory_space<semaphore_mem>>
      %dma_start3A_334 = arith.constant 0 : i32
      %dma_start3A_335 = tpu.memref_slice %arg20[%add3A_73, %dma_start3A_334] : memref<10000x128xf32, #tpu.memory_space<vmem_shared>> -> memref<25x128xf32, #tpu.memory_space<vmem_shared>>
      %dma_start3A_336 = arith.constant 0 : i32
      %dma_start3A_337 = tpu.memref_slice %arg20[%add3A_73, %dma_start3A_336] : memref<10000x128xf32, #tpu.memory_space<vmem_shared>> -> memref<25x128xf32, #tpu.memory_space<vmem_shared>>
      tpu.enqueue_dma source(%arg18 : memref<25x128xf32, #tpu.memory_space<vmem>>) target(%dma_start3A_337 : memref<25x128xf32, #tpu.memory_space<vmem_shared>>) target_semaphore(%run_scoped3A_333 : memref<!tpu.dma_semaphore, #tpu.memory_space<semaphore_mem>>)
      %dma_wait3A_338 = arith.constant 0 : i32
      %dma_wait3A_339 = tpu.memref_slice %arg20[%add3A_73, %dma_wait3A_338] : memref<10000x128xf32, #tpu.memory_space<vmem_shared>> -> memref<25x128xf32, #tpu.memory_space<vmem_shared>>
      %dma_wait3A_340 = arith.constant 0 : i32
      %dma_wait3A_341 = tpu.memref_slice %arg20[%add3A_73, %dma_wait3A_340] : memref<10000x128xf32, #tpu.memory_space<vmem_shared>> -> memref<25x128xf32, #tpu.memory_space<vmem_shared>>
      tpu.wait_dma2 semaphore(%run_scoped3A_333 : memref<!tpu.dma_semaphore, #tpu.memory_space<semaphore_mem>>) src(%arg18 : memref<25x128xf32, #tpu.memory_space<vmem>>) dst(%dma_wait3A_341 : memref<25x128xf32, #tpu.memory_space<vmem_shared>>)
      tpu.yield
    }) : () -> ()
    %mul3A_74 = arith.constant 625 : i32
    %mul3A_75 = arith.muli %arg1, %mul3A_74 : i32
    %add3A_76 = arith.constant 400 : i32
    %add3A_77 = arith.addi %mul3A_75, %add3A_76 : i32
    "tpu.region"() ({
      %run_scoped3A_333 = tpu.sem_alloc : memref<!tpu.dma_semaphore, #tpu.memory_space<semaphore_mem>>
      %dma_start3A_334 = arith.constant 0 : i32
      %dma_start3A_335 = tpu.memref_slice %arg20[%add3A_77, %dma_start3A_334] : memref<10000x128xf32, #tpu.memory_space<vmem_shared>> -> memref<25x128xf32, #tpu.memory_space<vmem_shared>>
      %dma_start3A_336 = arith.constant 0 : i32
      %dma_start3A_337 = tpu.memref_slice %arg20[%add3A_77, %dma_start3A_336] : memref<10000x128xf32, #tpu.memory_space<vmem_shared>> -> memref<25x128xf32, #tpu.memory_space<vmem_shared>>
      tpu.enqueue_dma source(%arg18 : memref<25x128xf32, #tpu.memory_space<vmem>>) target(%dma_start3A_337 : memref<25x128xf32, #tpu.memory_space<vmem_shared>>) target_semaphore(%run_scoped3A_333 : memref<!tpu.dma_semaphore, #tpu.memory_space<semaphore_mem>>)
      %dma_wait3A_338 = arith.constant 0 : i32
      %dma_wait3A_339 = tpu.memref_slice %arg20[%add3A_77, %dma_wait3A_338] : memref<10000x128xf32, #tpu.memory_space<vmem_shared>> -> memref<25x128xf32, #tpu.memory_space<vmem_shared>>
      %dma_wait3A_340 = arith.constant 0 : i32
      %dma_wait3A_341 = tpu.memref_slice %arg20[%add3A_77, %dma_wait3A_340] : memref<10000x128xf32, #tpu.memory_space<vmem_shared>> -> memref<25x128xf32, #tpu.memory_space<vmem_shared>>
      tpu.wait_dma2 semaphore(%run_scoped3A_333 : memref<!tpu.dma_semaphore, #tpu.memory_space<semaphore_mem>>) src(%arg18 : memref<25x128xf32, #tpu.memory_space<vmem>>) dst(%dma_wait3A_341 : memref<25x128xf32, #tpu.memory_space<vmem_shared>>)
      tpu.yield
    }) : () -> ()
    %mul3A_78 = arith.constant 625 : i32
    %mul3A_79 = arith.muli %arg1, %mul3A_78 : i32
    %add3A_80 = arith.constant 425 : i32
    %add3A_81 = arith.addi %mul3A_79, %add3A_80 : i32
    "tpu.region"() ({
      %run_scoped3A_333 = tpu.sem_alloc : memref<!tpu.dma_semaphore, #tpu.memory_space<semaphore_mem>>
      %dma_start3A_334 = arith.constant 0 : i32
      %dma_start3A_335 = tpu.memref_slice %arg20[%add3A_81, %dma_start3A_334] : memref<10000x128xf32, #tpu.memory_space<vmem_shared>> -> memref<25x128xf32, #tpu.memory_space<vmem_shared>>
      %dma_start3A_336 = arith.constant 0 : i32
      %dma_start3A_337 = tpu.memref_slice %arg20[%add3A_81, %dma_start3A_336] : memref<10000x128xf32, #tpu.memory_space<vmem_shared>> -> memref<25x128xf32, #tpu.memory_space<vmem_shared>>
      tpu.enqueue_dma source(%arg18 : memref<25x128xf32, #tpu.memory_space<vmem>>) target(%dma_start3A_337 : memref<25x128xf32, #tpu.memory_space<vmem_shared>>) target_semaphore(%run_scoped3A_333 : memref<!tpu.dma_semaphore, #tpu.memory_space<semaphore_mem>>)
      %dma_wait3A_338 = arith.constant 0 : i32
      %dma_wait3A_339 = tpu.memref_slice %arg20[%add3A_81, %dma_wait3A_338] : memref<10000x128xf32, #tpu.memory_space<vmem_shared>> -> memref<25x128xf32, #tpu.memory_space<vmem_shared>>
      %dma_wait3A_340 = arith.constant 0 : i32
      %dma_wait3A_341 = tpu.memref_slice %arg20[%add3A_81, %dma_wait3A_340] : memref<10000x128xf32, #tpu.memory_space<vmem_shared>> -> memref<25x128xf32, #tpu.memory_space<vmem_shared>>
      tpu.wait_dma2 semaphore(%run_scoped3A_333 : memref<!tpu.dma_semaphore, #tpu.memory_space<semaphore_mem>>) src(%arg18 : memref<25x128xf32, #tpu.memory_space<vmem>>) dst(%dma_wait3A_341 : memref<25x128xf32, #tpu.memory_space<vmem_shared>>)
      tpu.yield
    }) : () -> ()
    %mul3A_82 = arith.constant 625 : i32
    %mul3A_83 = arith.muli %arg1, %mul3A_82 : i32
    %add3A_84 = arith.constant 450 : i32
    %add3A_85 = arith.addi %mul3A_83, %add3A_84 : i32
    "tpu.region"() ({
      %run_scoped3A_333 = tpu.sem_alloc : memref<!tpu.dma_semaphore, #tpu.memory_space<semaphore_mem>>
      %dma_start3A_334 = arith.constant 0 : i32
      %dma_start3A_335 = tpu.memref_slice %arg20[%add3A_85, %dma_start3A_334] : memref<10000x128xf32, #tpu.memory_space<vmem_shared>> -> memref<25x128xf32, #tpu.memory_space<vmem_shared>>
      %dma_start3A_336 = arith.constant 0 : i32
      %dma_start3A_337 = tpu.memref_slice %arg20[%add3A_85, %dma_start3A_336] : memref<10000x128xf32, #tpu.memory_space<vmem_shared>> -> memref<25x128xf32, #tpu.memory_space<vmem_shared>>
      tpu.enqueue_dma source(%arg18 : memref<25x128xf32, #tpu.memory_space<vmem>>) target(%dma_start3A_337 : memref<25x128xf32, #tpu.memory_space<vmem_shared>>) target_semaphore(%run_scoped3A_333 : memref<!tpu.dma_semaphore, #tpu.memory_space<semaphore_mem>>)
      %dma_wait3A_338 = arith.constant 0 : i32
      %dma_wait3A_339 = tpu.memref_slice %arg20[%add3A_85, %dma_wait3A_338] : memref<10000x128xf32, #tpu.memory_space<vmem_shared>> -> memref<25x128xf32, #tpu.memory_space<vmem_shared>>
      %dma_wait3A_340 = arith.constant 0 : i32
      %dma_wait3A_341 = tpu.memref_slice %arg20[%add3A_85, %dma_wait3A_340] : memref<10000x128xf32, #tpu.memory_space<vmem_shared>> -> memref<25x128xf32, #tpu.memory_space<vmem_shared>>
      tpu.wait_dma2 semaphore(%run_scoped3A_333 : memref<!tpu.dma_semaphore, #tpu.memory_space<semaphore_mem>>) src(%arg18 : memref<25x128xf32, #tpu.memory_space<vmem>>) dst(%dma_wait3A_341 : memref<25x128xf32, #tpu.memory_space<vmem_shared>>)
      tpu.yield
    }) : () -> ()
    %mul3A_86 = arith.constant 625 : i32
    %mul3A_87 = arith.muli %arg1, %mul3A_86 : i32
    %add3A_88 = arith.constant 475 : i32
    %add3A_89 = arith.addi %mul3A_87, %add3A_88 : i32
    "tpu.region"() ({
      %run_scoped3A_333 = tpu.sem_alloc : memref<!tpu.dma_semaphore, #tpu.memory_space<semaphore_mem>>
      %dma_start3A_334 = arith.constant 0 : i32
      %dma_start3A_335 = tpu.memref_slice %arg20[%add3A_89, %dma_start3A_334] : memref<10000x128xf32, #tpu.memory_space<vmem_shared>> -> memref<25x128xf32, #tpu.memory_space<vmem_shared>>
      %dma_start3A_336 = arith.constant 0 : i32
      %dma_start3A_337 = tpu.memref_slice %arg20[%add3A_89, %dma_start3A_336] : memref<10000x128xf32, #tpu.memory_space<vmem_shared>> -> memref<25x128xf32, #tpu.memory_space<vmem_shared>>
      tpu.enqueue_dma source(%arg18 : memref<25x128xf32, #tpu.memory_space<vmem>>) target(%dma_start3A_337 : memref<25x128xf32, #tpu.memory_space<vmem_shared>>) target_semaphore(%run_scoped3A_333 : memref<!tpu.dma_semaphore, #tpu.memory_space<semaphore_mem>>)
      %dma_wait3A_338 = arith.constant 0 : i32
      %dma_wait3A_339 = tpu.memref_slice %arg20[%add3A_89, %dma_wait3A_338] : memref<10000x128xf32, #tpu.memory_space<vmem_shared>> -> memref<25x128xf32, #tpu.memory_space<vmem_shared>>
      %dma_wait3A_340 = arith.constant 0 : i32
      %dma_wait3A_341 = tpu.memref_slice %arg20[%add3A_89, %dma_wait3A_340] : memref<10000x128xf32, #tpu.memory_space<vmem_shared>> -> memref<25x128xf32, #tpu.memory_space<vmem_shared>>
      tpu.wait_dma2 semaphore(%run_scoped3A_333 : memref<!tpu.dma_semaphore, #tpu.memory_space<semaphore_mem>>) src(%arg18 : memref<25x128xf32, #tpu.memory_space<vmem>>) dst(%dma_wait3A_341 : memref<25x128xf32, #tpu.memory_space<vmem_shared>>)
      tpu.yield
    }) : () -> ()
    %mul3A_90 = arith.constant 625 : i32
    %mul3A_91 = arith.muli %arg1, %mul3A_90 : i32
    %add3A_92 = arith.constant 500 : i32
    %add3A_93 = arith.addi %mul3A_91, %add3A_92 : i32
    "tpu.region"() ({
      %run_scoped3A_333 = tpu.sem_alloc : memref<!tpu.dma_semaphore, #tpu.memory_space<semaphore_mem>>
      %dma_start3A_334 = arith.constant 0 : i32
      %dma_start3A_335 = tpu.memref_slice %arg20[%add3A_93, %dma_start3A_334] : memref<10000x128xf32, #tpu.memory_space<vmem_shared>> -> memref<25x128xf32, #tpu.memory_space<vmem_shared>>
      %dma_start3A_336 = arith.constant 0 : i32
      %dma_start3A_337 = tpu.memref_slice %arg20[%add3A_93, %dma_start3A_336] : memref<10000x128xf32, #tpu.memory_space<vmem_shared>> -> memref<25x128xf32, #tpu.memory_space<vmem_shared>>
      tpu.enqueue_dma source(%arg18 : memref<25x128xf32, #tpu.memory_space<vmem>>) target(%dma_start3A_337 : memref<25x128xf32, #tpu.memory_space<vmem_shared>>) target_semaphore(%run_scoped3A_333 : memref<!tpu.dma_semaphore, #tpu.memory_space<semaphore_mem>>)
      %dma_wait3A_338 = arith.constant 0 : i32
      %dma_wait3A_339 = tpu.memref_slice %arg20[%add3A_93, %dma_wait3A_338] : memref<10000x128xf32, #tpu.memory_space<vmem_shared>> -> memref<25x128xf32, #tpu.memory_space<vmem_shared>>
      %dma_wait3A_340 = arith.constant 0 : i32
      %dma_wait3A_341 = tpu.memref_slice %arg20[%add3A_93, %dma_wait3A_340] : memref<10000x128xf32, #tpu.memory_space<vmem_shared>> -> memref<25x128xf32, #tpu.memory_space<vmem_shared>>
      tpu.wait_dma2 semaphore(%run_scoped3A_333 : memref<!tpu.dma_semaphore, #tpu.memory_space<semaphore_mem>>) src(%arg18 : memref<25x128xf32, #tpu.memory_space<vmem>>) dst(%dma_wait3A_341 : memref<25x128xf32, #tpu.memory_space<vmem_shared>>)
      tpu.yield
    }) : () -> ()
    %mul3A_94 = arith.constant 625 : i32
    %mul3A_95 = arith.muli %arg1, %mul3A_94 : i32
    %add3A_96 = arith.constant 525 : i32
    %add3A_97 = arith.addi %mul3A_95, %add3A_96 : i32
    "tpu.region"() ({
      %run_scoped3A_333 = tpu.sem_alloc : memref<!tpu.dma_semaphore, #tpu.memory_space<semaphore_mem>>
      %dma_start3A_334 = arith.constant 0 : i32
      %dma_start3A_335 = tpu.memref_slice %arg20[%add3A_97, %dma_start3A_334] : memref<10000x128xf32, #tpu.memory_space<vmem_shared>> -> memref<25x128xf32, #tpu.memory_space<vmem_shared>>
      %dma_start3A_336 = arith.constant 0 : i32
      %dma_start3A_337 = tpu.memref_slice %arg20[%add3A_97, %dma_start3A_336] : memref<10000x128xf32, #tpu.memory_space<vmem_shared>> -> memref<25x128xf32, #tpu.memory_space<vmem_shared>>
      tpu.enqueue_dma source(%arg18 : memref<25x128xf32, #tpu.memory_space<vmem>>) target(%dma_start3A_337 : memref<25x128xf32, #tpu.memory_space<vmem_shared>>) target_semaphore(%run_scoped3A_333 : memref<!tpu.dma_semaphore, #tpu.memory_space<semaphore_mem>>)
      %dma_wait3A_338 = arith.constant 0 : i32
      %dma_wait3A_339 = tpu.memref_slice %arg20[%add3A_97, %dma_wait3A_338] : memref<10000x128xf32, #tpu.memory_space<vmem_shared>> -> memref<25x128xf32, #tpu.memory_space<vmem_shared>>
      %dma_wait3A_340 = arith.constant 0 : i32
      %dma_wait3A_341 = tpu.memref_slice %arg20[%add3A_97, %dma_wait3A_340] : memref<10000x128xf32, #tpu.memory_space<vmem_shared>> -> memref<25x128xf32, #tpu.memory_space<vmem_shared>>
      tpu.wait_dma2 semaphore(%run_scoped3A_333 : memref<!tpu.dma_semaphore, #tpu.memory_space<semaphore_mem>>) src(%arg18 : memref<25x128xf32, #tpu.memory_space<vmem>>) dst(%dma_wait3A_341 : memref<25x128xf32, #tpu.memory_space<vmem_shared>>)
      tpu.yield
    }) : () -> ()
    %mul3A_98 = arith.constant 625 : i32
    %mul3A_99 = arith.muli %arg1, %mul3A_98 : i32
    %add3A_100 = arith.constant 550 : i32
    %add3A_101 = arith.addi %mul3A_99, %add3A_100 : i32
    "tpu.region"() ({
      %run_scoped3A_333 = tpu.sem_alloc : memref<!tpu.dma_semaphore, #tpu.memory_space<semaphore_mem>>
      %dma_start3A_334 = arith.constant 0 : i32
      %dma_start3A_335 = tpu.memref_slice %arg20[%add3A_101, %dma_start3A_334] : memref<10000x128xf32, #tpu.memory_space<vmem_shared>> -> memref<25x128xf32, #tpu.memory_space<vmem_shared>>
      %dma_start3A_336 = arith.constant 0 : i32
      %dma_start3A_337 = tpu.memref_slice %arg20[%add3A_101, %dma_start3A_336] : memref<10000x128xf32, #tpu.memory_space<vmem_shared>> -> memref<25x128xf32, #tpu.memory_space<vmem_shared>>
      tpu.enqueue_dma source(%arg18 : memref<25x128xf32, #tpu.memory_space<vmem>>) target(%dma_start3A_337 : memref<25x128xf32, #tpu.memory_space<vmem_shared>>) target_semaphore(%run_scoped3A_333 : memref<!tpu.dma_semaphore, #tpu.memory_space<semaphore_mem>>)
      %dma_wait3A_338 = arith.constant 0 : i32
      %dma_wait3A_339 = tpu.memref_slice %arg20[%add3A_101, %dma_wait3A_338] : memref<10000x128xf32, #tpu.memory_space<vmem_shared>> -> memref<25x128xf32, #tpu.memory_space<vmem_shared>>
      %dma_wait3A_340 = arith.constant 0 : i32
      %dma_wait3A_341 = tpu.memref_slice %arg20[%add3A_101, %dma_wait3A_340] : memref<10000x128xf32, #tpu.memory_space<vmem_shared>> -> memref<25x128xf32, #tpu.memory_space<vmem_shared>>
      tpu.wait_dma2 semaphore(%run_scoped3A_333 : memref<!tpu.dma_semaphore, #tpu.memory_space<semaphore_mem>>) src(%arg18 : memref<25x128xf32, #tpu.memory_space<vmem>>) dst(%dma_wait3A_341 : memref<25x128xf32, #tpu.memory_space<vmem_shared>>)
      tpu.yield
    }) : () -> ()
    %mul3A_102 = arith.constant 625 : i32
    %mul3A_103 = arith.muli %arg1, %mul3A_102 : i32
    %add3A_104 = arith.constant 575 : i32
    %add3A_105 = arith.addi %mul3A_103, %add3A_104 : i32
    "tpu.region"() ({
      %run_scoped3A_333 = tpu.sem_alloc : memref<!tpu.dma_semaphore, #tpu.memory_space<semaphore_mem>>
      %dma_start3A_334 = arith.constant 0 : i32
      %dma_start3A_335 = tpu.memref_slice %arg20[%add3A_105, %dma_start3A_334] : memref<10000x128xf32, #tpu.memory_space<vmem_shared>> -> memref<25x128xf32, #tpu.memory_space<vmem_shared>>
      %dma_start3A_336 = arith.constant 0 : i32
      %dma_start3A_337 = tpu.memref_slice %arg20[%add3A_105, %dma_start3A_336] : memref<10000x128xf32, #tpu.memory_space<vmem_shared>> -> memref<25x128xf32, #tpu.memory_space<vmem_shared>>
      tpu.enqueue_dma source(%arg18 : memref<25x128xf32, #tpu.memory_space<vmem>>) target(%dma_start3A_337 : memref<25x128xf32, #tpu.memory_space<vmem_shared>>) target_semaphore(%run_scoped3A_333 : memref<!tpu.dma_semaphore, #tpu.memory_space<semaphore_mem>>)
      %dma_wait3A_338 = arith.constant 0 : i32
      %dma_wait3A_339 = tpu.memref_slice %arg20[%add3A_105, %dma_wait3A_338] : memref<10000x128xf32, #tpu.memory_space<vmem_shared>> -> memref<25x128xf32, #tpu.memory_space<vmem_shared>>
      %dma_wait3A_340 = arith.constant 0 : i32
      %dma_wait3A_341 = tpu.memref_slice %arg20[%add3A_105, %dma_wait3A_340] : memref<10000x128xf32, #tpu.memory_space<vmem_shared>> -> memref<25x128xf32, #tpu.memory_space<vmem_shared>>
      tpu.wait_dma2 semaphore(%run_scoped3A_333 : memref<!tpu.dma_semaphore, #tpu.memory_space<semaphore_mem>>) src(%arg18 : memref<25x128xf32, #tpu.memory_space<vmem>>) dst(%dma_wait3A_341 : memref<25x128xf32, #tpu.memory_space<vmem_shared>>)
      tpu.yield
    }) : () -> ()
    %mul3A_106 = arith.constant 625 : i32
    %mul3A_107 = arith.muli %arg1, %mul3A_106 : i32
    %add3A_108 = arith.constant 600 : i32
    %add3A_109 = arith.addi %mul3A_107, %add3A_108 : i32
    "tpu.region"() ({
      %run_scoped3A_333 = tpu.sem_alloc : memref<!tpu.dma_semaphore, #tpu.memory_space<semaphore_mem>>
      %dma_start3A_334 = arith.constant 0 : i32
      %dma_start3A_335 = tpu.memref_slice %arg20[%add3A_109, %dma_start3A_334] : memref<10000x128xf32, #tpu.memory_space<vmem_shared>> -> memref<25x128xf32, #tpu.memory_space<vmem_shared>>
      %dma_start3A_336 = arith.constant 0 : i32
      %dma_start3A_337 = tpu.memref_slice %arg20[%add3A_109, %dma_start3A_336] : memref<10000x128xf32, #tpu.memory_space<vmem_shared>> -> memref<25x128xf32, #tpu.memory_space<vmem_shared>>
      tpu.enqueue_dma source(%arg18 : memref<25x128xf32, #tpu.memory_space<vmem>>) target(%dma_start3A_337 : memref<25x128xf32, #tpu.memory_space<vmem_shared>>) target_semaphore(%run_scoped3A_333 : memref<!tpu.dma_semaphore, #tpu.memory_space<semaphore_mem>>)
      %dma_wait3A_338 = arith.constant 0 : i32
      %dma_wait3A_339 = tpu.memref_slice %arg20[%add3A_109, %dma_wait3A_338] : memref<10000x128xf32, #tpu.memory_space<vmem_shared>> -> memref<25x128xf32, #tpu.memory_space<vmem_shared>>
      %dma_wait3A_340 = arith.constant 0 : i32
      %dma_wait3A_341 = tpu.memref_slice %arg20[%add3A_109, %dma_wait3A_340] : memref<10000x128xf32, #tpu.memory_space<vmem_shared>> -> memref<25x128xf32, #tpu.memory_space<vmem_shared>>
      tpu.wait_dma2 semaphore(%run_scoped3A_333 : memref<!tpu.dma_semaphore, #tpu.memory_space<semaphore_mem>>) src(%arg18 : memref<25x128xf32, #tpu.memory_space<vmem>>) dst(%dma_wait3A_341 : memref<25x128xf32, #tpu.memory_space<vmem_shared>>)
      tpu.yield
    }) : () -> ()
    %barrier3A = arith.constant 0 : index
    tpu.barrier barrier_id(%barrier3A)
    %dma_start3A = arith.constant 0 : i32
    %dma_start3A_110 = arith.constant 0 : i32
    %dma_start3A_111 = arith.constant 0 : i32
    %dma_start3A_112 = tpu.memref_slice %arg4[%add3A, %dma_start3A, %dma_start3A_110, %dma_start3A_111] : memref<32x127x1x80xi32, #tpu.memory_space<hbm>> -> memref<1x1x1x80xi32, #tpu.memory_space<hbm>>
    %dma_start3A_113 = tpu.memref_squeeze %dma_start3A_112 : memref<1x1x1x80xi32, #tpu.memory_space<hbm>> -> memref<1x80xi32, #tpu.memory_space<hbm>>
    %dma_start3A_114 = arith.constant 0 : i32
    %dma_start3A_115 = arith.constant 0 : i32
    %dma_start3A_116 = tpu.memref_slice %arg4[%add3A, %dma_start3A, %dma_start3A_114, %dma_start3A_115] : memref<32x127x1x80xi32, #tpu.memory_space<hbm>> -> memref<1x1x1x80xi32, #tpu.memory_space<hbm>>
    %dma_start3A_117 = tpu.memref_squeeze %dma_start3A_116 : memref<1x1x1x80xi32, #tpu.memory_space<hbm>> -> memref<1x80xi32, #tpu.memory_space<hbm>>
    tpu.enqueue_dma source(%dma_start3A_117 : memref<1x80xi32, #tpu.memory_space<hbm>>) target(%arg10 : memref<1x80xi32, #tpu.memory_space<vmem>>) target_semaphore(%arg21 : memref<!tpu.dma_semaphore, #tpu.memory_space<semaphore_mem>>)
    %dma_start3A_118 = arith.constant 0 : i32
    %dma_start3A_119 = arith.constant 0 : i32
    %dma_start3A_120 = arith.constant 0 : i32
    %dma_start3A_121 = tpu.memref_slice %arg3[%add3A, %dma_start3A_118, %dma_start3A_119, %dma_start3A_120] : memref<32x127x1x80xi32, #tpu.memory_space<hbm>> -> memref<1x1x1x80xi32, #tpu.memory_space<hbm>>
    %dma_start3A_122 = tpu.memref_squeeze %dma_start3A_121 : memref<1x1x1x80xi32, #tpu.memory_space<hbm>> -> memref<1x80xi32, #tpu.memory_space<hbm>>
    %dma_start3A_123 = arith.constant 0 : i32
    %dma_start3A_124 = arith.constant 0 : i32
    %dma_start3A_125 = tpu.memref_slice %arg3[%add3A, %dma_start3A_118, %dma_start3A_123, %dma_start3A_124] : memref<32x127x1x80xi32, #tpu.memory_space<hbm>> -> memref<1x1x1x80xi32, #tpu.memory_space<hbm>>
    %dma_start3A_126 = tpu.memref_squeeze %dma_start3A_125 : memref<1x1x1x80xi32, #tpu.memory_space<hbm>> -> memref<1x80xi32, #tpu.memory_space<hbm>>
    tpu.enqueue_dma source(%dma_start3A_126 : memref<1x80xi32, #tpu.memory_space<hbm>>) target(%arg12 : memref<1x80xi32, #tpu.memory_space<vmem>>) target_semaphore(%arg21 : memref<!tpu.dma_semaphore, #tpu.memory_space<semaphore_mem>>)
    %dma_start3A_127 = arith.constant 0 : i32
    %dma_start3A_128 = arith.constant 0 : i32
    %dma_start3A_129 = arith.constant 0 : i32
    %dma_start3A_130 = tpu.memref_slice %arg5[%add3A, %dma_start3A_127, %dma_start3A_128, %dma_start3A_129] : memref<32x127x1x80xf32, #tpu.memory_space<hbm>> -> memref<1x1x1x80xf32, #tpu.memory_space<hbm>>
    %dma_start3A_131 = tpu.memref_squeeze %dma_start3A_130 : memref<1x1x1x80xf32, #tpu.memory_space<hbm>> -> memref<1x80xf32, #tpu.memory_space<hbm>>
    %dma_start3A_132 = arith.constant 0 : i32
    %dma_start3A_133 = arith.constant 0 : i32
    %dma_start3A_134 = tpu.memref_slice %arg5[%add3A, %dma_start3A_127, %dma_start3A_132, %dma_start3A_133] : memref<32x127x1x80xf32, #tpu.memory_space<hbm>> -> memref<1x1x1x80xf32, #tpu.memory_space<hbm>>
    %dma_start3A_135 = tpu.memref_squeeze %dma_start3A_134 : memref<1x1x1x80xf32, #tpu.memory_space<hbm>> -> memref<1x80xf32, #tpu.memory_space<hbm>>
    tpu.enqueue_dma source(%dma_start3A_135 : memref<1x80xf32, #tpu.memory_space<hbm>>) target(%arg14 : memref<1x80xf32, #tpu.memory_space<vmem>>) target_semaphore(%arg21 : memref<!tpu.dma_semaphore, #tpu.memory_space<semaphore_mem>>)
    %dma_wait3A = arith.constant 0 : i32
    %dma_wait3A_136 = arith.constant 0 : i32
    %dma_wait3A_137 = arith.constant 0 : i32
    %dma_wait3A_138 = tpu.memref_slice %arg4[%add3A, %dma_wait3A, %dma_wait3A_136, %dma_wait3A_137] : memref<32x127x1x80xi32, #tpu.memory_space<hbm>> -> memref<1x1x1x80xi32, #tpu.memory_space<hbm>>
    %dma_wait3A_139 = tpu.memref_squeeze %dma_wait3A_138 : memref<1x1x1x80xi32, #tpu.memory_space<hbm>> -> memref<1x80xi32, #tpu.memory_space<hbm>>
    %dma_wait3A_140 = arith.constant 0 : i32
    %dma_wait3A_141 = arith.constant 0 : i32
    %dma_wait3A_142 = tpu.memref_slice %arg4[%add3A, %dma_wait3A, %dma_wait3A_140, %dma_wait3A_141] : memref<32x127x1x80xi32, #tpu.memory_space<hbm>> -> memref<1x1x1x80xi32, #tpu.memory_space<hbm>>
    %dma_wait3A_143 = tpu.memref_squeeze %dma_wait3A_142 : memref<1x1x1x80xi32, #tpu.memory_space<hbm>> -> memref<1x80xi32, #tpu.memory_space<hbm>>
    tpu.wait_dma2 semaphore(%arg21 : memref<!tpu.dma_semaphore, #tpu.memory_space<semaphore_mem>>) src(%dma_wait3A_143 : memref<1x80xi32, #tpu.memory_space<hbm>>) dst(%arg10 : memref<1x80xi32, #tpu.memory_space<vmem>>)
    %dma_wait3A_144 = arith.constant 0 : i32
    %dma_wait3A_145 = arith.constant 0 : i32
    %dma_wait3A_146 = arith.constant 0 : i32
    %dma_wait3A_147 = tpu.memref_slice %arg3[%add3A, %dma_wait3A_144, %dma_wait3A_145, %dma_wait3A_146] : memref<32x127x1x80xi32, #tpu.memory_space<hbm>> -> memref<1x1x1x80xi32, #tpu.memory_space<hbm>>
    %dma_wait3A_148 = tpu.memref_squeeze %dma_wait3A_147 : memref<1x1x1x80xi32, #tpu.memory_space<hbm>> -> memref<1x80xi32, #tpu.memory_space<hbm>>
    %dma_wait3A_149 = arith.constant 0 : i32
    %dma_wait3A_150 = arith.constant 0 : i32
    %dma_wait3A_151 = tpu.memref_slice %arg3[%add3A, %dma_wait3A_144, %dma_wait3A_149, %dma_wait3A_150] : memref<32x127x1x80xi32, #tpu.memory_space<hbm>> -> memref<1x1x1x80xi32, #tpu.memory_space<hbm>>
    %dma_wait3A_152 = tpu.memref_squeeze %dma_wait3A_151 : memref<1x1x1x80xi32, #tpu.memory_space<hbm>> -> memref<1x80xi32, #tpu.memory_space<hbm>>
    tpu.wait_dma2 semaphore(%arg21 : memref<!tpu.dma_semaphore, #tpu.memory_space<semaphore_mem>>) src(%dma_wait3A_152 : memref<1x80xi32, #tpu.memory_space<hbm>>) dst(%arg12 : memref<1x80xi32, #tpu.memory_space<vmem>>)
    %dma_wait3A_153 = arith.constant 0 : i32
    %dma_wait3A_154 = arith.constant 0 : i32
    %dma_wait3A_155 = arith.constant 0 : i32
    %dma_wait3A_156 = tpu.memref_slice %arg5[%add3A, %dma_wait3A_153, %dma_wait3A_154, %dma_wait3A_155] : memref<32x127x1x80xf32, #tpu.memory_space<hbm>> -> memref<1x1x1x80xf32, #tpu.memory_space<hbm>>
    %dma_wait3A_157 = tpu.memref_squeeze %dma_wait3A_156 : memref<1x1x1x80xf32, #tpu.memory_space<hbm>> -> memref<1x80xf32, #tpu.memory_space<hbm>>
    %dma_wait3A_158 = arith.constant 0 : i32
    %dma_wait3A_159 = arith.constant 0 : i32
    %dma_wait3A_160 = tpu.memref_slice %arg5[%add3A, %dma_wait3A_153, %dma_wait3A_158, %dma_wait3A_159] : memref<32x127x1x80xf32, #tpu.memory_space<hbm>> -> memref<1x1x1x80xf32, #tpu.memory_space<hbm>>
    %dma_wait3A_161 = tpu.memref_squeeze %dma_wait3A_160 : memref<1x1x1x80xf32, #tpu.memory_space<hbm>> -> memref<1x80xf32, #tpu.memory_space<hbm>>
    tpu.wait_dma2 semaphore(%arg21 : memref<!tpu.dma_semaphore, #tpu.memory_space<semaphore_mem>>) src(%dma_wait3A_161 : memref<1x80xf32, #tpu.memory_space<hbm>>) dst(%arg14 : memref<1x80xf32, #tpu.memory_space<vmem>>)
    %dma_start3A_162 = arith.constant 0 : i32
    %dma_start3A_163 = arith.constant 0 : i32
    %dma_start3A_164 = tpu.memref_slice %arg10[%dma_start3A_162, %dma_start3A_163] : memref<1x80xi32, #tpu.memory_space<vmem>> -> memref<1x80xi32, #tpu.memory_space<vmem>>
    %dma_start3A_165 = tpu.memref_squeeze %dma_start3A_164 : memref<1x80xi32, #tpu.memory_space<vmem>> -> memref<80xi32, #tpu.memory_space<vmem>>
    %dma_start3A_166 = arith.constant 0 : i32
    %dma_start3A_167 = arith.constant 0 : i32
    %dma_start3A_168 = tpu.memref_slice %arg2[%dma_start3A_166, %dma_start3A_167] : memref<10000x128xf32, #tpu.memory_space<hbm>> -> memref<10000x128xf32, #tpu.memory_space<hbm>>
    tpu.enqueue_indirect_dma source(%dma_start3A_168 : memref<10000x128xf32, #tpu.memory_space<hbm>>) target(%arg8 : memref<80x128xf32, #tpu.memory_space<vmem>>) offsets(%dma_start3A_165 : memref<80xi32, #tpu.memory_space<vmem>>) semaphore(%arg23 : memref<!tpu.dma_semaphore, #tpu.memory_space<semaphore_mem>>)
    %dma_start3A_169 = arith.constant 1 : i32
    %dma_start3A_170 = arith.constant 0 : i32
    %dma_start3A_171 = arith.constant 0 : i32
    %dma_start3A_172 = tpu.memref_slice %arg4[%add3A, %dma_start3A_169, %dma_start3A_170, %dma_start3A_171] : memref<32x127x1x80xi32, #tpu.memory_space<hbm>> -> memref<1x1x1x80xi32, #tpu.memory_space<hbm>>
    %dma_start3A_173 = tpu.memref_squeeze %dma_start3A_172 : memref<1x1x1x80xi32, #tpu.memory_space<hbm>> -> memref<1x80xi32, #tpu.memory_space<hbm>>
    %dma_start3A_174 = arith.constant 0 : i32
    %dma_start3A_175 = arith.constant 0 : i32
    %dma_start3A_176 = tpu.memref_slice %arg4[%add3A, %dma_start3A_169, %dma_start3A_174, %dma_start3A_175] : memref<32x127x1x80xi32, #tpu.memory_space<hbm>> -> memref<1x1x1x80xi32, #tpu.memory_space<hbm>>
    %dma_start3A_177 = tpu.memref_squeeze %dma_start3A_176 : memref<1x1x1x80xi32, #tpu.memory_space<hbm>> -> memref<1x80xi32, #tpu.memory_space<hbm>>
    tpu.enqueue_dma source(%dma_start3A_177 : memref<1x80xi32, #tpu.memory_space<hbm>>) target(%arg11 : memref<1x80xi32, #tpu.memory_space<vmem>>) target_semaphore(%arg22 : memref<!tpu.dma_semaphore, #tpu.memory_space<semaphore_mem>>)
    %dma_start3A_178 = arith.constant 1 : i32
    %dma_start3A_179 = arith.constant 0 : i32
    %dma_start3A_180 = arith.constant 0 : i32
    %dma_start3A_181 = tpu.memref_slice %arg3[%add3A, %dma_start3A_178, %dma_start3A_179, %dma_start3A_180] : memref<32x127x1x80xi32, #tpu.memory_space<hbm>> -> memref<1x1x1x80xi32, #tpu.memory_space<hbm>>
    %dma_start3A_182 = tpu.memref_squeeze %dma_start3A_181 : memref<1x1x1x80xi32, #tpu.memory_space<hbm>> -> memref<1x80xi32, #tpu.memory_space<hbm>>
    %dma_start3A_183 = arith.constant 0 : i32
    %dma_start3A_184 = arith.constant 0 : i32
    %dma_start3A_185 = tpu.memref_slice %arg3[%add3A, %dma_start3A_178, %dma_start3A_183, %dma_start3A_184] : memref<32x127x1x80xi32, #tpu.memory_space<hbm>> -> memref<1x1x1x80xi32, #tpu.memory_space<hbm>>
    %dma_start3A_186 = tpu.memref_squeeze %dma_start3A_185 : memref<1x1x1x80xi32, #tpu.memory_space<hbm>> -> memref<1x80xi32, #tpu.memory_space<hbm>>
    tpu.enqueue_dma source(%dma_start3A_186 : memref<1x80xi32, #tpu.memory_space<hbm>>) target(%arg13 : memref<1x80xi32, #tpu.memory_space<vmem>>) target_semaphore(%arg22 : memref<!tpu.dma_semaphore, #tpu.memory_space<semaphore_mem>>)
    %dma_start3A_187 = arith.constant 1 : i32
    %dma_start3A_188 = arith.constant 0 : i32
    %dma_start3A_189 = arith.constant 0 : i32
    %dma_start3A_190 = tpu.memref_slice %arg5[%add3A, %dma_start3A_187, %dma_start3A_188, %dma_start3A_189] : memref<32x127x1x80xf32, #tpu.memory_space<hbm>> -> memref<1x1x1x80xf32, #tpu.memory_space<hbm>>
    %dma_start3A_191 = tpu.memref_squeeze %dma_start3A_190 : memref<1x1x1x80xf32, #tpu.memory_space<hbm>> -> memref<1x80xf32, #tpu.memory_space<hbm>>
    %dma_start3A_192 = arith.constant 0 : i32
    %dma_start3A_193 = arith.constant 0 : i32
    %dma_start3A_194 = tpu.memref_slice %arg5[%add3A, %dma_start3A_187, %dma_start3A_192, %dma_start3A_193] : memref<32x127x1x80xf32, #tpu.memory_space<hbm>> -> memref<1x1x1x80xf32, #tpu.memory_space<hbm>>
    %dma_start3A_195 = tpu.memref_squeeze %dma_start3A_194 : memref<1x1x1x80xf32, #tpu.memory_space<hbm>> -> memref<1x80xf32, #tpu.memory_space<hbm>>
    tpu.enqueue_dma source(%dma_start3A_195 : memref<1x80xf32, #tpu.memory_space<hbm>>) target(%arg15 : memref<1x80xf32, #tpu.memory_space<vmem>>) target_semaphore(%arg22 : memref<!tpu.dma_semaphore, #tpu.memory_space<semaphore_mem>>)
    %scan3A_196 = arith.constant 0 : i32
    %scan3A_197 = arith.constant 0 : i32
    %scan3A_198 = arith.constant 63 : i32
    %scan3A_199 = arith.addi %scan3A_197, %scan3A_198 : i32
    %scan3A_200 = arith.constant 1 : i32
    scf.for %scan3A_333 = %scan3A_197 to %scan3A_199 step %scan3A_200  : i32 {
      %mul3A_334 = arith.constant 2 : i32
      %mul3A_335 = arith.muli %mul3A_334, %scan3A_333 : i32
      %add3A_336 = arith.constant 1 : i32
      %add3A_337 = arith.addi %mul3A_335, %add3A_336 : i32
      %mul3A_338 = arith.constant 2 : i32
      %mul3A_339 = arith.muli %mul3A_338, %scan3A_333 : i32
      %add3A_340 = arith.constant 2 : i32
      %add3A_341 = arith.addi %mul3A_339, %add3A_340 : i32
      %add3A_342 = arith.constant 2 : i32
      %add3A_343 = arith.addi %add3A_337, %add3A_342 : i32
      %min3A = arith.constant 126 : i32
      %min3A_344 = arith.minsi %add3A_343, %min3A : i32
      %dma_wait3A_345 = arith.constant 0 : i32
      %dma_wait3A_346 = arith.constant 0 : i32
      %dma_wait3A_347 = tpu.memref_slice %arg4[%add3A, %add3A_337, %dma_wait3A_345, %dma_wait3A_346] : memref<32x127x1x80xi32, #tpu.memory_space<hbm>> -> memref<1x1x1x80xi32, #tpu.memory_space<hbm>>
      %dma_wait3A_348 = tpu.memref_squeeze %dma_wait3A_347 : memref<1x1x1x80xi32, #tpu.memory_space<hbm>> -> memref<1x80xi32, #tpu.memory_space<hbm>>
      %dma_wait3A_349 = arith.constant 0 : i32
      %dma_wait3A_350 = arith.constant 0 : i32
      %dma_wait3A_351 = tpu.memref_slice %arg4[%add3A, %add3A_337, %dma_wait3A_349, %dma_wait3A_350] : memref<32x127x1x80xi32, #tpu.memory_space<hbm>> -> memref<1x1x1x80xi32, #tpu.memory_space<hbm>>
      %dma_wait3A_352 = tpu.memref_squeeze %dma_wait3A_351 : memref<1x1x1x80xi32, #tpu.memory_space<hbm>> -> memref<1x80xi32, #tpu.memory_space<hbm>>
      tpu.wait_dma2 semaphore(%arg22 : memref<!tpu.dma_semaphore, #tpu.memory_space<semaphore_mem>>) src(%dma_wait3A_352 : memref<1x80xi32, #tpu.memory_space<hbm>>) dst(%arg11 : memref<1x80xi32, #tpu.memory_space<vmem>>)
      %dma_wait3A_353 = arith.constant 0 : i32
      %dma_wait3A_354 = arith.constant 0 : i32
      %dma_wait3A_355 = tpu.memref_slice %arg3[%add3A, %add3A_337, %dma_wait3A_353, %dma_wait3A_354] : memref<32x127x1x80xi32, #tpu.memory_space<hbm>> -> memref<1x1x1x80xi32, #tpu.memory_space<hbm>>
      %dma_wait3A_356 = tpu.memref_squeeze %dma_wait3A_355 : memref<1x1x1x80xi32, #tpu.memory_space<hbm>> -> memref<1x80xi32, #tpu.memory_space<hbm>>
      %dma_wait3A_357 = arith.constant 0 : i32
      %dma_wait3A_358 = arith.constant 0 : i32
      %dma_wait3A_359 = tpu.memref_slice %arg3[%add3A, %add3A_337, %dma_wait3A_357, %dma_wait3A_358] : memref<32x127x1x80xi32, #tpu.memory_space<hbm>> -> memref<1x1x1x80xi32, #tpu.memory_space<hbm>>
      %dma_wait3A_360 = tpu.memref_squeeze %dma_wait3A_359 : memref<1x1x1x80xi32, #tpu.memory_space<hbm>> -> memref<1x80xi32, #tpu.memory_space<hbm>>
      tpu.wait_dma2 semaphore(%arg22 : memref<!tpu.dma_semaphore, #tpu.memory_space<semaphore_mem>>) src(%dma_wait3A_360 : memref<1x80xi32, #tpu.memory_space<hbm>>) dst(%arg13 : memref<1x80xi32, #tpu.memory_space<vmem>>)
      %dma_wait3A_361 = arith.constant 0 : i32
      %dma_wait3A_362 = arith.constant 0 : i32
      %dma_wait3A_363 = tpu.memref_slice %arg5[%add3A, %add3A_337, %dma_wait3A_361, %dma_wait3A_362] : memref<32x127x1x80xf32, #tpu.memory_space<hbm>> -> memref<1x1x1x80xf32, #tpu.memory_space<hbm>>
      %dma_wait3A_364 = tpu.memref_squeeze %dma_wait3A_363 : memref<1x1x1x80xf32, #tpu.memory_space<hbm>> -> memref<1x80xf32, #tpu.memory_space<hbm>>
      %dma_wait3A_365 = arith.constant 0 : i32
      %dma_wait3A_366 = arith.constant 0 : i32
      %dma_wait3A_367 = tpu.memref_slice %arg5[%add3A, %add3A_337, %dma_wait3A_365, %dma_wait3A_366] : memref<32x127x1x80xf32, #tpu.memory_space<hbm>> -> memref<1x1x1x80xf32, #tpu.memory_space<hbm>>
      %dma_wait3A_368 = tpu.memref_squeeze %dma_wait3A_367 : memref<1x1x1x80xf32, #tpu.memory_space<hbm>> -> memref<1x80xf32, #tpu.memory_space<hbm>>
      tpu.wait_dma2 semaphore(%arg22 : memref<!tpu.dma_semaphore, #tpu.memory_space<semaphore_mem>>) src(%dma_wait3A_368 : memref<1x80xf32, #tpu.memory_space<hbm>>) dst(%arg15 : memref<1x80xf32, #tpu.memory_space<vmem>>)
      %dma_start3A_369 = arith.constant 0 : i32
      %dma_start3A_370 = arith.constant 0 : i32
      %dma_start3A_371 = tpu.memref_slice %arg11[%dma_start3A_369, %dma_start3A_370] : memref<1x80xi32, #tpu.memory_space<vmem>> -> memref<1x80xi32, #tpu.memory_space<vmem>>
      %dma_start3A_372 = tpu.memref_squeeze %dma_start3A_371 : memref<1x80xi32, #tpu.memory_space<vmem>> -> memref<80xi32, #tpu.memory_space<vmem>>
      %dma_start3A_373 = arith.constant 0 : i32
      %dma_start3A_374 = arith.constant 0 : i32
      %dma_start3A_375 = tpu.memref_slice %arg2[%dma_start3A_373, %dma_start3A_374] : memref<10000x128xf32, #tpu.memory_space<hbm>> -> memref<10000x128xf32, #tpu.memory_space<hbm>>
      tpu.enqueue_indirect_dma source(%dma_start3A_375 : memref<10000x128xf32, #tpu.memory_space<hbm>>) target(%arg9 : memref<80x128xf32, #tpu.memory_space<vmem>>) offsets(%dma_start3A_372 : memref<80xi32, #tpu.memory_space<vmem>>) semaphore(%arg24 : memref<!tpu.dma_semaphore, #tpu.memory_space<semaphore_mem>>)
      %dma_wait3A_376 = arith.constant 0 : i32
      %dma_wait3A_377 = arith.constant 0 : i32
      %dma_wait3A_378 = tpu.memref_slice %arg10[%dma_wait3A_376, %dma_wait3A_377] : memref<1x80xi32, #tpu.memory_space<vmem>> -> memref<1x80xi32, #tpu.memory_space<vmem>>
      %dma_wait3A_379 = tpu.memref_squeeze %dma_wait3A_378 : memref<1x80xi32, #tpu.memory_space<vmem>> -> memref<80xi32, #tpu.memory_space<vmem>>
      %dma_wait3A_380 = arith.constant 0 : i32
      %dma_wait3A_381 = arith.constant 0 : i32
      %dma_wait3A_382 = tpu.memref_slice %arg2[%dma_wait3A_380, %dma_wait3A_381] : memref<10000x128xf32, #tpu.memory_space<hbm>> -> memref<10000x128xf32, #tpu.memory_space<hbm>>
      tpu.wait_indirect_dma semaphore(%arg23 : memref<!tpu.dma_semaphore, #tpu.memory_space<semaphore_mem>>) src(%dma_wait3A_382 : memref<10000x128xf32, #tpu.memory_space<hbm>>) dst(%arg8 : memref<80x128xf32, #tpu.memory_space<vmem>>)
      %get3A_383 = arith.constant 0 : i32
      %get3A_384 = arith.index_cast %get3A_383 : i32 to index
      %get3A_385 = arith.constant 0 : index
      %get3A_386 = tpu.vector_load %arg14[%get3A_384, %get3A_385] {strides = array<i32>} : memref<1x80xf32, #tpu.memory_space<vmem>>, vector<16xf32>,
      %sub3A_387 = vector.broadcast %squeeze3A : f32 to vector<16xf32>
      %sub3A_388 = arith.subf %get3A_386, %sub3A_387 : vector<16xf32>
      %exp3A_389 = math.exp %sub3A_388 : vector<16xf32>
      %mul3A_390 = vector.broadcast %squeeze3A_3 : f32 to vector<16xf32>
      %mul3A_391 = arith.mulf %exp3A_389, %mul3A_390 : vector<16xf32>
      %swap3A_392 = arith.constant 0 : index
      %swap3A_393 = tpu.vector_load %arg16[%swap3A_392] {strides = array<i32>} : memref<80xf32, #tpu.memory_space<vmem>>, vector<16xf32>,
      tpu.vector_store %arg16[%swap3A_392], %mul3A_391 {strides = array<i32>} : memref<80xf32, #tpu.memory_space<vmem>>, vector<16xf32>,
      %get3A_394 = arith.constant 0 : i32
      %get3A_395 = arith.index_cast %get3A_394 : i32 to index
      %get3A_396 = arith.constant 16 : index
      %get3A_397 = tpu.vector_load %arg14[%get3A_395, %get3A_396] {strides = array<i32>} : memref<1x80xf32, #tpu.memory_space<vmem>>, vector<16xf32>,
      %sub3A_398 = vector.broadcast %squeeze3A : f32 to vector<16xf32>
      %sub3A_399 = arith.subf %get3A_397, %sub3A_398 : vector<16xf32>
      %exp3A_400 = math.exp %sub3A_399 : vector<16xf32>
      %mul3A_401 = vector.broadcast %squeeze3A_3 : f32 to vector<16xf32>
      %mul3A_402 = arith.mulf %exp3A_400, %mul3A_401 : vector<16xf32>
      %swap3A_403 = arith.constant 16 : index
      %swap3A_404 = tpu.vector_load %arg16[%swap3A_403] {strides = array<i32>} : memref<80xf32, #tpu.memory_space<vmem>>, vector<16xf32>,
      tpu.vector_store %arg16[%swap3A_403], %mul3A_402 {strides = array<i32>} : memref<80xf32, #tpu.memory_space<vmem>>, vector<16xf32>,
      %get3A_405 = arith.constant 0 : i32
      %get3A_406 = arith.index_cast %get3A_405 : i32 to index
      %get3A_407 = arith.constant 32 : index
      %get3A_408 = tpu.vector_load %arg14[%get3A_406, %get3A_407] {strides = array<i32>} : memref<1x80xf32, #tpu.memory_space<vmem>>, vector<16xf32>,
      %sub3A_409 = vector.broadcast %squeeze3A : f32 to vector<16xf32>
      %sub3A_410 = arith.subf %get3A_408, %sub3A_409 : vector<16xf32>
      %exp3A_411 = math.exp %sub3A_410 : vector<16xf32>
      %mul3A_412 = vector.broadcast %squeeze3A_3 : f32 to vector<16xf32>
      %mul3A_413 = arith.mulf %exp3A_411, %mul3A_412 : vector<16xf32>
      %swap3A_414 = arith.constant 32 : index
      %swap3A_415 = tpu.vector_load %arg16[%swap3A_414] {strides = array<i32>} : memref<80xf32, #tpu.memory_space<vmem>>, vector<16xf32>,
      tpu.vector_store %arg16[%swap3A_414], %mul3A_413 {strides = array<i32>} : memref<80xf32, #tpu.memory_space<vmem>>, vector<16xf32>,
      %get3A_416 = arith.constant 0 : i32
      %get3A_417 = arith.index_cast %get3A_416 : i32 to index
      %get3A_418 = arith.constant 48 : index
      %get3A_419 = tpu.vector_load %arg14[%get3A_417, %get3A_418] {strides = array<i32>} : memref<1x80xf32, #tpu.memory_space<vmem>>, vector<16xf32>,
      %sub3A_420 = vector.broadcast %squeeze3A : f32 to vector<16xf32>
      %sub3A_421 = arith.subf %get3A_419, %sub3A_420 : vector<16xf32>
      %exp3A_422 = math.exp %sub3A_421 : vector<16xf32>
      %mul3A_423 = vector.broadcast %squeeze3A_3 : f32 to vector<16xf32>
      %mul3A_424 = arith.mulf %exp3A_422, %mul3A_423 : vector<16xf32>
      %swap3A_425 = arith.constant 48 : index
      %swap3A_426 = tpu.vector_load %arg16[%swap3A_425] {strides = array<i32>} : memref<80xf32, #tpu.memory_space<vmem>>, vector<16xf32>,
      tpu.vector_store %arg16[%swap3A_425], %mul3A_424 {strides = array<i32>} : memref<80xf32, #tpu.memory_space<vmem>>, vector<16xf32>,
      %get3A_427 = arith.constant 0 : i32
      %get3A_428 = arith.index_cast %get3A_427 : i32 to index
      %get3A_429 = arith.constant 64 : index
      %get3A_430 = tpu.vector_load %arg14[%get3A_428, %get3A_429] {strides = array<i32>} : memref<1x80xf32, #tpu.memory_space<vmem>>, vector<16xf32>,
      %sub3A_431 = vector.broadcast %squeeze3A : f32 to vector<16xf32>
      %sub3A_432 = arith.subf %get3A_430, %sub3A_431 : vector<16xf32>
      %exp3A_433 = math.exp %sub3A_432 : vector<16xf32>
      %mul3A_434 = vector.broadcast %squeeze3A_3 : f32 to vector<16xf32>
      %mul3A_435 = arith.mulf %exp3A_433, %mul3A_434 : vector<16xf32>
      %swap3A_436 = arith.constant 64 : index
      %swap3A_437 = tpu.vector_load %arg16[%swap3A_436] {strides = array<i32>} : memref<80xf32, #tpu.memory_space<vmem>>, vector<16xf32>,
      tpu.vector_store %arg16[%swap3A_436], %mul3A_435 {strides = array<i32>} : memref<80xf32, #tpu.memory_space<vmem>>, vector<16xf32>,
      %scan3A_438 = arith.constant 0 : i32
      %scan3A_439 = arith.constant 0 : i32
      %scan3A_440 = arith.constant 80 : i32
      %scan3A_441 = arith.addi %scan3A_439, %scan3A_440 : i32
      %scan3A_442 = arith.constant 1 : i32
      scf.for %scan3A_619 = %scan3A_439 to %scan3A_441 step %scan3A_442  : i32 {
        %broadcast_in_dim3A_620 = vector.broadcast %scan3A_619 : i32 to vector<16xi32>
        %gather3A = tpu.vector_load_idx %arg16[%broadcast_in_dim3A_620] : memref<80xf32, #tpu.memory_space<vmem>>[vector<16xi32>], vector<16xf32>,
        %get3A_621 = arith.index_cast %scan3A_619 : i32 to index
        %get3A_622 = arith.constant 0 : index
        %get3A_623 = tpu.vector_load %arg8[%get3A_621, %get3A_622] {strides = array<i32>} : memref<80x128xf32, #tpu.memory_space<vmem>>, vector<16xf32>,
        %mul3A_624 = arith.mulf %get3A_623, %gather3A : vector<16xf32>
        %swap3A_625 = arith.index_cast %scan3A_619 : i32 to index
        %swap3A_626 = arith.constant 0 : index
        %swap3A_627 = tpu.vector_load %arg8[%swap3A_625, %swap3A_626] {strides = array<i32>} : memref<80x128xf32, #tpu.memory_space<vmem>>, vector<16xf32>,
        tpu.vector_store %arg8[%swap3A_625, %swap3A_626], %mul3A_624 {strides = array<i32>} : memref<80x128xf32, #tpu.memory_space<vmem>>, vector<16xf32>,
        %get3A_628 = arith.index_cast %scan3A_619 : i32 to index
        %get3A_629 = arith.constant 16 : index
        %get3A_630 = tpu.vector_load %arg8[%get3A_628, %get3A_629] {strides = array<i32>} : memref<80x128xf32, #tpu.memory_space<vmem>>, vector<16xf32>,
        %mul3A_631 = arith.mulf %get3A_630, %gather3A : vector<16xf32>
        %swap3A_632 = arith.index_cast %scan3A_619 : i32 to index
        %swap3A_633 = arith.constant 16 : index
        %swap3A_634 = tpu.vector_load %arg8[%swap3A_632, %swap3A_633] {strides = array<i32>} : memref<80x128xf32, #tpu.memory_space<vmem>>, vector<16xf32>,
        tpu.vector_store %arg8[%swap3A_632, %swap3A_633], %mul3A_631 {strides = array<i32>} : memref<80x128xf32, #tpu.memory_space<vmem>>, vector<16xf32>,
        %get3A_635 = arith.index_cast %scan3A_619 : i32 to index
        %get3A_636 = arith.constant 32 : index
        %get3A_637 = tpu.vector_load %arg8[%get3A_635, %get3A_636] {strides = array<i32>} : memref<80x128xf32, #tpu.memory_space<vmem>>, vector<16xf32>,
        %mul3A_638 = arith.mulf %get3A_637, %gather3A : vector<16xf32>
        %swap3A_639 = arith.index_cast %scan3A_619 : i32 to index
        %swap3A_640 = arith.constant 32 : index
        %swap3A_641 = tpu.vector_load %arg8[%swap3A_639, %swap3A_640] {strides = array<i32>} : memref<80x128xf32, #tpu.memory_space<vmem>>, vector<16xf32>,
        tpu.vector_store %arg8[%swap3A_639, %swap3A_640], %mul3A_638 {strides = array<i32>} : memref<80x128xf32, #tpu.memory_space<vmem>>, vector<16xf32>,
        %get3A_642 = arith.index_cast %scan3A_619 : i32 to index
        %get3A_643 = arith.constant 48 : index
        %get3A_644 = tpu.vector_load %arg8[%get3A_642, %get3A_643] {strides = array<i32>} : memref<80x128xf32, #tpu.memory_space<vmem>>, vector<16xf32>,
        %mul3A_645 = arith.mulf %get3A_644, %gather3A : vector<16xf32>
        %swap3A_646 = arith.index_cast %scan3A_619 : i32 to index
        %swap3A_647 = arith.constant 48 : index
        %swap3A_648 = tpu.vector_load %arg8[%swap3A_646, %swap3A_647] {strides = array<i32>} : memref<80x128xf32, #tpu.memory_space<vmem>>, vector<16xf32>,
        tpu.vector_store %arg8[%swap3A_646, %swap3A_647], %mul3A_645 {strides = array<i32>} : memref<80x128xf32, #tpu.memory_space<vmem>>, vector<16xf32>,
        %get3A_649 = arith.index_cast %scan3A_619 : i32 to index
        %get3A_650 = arith.constant 64 : index
        %get3A_651 = tpu.vector_load %arg8[%get3A_649, %get3A_650] {strides = array<i32>} : memref<80x128xf32, #tpu.memory_space<vmem>>, vector<16xf32>,
        %mul3A_652 = arith.mulf %get3A_651, %gather3A : vector<16xf32>
        %swap3A_653 = arith.index_cast %scan3A_619 : i32 to index
        %swap3A_654 = arith.constant 64 : index
        %swap3A_655 = tpu.vector_load %arg8[%swap3A_653, %swap3A_654] {strides = array<i32>} : memref<80x128xf32, #tpu.memory_space<vmem>>, vector<16xf32>,
        tpu.vector_store %arg8[%swap3A_653, %swap3A_654], %mul3A_652 {strides = array<i32>} : memref<80x128xf32, #tpu.memory_space<vmem>>, vector<16xf32>,
        %get3A_656 = arith.index_cast %scan3A_619 : i32 to index
        %get3A_657 = arith.constant 80 : index
        %get3A_658 = tpu.vector_load %arg8[%get3A_656, %get3A_657] {strides = array<i32>} : memref<80x128xf32, #tpu.memory_space<vmem>>, vector<16xf32>,
        %mul3A_659 = arith.mulf %get3A_658, %gather3A : vector<16xf32>
        %swap3A_660 = arith.index_cast %scan3A_619 : i32 to index
        %swap3A_661 = arith.constant 80 : index
        %swap3A_662 = tpu.vector_load %arg8[%swap3A_660, %swap3A_661] {strides = array<i32>} : memref<80x128xf32, #tpu.memory_space<vmem>>, vector<16xf32>,
        tpu.vector_store %arg8[%swap3A_660, %swap3A_661], %mul3A_659 {strides = array<i32>} : memref<80x128xf32, #tpu.memory_space<vmem>>, vector<16xf32>,
        %get3A_663 = arith.index_cast %scan3A_619 : i32 to index
        %get3A_664 = arith.constant 96 : index
        %get3A_665 = tpu.vector_load %arg8[%get3A_663, %get3A_664] {strides = array<i32>} : memref<80x128xf32, #tpu.memory_space<vmem>>, vector<16xf32>,
        %mul3A_666 = arith.mulf %get3A_665, %gather3A : vector<16xf32>
        %swap3A_667 = arith.index_cast %scan3A_619 : i32 to index
        %swap3A_668 = arith.constant 96 : index
        %swap3A_669 = tpu.vector_load %arg8[%swap3A_667, %swap3A_668] {strides = array<i32>} : memref<80x128xf32, #tpu.memory_space<vmem>>, vector<16xf32>,
        tpu.vector_store %arg8[%swap3A_667, %swap3A_668], %mul3A_666 {strides = array<i32>} : memref<80x128xf32, #tpu.memory_space<vmem>>, vector<16xf32>,
        %get3A_670 = arith.index_cast %scan3A_619 : i32 to index
        %get3A_671 = arith.constant 112 : index
        %get3A_672 = tpu.vector_load %arg8[%get3A_670, %get3A_671] {strides = array<i32>} : memref<80x128xf32, #tpu.memory_space<vmem>>, vector<16xf32>,
        %mul3A_673 = arith.mulf %get3A_672, %gather3A : vector<16xf32>
        %swap3A_674 = arith.index_cast %scan3A_619 : i32 to index
        %swap3A_675 = arith.constant 112 : index
        %swap3A_676 = tpu.vector_load %arg8[%swap3A_674, %swap3A_675] {strides = array<i32>} : memref<80x128xf32, #tpu.memory_space<vmem>>, vector<16xf32>,
        tpu.vector_store %arg8[%swap3A_674, %swap3A_675], %mul3A_673 {strides = array<i32>} : memref<80x128xf32, #tpu.memory_space<vmem>>, vector<16xf32>,
      }
      %scan3A_443 = arith.constant 80 : i32
      %dma_start3A_444 = arith.constant 0 : i32
      %dma_start3A_445 = arith.constant 0 : i32
      %dma_start3A_446 = tpu.memref_slice %arg12[%dma_start3A_444, %dma_start3A_445] : memref<1x80xi32, #tpu.memory_space<vmem>> -> memref<1x80xi32, #tpu.memory_space<vmem>>
      %dma_start3A_447 = tpu.memref_squeeze %dma_start3A_446 : memref<1x80xi32, #tpu.memory_space<vmem>> -> memref<80xi32, #tpu.memory_space<vmem>>
      %dma_start3A_448 = arith.constant 0 : i32
      %dma_start3A_449 = arith.constant 0 : i32
      %dma_start3A_450 = tpu.memref_slice %arg20[%dma_start3A_448, %dma_start3A_449] : memref<10000x128xf32, #tpu.memory_space<vmem_shared>> -> memref<10000x128xf32, #tpu.memory_space<vmem_shared>>
      tpu.enqueue_indirect_dma source(%arg8 : memref<80x128xf32, #tpu.memory_space<vmem>>) target(%dma_start3A_450 : memref<10000x128xf32, #tpu.memory_space<vmem_shared>>) offsets(%dma_start3A_447 : memref<80xi32, #tpu.memory_space<vmem>>) semaphore(%arg25 : memref<!tpu.dma_semaphore, #tpu.memory_space<semaphore_mem>>) {add = true}
      %dma_wait3A_451 = arith.constant 0 : i32
      %dma_wait3A_452 = arith.constant 0 : i32
      %dma_wait3A_453 = tpu.memref_slice %arg11[%dma_wait3A_451, %dma_wait3A_452] : memref<1x80xi32, #tpu.memory_space<vmem>> -> memref<1x80xi32, #tpu.memory_space<vmem>>
      %dma_wait3A_454 = tpu.memref_squeeze %dma_wait3A_453 : memref<1x80xi32, #tpu.memory_space<vmem>> -> memref<80xi32, #tpu.memory_space<vmem>>
      %dma_wait3A_455 = arith.constant 0 : i32
      %dma_wait3A_456 = arith.constant 0 : i32
      %dma_wait3A_457 = tpu.memref_slice %arg2[%dma_wait3A_455, %dma_wait3A_456] : memref<10000x128xf32, #tpu.memory_space<hbm>> -> memref<10000x128xf32, #tpu.memory_space<hbm>>
      tpu.wait_indirect_dma semaphore(%arg24 : memref<!tpu.dma_semaphore, #tpu.memory_space<semaphore_mem>>) src(%dma_wait3A_457 : memref<10000x128xf32, #tpu.memory_space<hbm>>) dst(%arg9 : memref<80x128xf32, #tpu.memory_space<vmem>>)
      %get3A_458 = arith.constant 0 : i32
      %get3A_459 = arith.index_cast %get3A_458 : i32 to index
      %get3A_460 = arith.constant 0 : index
      %get3A_461 = tpu.vector_load %arg15[%get3A_459, %get3A_460] {strides = array<i32>} : memref<1x80xf32, #tpu.memory_space<vmem>>, vector<16xf32>,
      %sub3A_462 = vector.broadcast %squeeze3A : f32 to vector<16xf32>
      %sub3A_463 = arith.subf %get3A_461, %sub3A_462 : vector<16xf32>
      %exp3A_464 = math.exp %sub3A_463 : vector<16xf32>
      %mul3A_465 = vector.broadcast %squeeze3A_3 : f32 to vector<16xf32>
      %mul3A_466 = arith.mulf %exp3A_464, %mul3A_465 : vector<16xf32>
      %swap3A_467 = arith.constant 0 : index
      %swap3A_468 = tpu.vector_load %arg17[%swap3A_467] {strides = array<i32>} : memref<80xf32, #tpu.memory_space<vmem>>, vector<16xf32>,
      tpu.vector_store %arg17[%swap3A_467], %mul3A_466 {strides = array<i32>} : memref<80xf32, #tpu.memory_space<vmem>>, vector<16xf32>,
      %get3A_469 = arith.constant 0 : i32
      %get3A_470 = arith.index_cast %get3A_469 : i32 to index
      %get3A_471 = arith.constant 16 : index
      %get3A_472 = tpu.vector_load %arg15[%get3A_470, %get3A_471] {strides = array<i32>} : memref<1x80xf32, #tpu.memory_space<vmem>>, vector<16xf32>,
      %sub3A_473 = vector.broadcast %squeeze3A : f32 to vector<16xf32>
      %sub3A_474 = arith.subf %get3A_472, %sub3A_473 : vector<16xf32>
      %exp3A_475 = math.exp %sub3A_474 : vector<16xf32>
      %mul3A_476 = vector.broadcast %squeeze3A_3 : f32 to vector<16xf32>
      %mul3A_477 = arith.mulf %exp3A_475, %mul3A_476 : vector<16xf32>
      %swap3A_478 = arith.constant 16 : index
      %swap3A_479 = tpu.vector_load %arg17[%swap3A_478] {strides = array<i32>} : memref<80xf32, #tpu.memory_space<vmem>>, vector<16xf32>,
      tpu.vector_store %arg17[%swap3A_478], %mul3A_477 {strides = array<i32>} : memref<80xf32, #tpu.memory_space<vmem>>, vector<16xf32>,
      %get3A_480 = arith.constant 0 : i32
      %get3A_481 = arith.index_cast %get3A_480 : i32 to index
      %get3A_482 = arith.constant 32 : index
      %get3A_483 = tpu.vector_load %arg15[%get3A_481, %get3A_482] {strides = array<i32>} : memref<1x80xf32, #tpu.memory_space<vmem>>, vector<16xf32>,
      %sub3A_484 = vector.broadcast %squeeze3A : f32 to vector<16xf32>
      %sub3A_485 = arith.subf %get3A_483, %sub3A_484 : vector<16xf32>
      %exp3A_486 = math.exp %sub3A_485 : vector<16xf32>
      %mul3A_487 = vector.broadcast %squeeze3A_3 : f32 to vector<16xf32>
      %mul3A_488 = arith.mulf %exp3A_486, %mul3A_487 : vector<16xf32>
      %swap3A_489 = arith.constant 32 : index
      %swap3A_490 = tpu.vector_load %arg17[%swap3A_489] {strides = array<i32>} : memref<80xf32, #tpu.memory_space<vmem>>, vector<16xf32>,
      tpu.vector_store %arg17[%swap3A_489], %mul3A_488 {strides = array<i32>} : memref<80xf32, #tpu.memory_space<vmem>>, vector<16xf32>,
      %get3A_491 = arith.constant 0 : i32
      %get3A_492 = arith.index_cast %get3A_491 : i32 to index
      %get3A_493 = arith.constant 48 : index
      %get3A_494 = tpu.vector_load %arg15[%get3A_492, %get3A_493] {strides = array<i32>} : memref<1x80xf32, #tpu.memory_space<vmem>>, vector<16xf32>,
      %sub3A_495 = vector.broadcast %squeeze3A : f32 to vector<16xf32>
      %sub3A_496 = arith.subf %get3A_494, %sub3A_495 : vector<16xf32>
      %exp3A_497 = math.exp %sub3A_496 : vector<16xf32>
      %mul3A_498 = vector.broadcast %squeeze3A_3 : f32 to vector<16xf32>
      %mul3A_499 = arith.mulf %exp3A_497, %mul3A_498 : vector<16xf32>
      %swap3A_500 = arith.constant 48 : index
      %swap3A_501 = tpu.vector_load %arg17[%swap3A_500] {strides = array<i32>} : memref<80xf32, #tpu.memory_space<vmem>>, vector<16xf32>,
      tpu.vector_store %arg17[%swap3A_500], %mul3A_499 {strides = array<i32>} : memref<80xf32, #tpu.memory_space<vmem>>, vector<16xf32>,
      %get3A_502 = arith.constant 0 : i32
      %get3A_503 = arith.index_cast %get3A_502 : i32 to index
      %get3A_504 = arith.constant 64 : index
      %get3A_505 = tpu.vector_load %arg15[%get3A_503, %get3A_504] {strides = array<i32>} : memref<1x80xf32, #tpu.memory_space<vmem>>, vector<16xf32>,
      %sub3A_506 = vector.broadcast %squeeze3A : f32 to vector<16xf32>
      %sub3A_507 = arith.subf %get3A_505, %sub3A_506 : vector<16xf32>
      %exp3A_508 = math.exp %sub3A_507 : vector<16xf32>
      %mul3A_509 = vector.broadcast %squeeze3A_3 : f32 to vector<16xf32>
      %mul3A_510 = arith.mulf %exp3A_508, %mul3A_509 : vector<16xf32>
      %swap3A_511 = arith.constant 64 : index
      %swap3A_512 = tpu.vector_load %arg17[%swap3A_511] {strides = array<i32>} : memref<80xf32, #tpu.memory_space<vmem>>, vector<16xf32>,
      tpu.vector_store %arg17[%swap3A_511], %mul3A_510 {strides = array<i32>} : memref<80xf32, #tpu.memory_space<vmem>>, vector<16xf32>,
      %dma_wait3A_513 = arith.constant 0 : i32
      %dma_wait3A_514 = arith.constant 0 : i32
      %dma_wait3A_515 = tpu.memref_slice %arg12[%dma_wait3A_513, %dma_wait3A_514] : memref<1x80xi32, #tpu.memory_space<vmem>> -> memref<1x80xi32, #tpu.memory_space<vmem>>
      %dma_wait3A_516 = tpu.memref_squeeze %dma_wait3A_515 : memref<1x80xi32, #tpu.memory_space<vmem>> -> memref<80xi32, #tpu.memory_space<vmem>>
      %dma_wait3A_517 = arith.constant 0 : i32
      %dma_wait3A_518 = arith.constant 0 : i32
      %dma_wait3A_519 = tpu.memref_slice %arg20[%dma_wait3A_517, %dma_wait3A_518] : memref<10000x128xf32, #tpu.memory_space<vmem_shared>> -> memref<10000x128xf32, #tpu.memory_space<vmem_shared>>
      tpu.wait_indirect_dma semaphore(%arg25 : memref<!tpu.dma_semaphore, #tpu.memory_space<semaphore_mem>>) src(%arg8 : memref<80x128xf32, #tpu.memory_space<vmem>>) dst(%dma_wait3A_519 : memref<10000x128xf32, #tpu.memory_space<vmem_shared>>)
      %dma_start3A_520 = arith.constant 0 : i32
      %dma_start3A_521 = arith.constant 0 : i32
      %dma_start3A_522 = tpu.memref_slice %arg4[%add3A, %add3A_341, %dma_start3A_520, %dma_start3A_521] : memref<32x127x1x80xi32, #tpu.memory_space<hbm>> -> memref<1x1x1x80xi32, #tpu.memory_space<hbm>>
      %dma_start3A_523 = tpu.memref_squeeze %dma_start3A_522 : memref<1x1x1x80xi32, #tpu.memory_space<hbm>> -> memref<1x80xi32, #tpu.memory_space<hbm>>
      %dma_start3A_524 = arith.constant 0 : i32
      %dma_start3A_525 = arith.constant 0 : i32
      %dma_start3A_526 = tpu.memref_slice %arg4[%add3A, %add3A_341, %dma_start3A_524, %dma_start3A_525] : memref<32x127x1x80xi32, #tpu.memory_space<hbm>> -> memref<1x1x1x80xi32, #tpu.memory_space<hbm>>
      %dma_start3A_527 = tpu.memref_squeeze %dma_start3A_526 : memref<1x1x1x80xi32, #tpu.memory_space<hbm>> -> memref<1x80xi32, #tpu.memory_space<hbm>>
      tpu.enqueue_dma source(%dma_start3A_527 : memref<1x80xi32, #tpu.memory_space<hbm>>) target(%arg10 : memref<1x80xi32, #tpu.memory_space<vmem>>) target_semaphore(%arg21 : memref<!tpu.dma_semaphore, #tpu.memory_space<semaphore_mem>>)
      %dma_start3A_528 = arith.constant 0 : i32
      %dma_start3A_529 = arith.constant 0 : i32
      %dma_start3A_530 = tpu.memref_slice %arg3[%add3A, %add3A_341, %dma_start3A_528, %dma_start3A_529] : memref<32x127x1x80xi32, #tpu.memory_space<hbm>> -> memref<1x1x1x80xi32, #tpu.memory_space<hbm>>
      %dma_start3A_531 = tpu.memref_squeeze %dma_start3A_530 : memref<1x1x1x80xi32, #tpu.memory_space<hbm>> -> memref<1x80xi32, #tpu.memory_space<hbm>>
      %dma_start3A_532 = arith.constant 0 : i32
      %dma_start3A_533 = arith.constant 0 : i32
      %dma_start3A_534 = tpu.memref_slice %arg3[%add3A, %add3A_341, %dma_start3A_532, %dma_start3A_533] : memref<32x127x1x80xi32, #tpu.memory_space<hbm>> -> memref<1x1x1x80xi32, #tpu.memory_space<hbm>>
      %dma_start3A_535 = tpu.memref_squeeze %dma_start3A_534 : memref<1x1x1x80xi32, #tpu.memory_space<hbm>> -> memref<1x80xi32, #tpu.memory_space<hbm>>
      tpu.enqueue_dma source(%dma_start3A_535 : memref<1x80xi32, #tpu.memory_space<hbm>>) target(%arg12 : memref<1x80xi32, #tpu.memory_space<vmem>>) target_semaphore(%arg21 : memref<!tpu.dma_semaphore, #tpu.memory_space<semaphore_mem>>)
      %dma_start3A_536 = arith.constant 0 : i32
      %dma_start3A_537 = arith.constant 0 : i32
      %dma_start3A_538 = tpu.memref_slice %arg5[%add3A, %add3A_341, %dma_start3A_536, %dma_start3A_537] : memref<32x127x1x80xf32, #tpu.memory_space<hbm>> -> memref<1x1x1x80xf32, #tpu.memory_space<hbm>>
      %dma_start3A_539 = tpu.memref_squeeze %dma_start3A_538 : memref<1x1x1x80xf32, #tpu.memory_space<hbm>> -> memref<1x80xf32, #tpu.memory_space<hbm>>
      %dma_start3A_540 = arith.constant 0 : i32
      %dma_start3A_541 = arith.constant 0 : i32
      %dma_start3A_542 = tpu.memref_slice %arg5[%add3A, %add3A_341, %dma_start3A_540, %dma_start3A_541] : memref<32x127x1x80xf32, #tpu.memory_space<hbm>> -> memref<1x1x1x80xf32, #tpu.memory_space<hbm>>
      %dma_start3A_543 = tpu.memref_squeeze %dma_start3A_542 : memref<1x1x1x80xf32, #tpu.memory_space<hbm>> -> memref<1x80xf32, #tpu.memory_space<hbm>>
      tpu.enqueue_dma source(%dma_start3A_543 : memref<1x80xf32, #tpu.memory_space<hbm>>) target(%arg14 : memref<1x80xf32, #tpu.memory_space<vmem>>) target_semaphore(%arg21 : memref<!tpu.dma_semaphore, #tpu.memory_space<semaphore_mem>>)
      %scan3A_544 = arith.constant 0 : i32
      %scan3A_545 = arith.constant 0 : i32
      %scan3A_546 = arith.constant 80 : i32
      %scan3A_547 = arith.addi %scan3A_545, %scan3A_546 : i32
      %scan3A_548 = arith.constant 1 : i32
      scf.for %scan3A_619 = %scan3A_545 to %scan3A_547 step %scan3A_548  : i32 {
        %broadcast_in_dim3A_620 = vector.broadcast %scan3A_619 : i32 to vector<16xi32>
        %gather3A = tpu.vector_load_idx %arg17[%broadcast_in_dim3A_620] : memref<80xf32, #tpu.memory_space<vmem>>[vector<16xi32>], vector<16xf32>,
        %get3A_621 = arith.index_cast %scan3A_619 : i32 to index
        %get3A_622 = arith.constant 0 : index
        %get3A_623 = tpu.vector_load %arg9[%get3A_621, %get3A_622] {strides = array<i32>} : memref<80x128xf32, #tpu.memory_space<vmem>>, vector<16xf32>,
        %mul3A_624 = arith.mulf %get3A_623, %gather3A : vector<16xf32>
        %swap3A_625 = arith.index_cast %scan3A_619 : i32 to index
        %swap3A_626 = arith.constant 0 : index
        %swap3A_627 = tpu.vector_load %arg9[%swap3A_625, %swap3A_626] {strides = array<i32>} : memref<80x128xf32, #tpu.memory_space<vmem>>, vector<16xf32>,
        tpu.vector_store %arg9[%swap3A_625, %swap3A_626], %mul3A_624 {strides = array<i32>} : memref<80x128xf32, #tpu.memory_space<vmem>>, vector<16xf32>,
        %get3A_628 = arith.index_cast %scan3A_619 : i32 to index
        %get3A_629 = arith.constant 16 : index
        %get3A_630 = tpu.vector_load %arg9[%get3A_628, %get3A_629] {strides = array<i32>} : memref<80x128xf32, #tpu.memory_space<vmem>>, vector<16xf32>,
        %mul3A_631 = arith.mulf %get3A_630, %gather3A : vector<16xf32>
        %swap3A_632 = arith.index_cast %scan3A_619 : i32 to index
        %swap3A_633 = arith.constant 16 : index
        %swap3A_634 = tpu.vector_load %arg9[%swap3A_632, %swap3A_633] {strides = array<i32>} : memref<80x128xf32, #tpu.memory_space<vmem>>, vector<16xf32>,
        tpu.vector_store %arg9[%swap3A_632, %swap3A_633], %mul3A_631 {strides = array<i32>} : memref<80x128xf32, #tpu.memory_space<vmem>>, vector<16xf32>,
        %get3A_635 = arith.index_cast %scan3A_619 : i32 to index
        %get3A_636 = arith.constant 32 : index
        %get3A_637 = tpu.vector_load %arg9[%get3A_635, %get3A_636] {strides = array<i32>} : memref<80x128xf32, #tpu.memory_space<vmem>>, vector<16xf32>,
        %mul3A_638 = arith.mulf %get3A_637, %gather3A : vector<16xf32>
        %swap3A_639 = arith.index_cast %scan3A_619 : i32 to index
        %swap3A_640 = arith.constant 32 : index
        %swap3A_641 = tpu.vector_load %arg9[%swap3A_639, %swap3A_640] {strides = array<i32>} : memref<80x128xf32, #tpu.memory_space<vmem>>, vector<16xf32>,
        tpu.vector_store %arg9[%swap3A_639, %swap3A_640], %mul3A_638 {strides = array<i32>} : memref<80x128xf32, #tpu.memory_space<vmem>>, vector<16xf32>,
        %get3A_642 = arith.index_cast %scan3A_619 : i32 to index
        %get3A_643 = arith.constant 48 : index
        %get3A_644 = tpu.vector_load %arg9[%get3A_642, %get3A_643] {strides = array<i32>} : memref<80x128xf32, #tpu.memory_space<vmem>>, vector<16xf32>,
        %mul3A_645 = arith.mulf %get3A_644, %gather3A : vector<16xf32>
        %swap3A_646 = arith.index_cast %scan3A_619 : i32 to index
        %swap3A_647 = arith.constant 48 : index
        %swap3A_648 = tpu.vector_load %arg9[%swap3A_646, %swap3A_647] {strides = array<i32>} : memref<80x128xf32, #tpu.memory_space<vmem>>, vector<16xf32>,
        tpu.vector_store %arg9[%swap3A_646, %swap3A_647], %mul3A_645 {strides = array<i32>} : memref<80x128xf32, #tpu.memory_space<vmem>>, vector<16xf32>,
        %get3A_649 = arith.index_cast %scan3A_619 : i32 to index
        %get3A_650 = arith.constant 64 : index
        %get3A_651 = tpu.vector_load %arg9[%get3A_649, %get3A_650] {strides = array<i32>} : memref<80x128xf32, #tpu.memory_space<vmem>>, vector<16xf32>,
        %mul3A_652 = arith.mulf %get3A_651, %gather3A : vector<16xf32>
        %swap3A_653 = arith.index_cast %scan3A_619 : i32 to index
        %swap3A_654 = arith.constant 64 : index
        %swap3A_655 = tpu.vector_load %arg9[%swap3A_653, %swap3A_654] {strides = array<i32>} : memref<80x128xf32, #tpu.memory_space<vmem>>, vector<16xf32>,
        tpu.vector_store %arg9[%swap3A_653, %swap3A_654], %mul3A_652 {strides = array<i32>} : memref<80x128xf32, #tpu.memory_space<vmem>>, vector<16xf32>,
        %get3A_656 = arith.index_cast %scan3A_619 : i32 to index
        %get3A_657 = arith.constant 80 : index
        %get3A_658 = tpu.vector_load %arg9[%get3A_656, %get3A_657] {strides = array<i32>} : memref<80x128xf32, #tpu.memory_space<vmem>>, vector<16xf32>,
        %mul3A_659 = arith.mulf %get3A_658, %gather3A : vector<16xf32>
        %swap3A_660 = arith.index_cast %scan3A_619 : i32 to index
        %swap3A_661 = arith.constant 80 : index
        %swap3A_662 = tpu.vector_load %arg9[%swap3A_660, %swap3A_661] {strides = array<i32>} : memref<80x128xf32, #tpu.memory_space<vmem>>, vector<16xf32>,
        tpu.vector_store %arg9[%swap3A_660, %swap3A_661], %mul3A_659 {strides = array<i32>} : memref<80x128xf32, #tpu.memory_space<vmem>>, vector<16xf32>,
        %get3A_663 = arith.index_cast %scan3A_619 : i32 to index
        %get3A_664 = arith.constant 96 : index
        %get3A_665 = tpu.vector_load %arg9[%get3A_663, %get3A_664] {strides = array<i32>} : memref<80x128xf32, #tpu.memory_space<vmem>>, vector<16xf32>,
        %mul3A_666 = arith.mulf %get3A_665, %gather3A : vector<16xf32>
        %swap3A_667 = arith.index_cast %scan3A_619 : i32 to index
        %swap3A_668 = arith.constant 96 : index
        %swap3A_669 = tpu.vector_load %arg9[%swap3A_667, %swap3A_668] {strides = array<i32>} : memref<80x128xf32, #tpu.memory_space<vmem>>, vector<16xf32>,
        tpu.vector_store %arg9[%swap3A_667, %swap3A_668], %mul3A_666 {strides = array<i32>} : memref<80x128xf32, #tpu.memory_space<vmem>>, vector<16xf32>,
        %get3A_670 = arith.index_cast %scan3A_619 : i32 to index
        %get3A_671 = arith.constant 112 : index
        %get3A_672 = tpu.vector_load %arg9[%get3A_670, %get3A_671] {strides = array<i32>} : memref<80x128xf32, #tpu.memory_space<vmem>>, vector<16xf32>,
        %mul3A_673 = arith.mulf %get3A_672, %gather3A : vector<16xf32>
        %swap3A_674 = arith.index_cast %scan3A_619 : i32 to index
        %swap3A_675 = arith.constant 112 : index
        %swap3A_676 = tpu.vector_load %arg9[%swap3A_674, %swap3A_675] {strides = array<i32>} : memref<80x128xf32, #tpu.memory_space<vmem>>, vector<16xf32>,
        tpu.vector_store %arg9[%swap3A_674, %swap3A_675], %mul3A_673 {strides = array<i32>} : memref<80x128xf32, #tpu.memory_space<vmem>>, vector<16xf32>,
      }
      %scan3A_549 = arith.constant 80 : i32
      %dma_start3A_550 = arith.constant 0 : i32
      %dma_start3A_551 = arith.constant 0 : i32
      %dma_start3A_552 = tpu.memref_slice %arg13[%dma_start3A_550, %dma_start3A_551] : memref<1x80xi32, #tpu.memory_space<vmem>> -> memref<1x80xi32, #tpu.memory_space<vmem>>
      %dma_start3A_553 = tpu.memref_squeeze %dma_start3A_552 : memref<1x80xi32, #tpu.memory_space<vmem>> -> memref<80xi32, #tpu.memory_space<vmem>>
      %dma_start3A_554 = arith.constant 0 : i32
      %dma_start3A_555 = arith.constant 0 : i32
      %dma_start3A_556 = tpu.memref_slice %arg20[%dma_start3A_554, %dma_start3A_555] : memref<10000x128xf32, #tpu.memory_space<vmem_shared>> -> memref<10000x128xf32, #tpu.memory_space<vmem_shared>>
      tpu.enqueue_indirect_dma source(%arg9 : memref<80x128xf32, #tpu.memory_space<vmem>>) target(%dma_start3A_556 : memref<10000x128xf32, #tpu.memory_space<vmem_shared>>) offsets(%dma_start3A_553 : memref<80xi32, #tpu.memory_space<vmem>>) semaphore(%arg26 : memref<!tpu.dma_semaphore, #tpu.memory_space<semaphore_mem>>) {add = true}
      %dma_wait3A_557 = arith.constant 0 : i32
      %dma_wait3A_558 = arith.constant 0 : i32
      %dma_wait3A_559 = tpu.memref_slice %arg4[%add3A, %add3A_341, %dma_wait3A_557, %dma_wait3A_558] : memref<32x127x1x80xi32, #tpu.memory_space<hbm>> -> memref<1x1x1x80xi32, #tpu.memory_space<hbm>>
      %dma_wait3A_560 = tpu.memref_squeeze %dma_wait3A_559 : memref<1x1x1x80xi32, #tpu.memory_space<hbm>> -> memref<1x80xi32, #tpu.memory_space<hbm>>
      %dma_wait3A_561 = arith.constant 0 : i32
      %dma_wait3A_562 = arith.constant 0 : i32
      %dma_wait3A_563 = tpu.memref_slice %arg4[%add3A, %add3A_341, %dma_wait3A_561, %dma_wait3A_562] : memref<32x127x1x80xi32, #tpu.memory_space<hbm>> -> memref<1x1x1x80xi32, #tpu.memory_space<hbm>>
      %dma_wait3A_564 = tpu.memref_squeeze %dma_wait3A_563 : memref<1x1x1x80xi32, #tpu.memory_space<hbm>> -> memref<1x80xi32, #tpu.memory_space<hbm>>
      tpu.wait_dma2 semaphore(%arg21 : memref<!tpu.dma_semaphore, #tpu.memory_space<semaphore_mem>>) src(%dma_wait3A_564 : memref<1x80xi32, #tpu.memory_space<hbm>>) dst(%arg10 : memref<1x80xi32, #tpu.memory_space<vmem>>)
      %dma_wait3A_565 = arith.constant 0 : i32
      %dma_wait3A_566 = arith.constant 0 : i32
      %dma_wait3A_567 = tpu.memref_slice %arg3[%add3A, %add3A_341, %dma_wait3A_565, %dma_wait3A_566] : memref<32x127x1x80xi32, #tpu.memory_space<hbm>> -> memref<1x1x1x80xi32, #tpu.memory_space<hbm>>
      %dma_wait3A_568 = tpu.memref_squeeze %dma_wait3A_567 : memref<1x1x1x80xi32, #tpu.memory_space<hbm>> -> memref<1x80xi32, #tpu.memory_space<hbm>>
      %dma_wait3A_569 = arith.constant 0 : i32
      %dma_wait3A_570 = arith.constant 0 : i32
      %dma_wait3A_571 = tpu.memref_slice %arg3[%add3A, %add3A_341, %dma_wait3A_569, %dma_wait3A_570] : memref<32x127x1x80xi32, #tpu.memory_space<hbm>> -> memref<1x1x1x80xi32, #tpu.memory_space<hbm>>
      %dma_wait3A_572 = tpu.memref_squeeze %dma_wait3A_571 : memref<1x1x1x80xi32, #tpu.memory_space<hbm>> -> memref<1x80xi32, #tpu.memory_space<hbm>>
      tpu.wait_dma2 semaphore(%arg21 : memref<!tpu.dma_semaphore, #tpu.memory_space<semaphore_mem>>) src(%dma_wait3A_572 : memref<1x80xi32, #tpu.memory_space<hbm>>) dst(%arg12 : memref<1x80xi32, #tpu.memory_space<vmem>>)
      %dma_wait3A_573 = arith.constant 0 : i32
      %dma_wait3A_574 = arith.constant 0 : i32
      %dma_wait3A_575 = tpu.memref_slice %arg5[%add3A, %add3A_341, %dma_wait3A_573, %dma_wait3A_574] : memref<32x127x1x80xf32, #tpu.memory_space<hbm>> -> memref<1x1x1x80xf32, #tpu.memory_space<hbm>>
      %dma_wait3A_576 = tpu.memref_squeeze %dma_wait3A_575 : memref<1x1x1x80xf32, #tpu.memory_space<hbm>> -> memref<1x80xf32, #tpu.memory_space<hbm>>
      %dma_wait3A_577 = arith.constant 0 : i32
      %dma_wait3A_578 = arith.constant 0 : i32
      %dma_wait3A_579 = tpu.memref_slice %arg5[%add3A, %add3A_341, %dma_wait3A_577, %dma_wait3A_578] : memref<32x127x1x80xf32, #tpu.memory_space<hbm>> -> memref<1x1x1x80xf32, #tpu.memory_space<hbm>>
      %dma_wait3A_580 = tpu.memref_squeeze %dma_wait3A_579 : memref<1x1x1x80xf32, #tpu.memory_space<hbm>> -> memref<1x80xf32, #tpu.memory_space<hbm>>
      tpu.wait_dma2 semaphore(%arg21 : memref<!tpu.dma_semaphore, #tpu.memory_space<semaphore_mem>>) src(%dma_wait3A_580 : memref<1x80xf32, #tpu.memory_space<hbm>>) dst(%arg14 : memref<1x80xf32, #tpu.memory_space<vmem>>)
      %dma_start3A_581 = arith.constant 0 : i32
      %dma_start3A_582 = arith.constant 0 : i32
      %dma_start3A_583 = tpu.memref_slice %arg10[%dma_start3A_581, %dma_start3A_582] : memref<1x80xi32, #tpu.memory_space<vmem>> -> memref<1x80xi32, #tpu.memory_space<vmem>>
      %dma_start3A_584 = tpu.memref_squeeze %dma_start3A_583 : memref<1x80xi32, #tpu.memory_space<vmem>> -> memref<80xi32, #tpu.memory_space<vmem>>
      %dma_start3A_585 = arith.constant 0 : i32
      %dma_start3A_586 = arith.constant 0 : i32
      %dma_start3A_587 = tpu.memref_slice %arg2[%dma_start3A_585, %dma_start3A_586] : memref<10000x128xf32, #tpu.memory_space<hbm>> -> memref<10000x128xf32, #tpu.memory_space<hbm>>
      tpu.enqueue_indirect_dma source(%dma_start3A_587 : memref<10000x128xf32, #tpu.memory_space<hbm>>) target(%arg8 : memref<80x128xf32, #tpu.memory_space<vmem>>) offsets(%dma_start3A_584 : memref<80xi32, #tpu.memory_space<vmem>>) semaphore(%arg23 : memref<!tpu.dma_semaphore, #tpu.memory_space<semaphore_mem>>)
      %dma_wait3A_588 = arith.constant 0 : i32
      %dma_wait3A_589 = arith.constant 0 : i32
      %dma_wait3A_590 = tpu.memref_slice %arg13[%dma_wait3A_588, %dma_wait3A_589] : memref<1x80xi32, #tpu.memory_space<vmem>> -> memref<1x80xi32, #tpu.memory_space<vmem>>
      %dma_wait3A_591 = tpu.memref_squeeze %dma_wait3A_590 : memref<1x80xi32, #tpu.memory_space<vmem>> -> memref<80xi32, #tpu.memory_space<vmem>>
      %dma_wait3A_592 = arith.constant 0 : i32
      %dma_wait3A_593 = arith.constant 0 : i32
      %dma_wait3A_594 = tpu.memref_slice %arg20[%dma_wait3A_592, %dma_wait3A_593] : memref<10000x128xf32, #tpu.memory_space<vmem_shared>> -> memref<10000x128xf32, #tpu.memory_space<vmem_shared>>
      tpu.wait_indirect_dma semaphore(%arg26 : memref<!tpu.dma_semaphore, #tpu.memory_space<semaphore_mem>>) src(%arg9 : memref<80x128xf32, #tpu.memory_space<vmem>>) dst(%dma_wait3A_594 : memref<10000x128xf32, #tpu.memory_space<vmem_shared>>)
      %dma_start3A_595 = arith.constant 0 : i32
      %dma_start3A_596 = arith.constant 0 : i32
      %dma_start3A_597 = tpu.memref_slice %arg4[%add3A, %min3A_344, %dma_start3A_595, %dma_start3A_596] : memref<32x127x1x80xi32, #tpu.memory_space<hbm>> -> memref<1x1x1x80xi32, #tpu.memory_space<hbm>>
      %dma_start3A_598 = tpu.memref_squeeze %dma_start3A_597 : memref<1x1x1x80xi32, #tpu.memory_space<hbm>> -> memref<1x80xi32, #tpu.memory_space<hbm>>
      %dma_start3A_599 = arith.constant 0 : i32
      %dma_start3A_600 = arith.constant 0 : i32
      %dma_start3A_601 = tpu.memref_slice %arg4[%add3A, %min3A_344, %dma_start3A_599, %dma_start3A_600] : memref<32x127x1x80xi32, #tpu.memory_space<hbm>> -> memref<1x1x1x80xi32, #tpu.memory_space<hbm>>
      %dma_start3A_602 = tpu.memref_squeeze %dma_start3A_601 : memref<1x1x1x80xi32, #tpu.memory_space<hbm>> -> memref<1x80xi32, #tpu.memory_space<hbm>>
      tpu.enqueue_dma source(%dma_start3A_602 : memref<1x80xi32, #tpu.memory_space<hbm>>) target(%arg11 : memref<1x80xi32, #tpu.memory_space<vmem>>) target_semaphore(%arg22 : memref<!tpu.dma_semaphore, #tpu.memory_space<semaphore_mem>>)
      %dma_start3A_603 = arith.constant 0 : i32
      %dma_start3A_604 = arith.constant 0 : i32
      %dma_start3A_605 = tpu.memref_slice %arg3[%add3A, %min3A_344, %dma_start3A_603, %dma_start3A_604] : memref<32x127x1x80xi32, #tpu.memory_space<hbm>> -> memref<1x1x1x80xi32, #tpu.memory_space<hbm>>
      %dma_start3A_606 = tpu.memref_squeeze %dma_start3A_605 : memref<1x1x1x80xi32, #tpu.memory_space<hbm>> -> memref<1x80xi32, #tpu.memory_space<hbm>>
      %dma_start3A_607 = arith.constant 0 : i32
      %dma_start3A_608 = arith.constant 0 : i32
      %dma_start3A_609 = tpu.memref_slice %arg3[%add3A, %min3A_344, %dma_start3A_607, %dma_start3A_608] : memref<32x127x1x80xi32, #tpu.memory_space<hbm>> -> memref<1x1x1x80xi32, #tpu.memory_space<hbm>>
      %dma_start3A_610 = tpu.memref_squeeze %dma_start3A_609 : memref<1x1x1x80xi32, #tpu.memory_space<hbm>> -> memref<1x80xi32, #tpu.memory_space<hbm>>
      tpu.enqueue_dma source(%dma_start3A_610 : memref<1x80xi32, #tpu.memory_space<hbm>>) target(%arg13 : memref<1x80xi32, #tpu.memory_space<vmem>>) target_semaphore(%arg22 : memref<!tpu.dma_semaphore, #tpu.memory_space<semaphore_mem>>)
      %dma_start3A_611 = arith.constant 0 : i32
      %dma_start3A_612 = arith.constant 0 : i32
      %dma_start3A_613 = tpu.memref_slice %arg5[%add3A, %min3A_344, %dma_start3A_611, %dma_start3A_612] : memref<32x127x1x80xf32, #tpu.memory_space<hbm>> -> memref<1x1x1x80xf32, #tpu.memory_space<hbm>>
      %dma_start3A_614 = tpu.memref_squeeze %dma_start3A_613 : memref<1x1x1x80xf32, #tpu.memory_space<hbm>> -> memref<1x80xf32, #tpu.memory_space<hbm>>
      %dma_start3A_615 = arith.constant 0 : i32
      %dma_start3A_616 = arith.constant 0 : i32
      %dma_start3A_617 = tpu.memref_slice %arg5[%add3A, %min3A_344, %dma_start3A_615, %dma_start3A_616] : memref<32x127x1x80xf32, #tpu.memory_space<hbm>> -> memref<1x1x1x80xf32, #tpu.memory_space<hbm>>
      %dma_start3A_618 = tpu.memref_squeeze %dma_start3A_617 : memref<1x1x1x80xf32, #tpu.memory_space<hbm>> -> memref<1x80xf32, #tpu.memory_space<hbm>>
      tpu.enqueue_dma source(%dma_start3A_618 : memref<1x80xf32, #tpu.memory_space<hbm>>) target(%arg15 : memref<1x80xf32, #tpu.memory_space<vmem>>) target_semaphore(%arg22 : memref<!tpu.dma_semaphore, #tpu.memory_space<semaphore_mem>>)
    }
    %scan3A_201 = arith.constant 63 : i32
    %dma_wait3A_202 = arith.constant 126 : i32
    %dma_wait3A_203 = arith.constant 0 : i32
    %dma_wait3A_204 = arith.constant 0 : i32
    %dma_wait3A_205 = tpu.memref_slice %arg4[%add3A, %dma_wait3A_202, %dma_wait3A_203, %dma_wait3A_204] : memref<32x127x1x80xi32, #tpu.memory_space<hbm>> -> memref<1x1x1x80xi32, #tpu.memory_space<hbm>>
    %dma_wait3A_206 = tpu.memref_squeeze %dma_wait3A_205 : memref<1x1x1x80xi32, #tpu.memory_space<hbm>> -> memref<1x80xi32, #tpu.memory_space<hbm>>
    %dma_wait3A_207 = arith.constant 0 : i32
    %dma_wait3A_208 = arith.constant 0 : i32
    %dma_wait3A_209 = tpu.memref_slice %arg4[%add3A, %dma_wait3A_202, %dma_wait3A_207, %dma_wait3A_208] : memref<32x127x1x80xi32, #tpu.memory_space<hbm>> -> memref<1x1x1x80xi32, #tpu.memory_space<hbm>>
    %dma_wait3A_210 = tpu.memref_squeeze %dma_wait3A_209 : memref<1x1x1x80xi32, #tpu.memory_space<hbm>> -> memref<1x80xi32, #tpu.memory_space<hbm>>
    tpu.wait_dma2 semaphore(%arg22 : memref<!tpu.dma_semaphore, #tpu.memory_space<semaphore_mem>>) src(%dma_wait3A_210 : memref<1x80xi32, #tpu.memory_space<hbm>>) dst(%arg11 : memref<1x80xi32, #tpu.memory_space<vmem>>)
    %dma_wait3A_211 = arith.constant 126 : i32
    %dma_wait3A_212 = arith.constant 0 : i32
    %dma_wait3A_213 = arith.constant 0 : i32
    %dma_wait3A_214 = tpu.memref_slice %arg3[%add3A, %dma_wait3A_211, %dma_wait3A_212, %dma_wait3A_213] : memref<32x127x1x80xi32, #tpu.memory_space<hbm>> -> memref<1x1x1x80xi32, #tpu.memory_space<hbm>>
    %dma_wait3A_215 = tpu.memref_squeeze %dma_wait3A_214 : memref<1x1x1x80xi32, #tpu.memory_space<hbm>> -> memref<1x80xi32, #tpu.memory_space<hbm>>
    %dma_wait3A_216 = arith.constant 0 : i32
    %dma_wait3A_217 = arith.constant 0 : i32
    %dma_wait3A_218 = tpu.memref_slice %arg3[%add3A, %dma_wait3A_211, %dma_wait3A_216, %dma_wait3A_217] : memref<32x127x1x80xi32, #tpu.memory_space<hbm>> -> memref<1x1x1x80xi32, #tpu.memory_space<hbm>>
    %dma_wait3A_219 = tpu.memref_squeeze %dma_wait3A_218 : memref<1x1x1x80xi32, #tpu.memory_space<hbm>> -> memref<1x80xi32, #tpu.memory_space<hbm>>
    tpu.wait_dma2 semaphore(%arg22 : memref<!tpu.dma_semaphore, #tpu.memory_space<semaphore_mem>>) src(%dma_wait3A_219 : memref<1x80xi32, #tpu.memory_space<hbm>>) dst(%arg13 : memref<1x80xi32, #tpu.memory_space<vmem>>)
    %dma_wait3A_220 = arith.constant 126 : i32
    %dma_wait3A_221 = arith.constant 0 : i32
    %dma_wait3A_222 = arith.constant 0 : i32
    %dma_wait3A_223 = tpu.memref_slice %arg5[%add3A, %dma_wait3A_220, %dma_wait3A_221, %dma_wait3A_222] : memref<32x127x1x80xf32, #tpu.memory_space<hbm>> -> memref<1x1x1x80xf32, #tpu.memory_space<hbm>>
    %dma_wait3A_224 = tpu.memref_squeeze %dma_wait3A_223 : memref<1x1x1x80xf32, #tpu.memory_space<hbm>> -> memref<1x80xf32, #tpu.memory_space<hbm>>
    %dma_wait3A_225 = arith.constant 0 : i32
    %dma_wait3A_226 = arith.constant 0 : i32
    %dma_wait3A_227 = tpu.memref_slice %arg5[%add3A, %dma_wait3A_220, %dma_wait3A_225, %dma_wait3A_226] : memref<32x127x1x80xf32, #tpu.memory_space<hbm>> -> memref<1x1x1x80xf32, #tpu.memory_space<hbm>>
    %dma_wait3A_228 = tpu.memref_squeeze %dma_wait3A_227 : memref<1x1x1x80xf32, #tpu.memory_space<hbm>> -> memref<1x80xf32, #tpu.memory_space<hbm>>
    tpu.wait_dma2 semaphore(%arg22 : memref<!tpu.dma_semaphore, #tpu.memory_space<semaphore_mem>>) src(%dma_wait3A_228 : memref<1x80xf32, #tpu.memory_space<hbm>>) dst(%arg15 : memref<1x80xf32, #tpu.memory_space<vmem>>)
    %dma_wait3A_229 = arith.constant 0 : i32
    %dma_wait3A_230 = arith.constant 0 : i32
    %dma_wait3A_231 = tpu.memref_slice %arg10[%dma_wait3A_229, %dma_wait3A_230] : memref<1x80xi32, #tpu.memory_space<vmem>> -> memref<1x80xi32, #tpu.memory_space<vmem>>
    %dma_wait3A_232 = tpu.memref_squeeze %dma_wait3A_231 : memref<1x80xi32, #tpu.memory_space<vmem>> -> memref<80xi32, #tpu.memory_space<vmem>>
    %dma_wait3A_233 = arith.constant 0 : i32
    %dma_wait3A_234 = arith.constant 0 : i32
    %dma_wait3A_235 = tpu.memref_slice %arg2[%dma_wait3A_233, %dma_wait3A_234] : memref<10000x128xf32, #tpu.memory_space<hbm>> -> memref<10000x128xf32, #tpu.memory_space<hbm>>
    tpu.wait_indirect_dma semaphore(%arg23 : memref<!tpu.dma_semaphore, #tpu.memory_space<semaphore_mem>>) src(%dma_wait3A_235 : memref<10000x128xf32, #tpu.memory_space<hbm>>) dst(%arg8 : memref<80x128xf32, #tpu.memory_space<vmem>>)
    %get3A_236 = arith.constant 0 : i32
    %get3A_237 = arith.index_cast %get3A_236 : i32 to index
    %get3A_238 = arith.constant 0 : index
    %get3A_239 = tpu.vector_load %arg14[%get3A_237, %get3A_238] {strides = array<i32>} : memref<1x80xf32, #tpu.memory_space<vmem>>, vector<16xf32>,
    %sub3A = vector.broadcast %squeeze3A : f32 to vector<16xf32>
    %sub3A_240 = arith.subf %get3A_239, %sub3A : vector<16xf32>
    %exp3A = math.exp %sub3A_240 : vector<16xf32>
    %mul3A_241 = vector.broadcast %squeeze3A_3 : f32 to vector<16xf32>
    %mul3A_242 = arith.mulf %exp3A, %mul3A_241 : vector<16xf32>
    %swap3A = arith.constant 0 : index
    %swap3A_243 = tpu.vector_load %arg16[%swap3A] {strides = array<i32>} : memref<80xf32, #tpu.memory_space<vmem>>, vector<16xf32>,
    tpu.vector_store %arg16[%swap3A], %mul3A_242 {strides = array<i32>} : memref<80xf32, #tpu.memory_space<vmem>>, vector<16xf32>,
    %get3A_244 = arith.constant 0 : i32
    %get3A_245 = arith.index_cast %get3A_244 : i32 to index
    %get3A_246 = arith.constant 16 : index
    %get3A_247 = tpu.vector_load %arg14[%get3A_245, %get3A_246] {strides = array<i32>} : memref<1x80xf32, #tpu.memory_space<vmem>>, vector<16xf32>,
    %sub3A_248 = vector.broadcast %squeeze3A : f32 to vector<16xf32>
    %sub3A_249 = arith.subf %get3A_247, %sub3A_248 : vector<16xf32>
    %exp3A_250 = math.exp %sub3A_249 : vector<16xf32>
    %mul3A_251 = vector.broadcast %squeeze3A_3 : f32 to vector<16xf32>
    %mul3A_252 = arith.mulf %exp3A_250, %mul3A_251 : vector<16xf32>
    %swap3A_253 = arith.constant 16 : index
    %swap3A_254 = tpu.vector_load %arg16[%swap3A_253] {strides = array<i32>} : memref<80xf32, #tpu.memory_space<vmem>>, vector<16xf32>,
    tpu.vector_store %arg16[%swap3A_253], %mul3A_252 {strides = array<i32>} : memref<80xf32, #tpu.memory_space<vmem>>, vector<16xf32>,
    %get3A_255 = arith.constant 0 : i32
    %get3A_256 = arith.index_cast %get3A_255 : i32 to index
    %get3A_257 = arith.constant 32 : index
    %get3A_258 = tpu.vector_load %arg14[%get3A_256, %get3A_257] {strides = array<i32>} : memref<1x80xf32, #tpu.memory_space<vmem>>, vector<16xf32>,
    %sub3A_259 = vector.broadcast %squeeze3A : f32 to vector<16xf32>
    %sub3A_260 = arith.subf %get3A_258, %sub3A_259 : vector<16xf32>
    %exp3A_261 = math.exp %sub3A_260 : vector<16xf32>
    %mul3A_262 = vector.broadcast %squeeze3A_3 : f32 to vector<16xf32>
    %mul3A_263 = arith.mulf %exp3A_261, %mul3A_262 : vector<16xf32>
    %swap3A_264 = arith.constant 32 : index
    %swap3A_265 = tpu.vector_load %arg16[%swap3A_264] {strides = array<i32>} : memref<80xf32, #tpu.memory_space<vmem>>, vector<16xf32>,
    tpu.vector_store %arg16[%swap3A_264], %mul3A_263 {strides = array<i32>} : memref<80xf32, #tpu.memory_space<vmem>>, vector<16xf32>,
    %get3A_266 = arith.constant 0 : i32
    %get3A_267 = arith.index_cast %get3A_266 : i32 to index
    %get3A_268 = arith.constant 48 : index
    %get3A_269 = tpu.vector_load %arg14[%get3A_267, %get3A_268] {strides = array<i32>} : memref<1x80xf32, #tpu.memory_space<vmem>>, vector<16xf32>,
    %sub3A_270 = vector.broadcast %squeeze3A : f32 to vector<16xf32>
    %sub3A_271 = arith.subf %get3A_269, %sub3A_270 : vector<16xf32>
    %exp3A_272 = math.exp %sub3A_271 : vector<16xf32>
    %mul3A_273 = vector.broadcast %squeeze3A_3 : f32 to vector<16xf32>
    %mul3A_274 = arith.mulf %exp3A_272, %mul3A_273 : vector<16xf32>
    %swap3A_275 = arith.constant 48 : index
    %swap3A_276 = tpu.vector_load %arg16[%swap3A_275] {strides = array<i32>} : memref<80xf32, #tpu.memory_space<vmem>>, vector<16xf32>,
    tpu.vector_store %arg16[%swap3A_275], %mul3A_274 {strides = array<i32>} : memref<80xf32, #tpu.memory_space<vmem>>, vector<16xf32>,
    %get3A_277 = arith.constant 0 : i32
    %get3A_278 = arith.index_cast %get3A_277 : i32 to index
    %get3A_279 = arith.constant 64 : index
    %get3A_280 = tpu.vector_load %arg14[%get3A_278, %get3A_279] {strides = array<i32>} : memref<1x80xf32, #tpu.memory_space<vmem>>, vector<16xf32>,
    %sub3A_281 = vector.broadcast %squeeze3A : f32 to vector<16xf32>
    %sub3A_282 = arith.subf %get3A_280, %sub3A_281 : vector<16xf32>
    %exp3A_283 = math.exp %sub3A_282 : vector<16xf32>
    %mul3A_284 = vector.broadcast %squeeze3A_3 : f32 to vector<16xf32>
    %mul3A_285 = arith.mulf %exp3A_283, %mul3A_284 : vector<16xf32>
    %swap3A_286 = arith.constant 64 : index
    %swap3A_287 = tpu.vector_load %arg16[%swap3A_286] {strides = array<i32>} : memref<80xf32, #tpu.memory_space<vmem>>, vector<16xf32>,
    tpu.vector_store %arg16[%swap3A_286], %mul3A_285 {strides = array<i32>} : memref<80xf32, #tpu.memory_space<vmem>>, vector<16xf32>,
    %scan3A_288 = arith.constant 0 : i32
    %scan3A_289 = arith.constant 0 : i32
    %scan3A_290 = arith.constant 80 : i32
    %scan3A_291 = arith.addi %scan3A_289, %scan3A_290 : i32
    %scan3A_292 = arith.constant 1 : i32
    scf.for %scan3A_333 = %scan3A_289 to %scan3A_291 step %scan3A_292  : i32 {
      %broadcast_in_dim3A_334 = vector.broadcast %scan3A_333 : i32 to vector<16xi32>
      %gather3A = tpu.vector_load_idx %arg16[%broadcast_in_dim3A_334] : memref<80xf32, #tpu.memory_space<vmem>>[vector<16xi32>], vector<16xf32>,
      %get3A_335 = arith.index_cast %scan3A_333 : i32 to index
      %get3A_336 = arith.constant 0 : index
      %get3A_337 = tpu.vector_load %arg8[%get3A_335, %get3A_336] {strides = array<i32>} : memref<80x128xf32, #tpu.memory_space<vmem>>, vector<16xf32>,
      %mul3A_338 = arith.mulf %get3A_337, %gather3A : vector<16xf32>
      %swap3A_339 = arith.index_cast %scan3A_333 : i32 to index
      %swap3A_340 = arith.constant 0 : index
      %swap3A_341 = tpu.vector_load %arg8[%swap3A_339, %swap3A_340] {strides = array<i32>} : memref<80x128xf32, #tpu.memory_space<vmem>>, vector<16xf32>,
      tpu.vector_store %arg8[%swap3A_339, %swap3A_340], %mul3A_338 {strides = array<i32>} : memref<80x128xf32, #tpu.memory_space<vmem>>, vector<16xf32>,
      %get3A_342 = arith.index_cast %scan3A_333 : i32 to index
      %get3A_343 = arith.constant 16 : index
      %get3A_344 = tpu.vector_load %arg8[%get3A_342, %get3A_343] {strides = array<i32>} : memref<80x128xf32, #tpu.memory_space<vmem>>, vector<16xf32>,
      %mul3A_345 = arith.mulf %get3A_344, %gather3A : vector<16xf32>
      %swap3A_346 = arith.index_cast %scan3A_333 : i32 to index
      %swap3A_347 = arith.constant 16 : index
      %swap3A_348 = tpu.vector_load %arg8[%swap3A_346, %swap3A_347] {strides = array<i32>} : memref<80x128xf32, #tpu.memory_space<vmem>>, vector<16xf32>,
      tpu.vector_store %arg8[%swap3A_346, %swap3A_347], %mul3A_345 {strides = array<i32>} : memref<80x128xf32, #tpu.memory_space<vmem>>, vector<16xf32>,
      %get3A_349 = arith.index_cast %scan3A_333 : i32 to index
      %get3A_350 = arith.constant 32 : index
      %get3A_351 = tpu.vector_load %arg8[%get3A_349, %get3A_350] {strides = array<i32>} : memref<80x128xf32, #tpu.memory_space<vmem>>, vector<16xf32>,
      %mul3A_352 = arith.mulf %get3A_351, %gather3A : vector<16xf32>
      %swap3A_353 = arith.index_cast %scan3A_333 : i32 to index
      %swap3A_354 = arith.constant 32 : index
      %swap3A_355 = tpu.vector_load %arg8[%swap3A_353, %swap3A_354] {strides = array<i32>} : memref<80x128xf32, #tpu.memory_space<vmem>>, vector<16xf32>,
      tpu.vector_store %arg8[%swap3A_353, %swap3A_354], %mul3A_352 {strides = array<i32>} : memref<80x128xf32, #tpu.memory_space<vmem>>, vector<16xf32>,
      %get3A_356 = arith.index_cast %scan3A_333 : i32 to index
      %get3A_357 = arith.constant 48 : index
      %get3A_358 = tpu.vector_load %arg8[%get3A_356, %get3A_357] {strides = array<i32>} : memref<80x128xf32, #tpu.memory_space<vmem>>, vector<16xf32>,
      %mul3A_359 = arith.mulf %get3A_358, %gather3A : vector<16xf32>
      %swap3A_360 = arith.index_cast %scan3A_333 : i32 to index
      %swap3A_361 = arith.constant 48 : index
      %swap3A_362 = tpu.vector_load %arg8[%swap3A_360, %swap3A_361] {strides = array<i32>} : memref<80x128xf32, #tpu.memory_space<vmem>>, vector<16xf32>,
      tpu.vector_store %arg8[%swap3A_360, %swap3A_361], %mul3A_359 {strides = array<i32>} : memref<80x128xf32, #tpu.memory_space<vmem>>, vector<16xf32>,
      %get3A_363 = arith.index_cast %scan3A_333 : i32 to index
      %get3A_364 = arith.constant 64 : index
      %get3A_365 = tpu.vector_load %arg8[%get3A_363, %get3A_364] {strides = array<i32>} : memref<80x128xf32, #tpu.memory_space<vmem>>, vector<16xf32>,
      %mul3A_366 = arith.mulf %get3A_365, %gather3A : vector<16xf32>
      %swap3A_367 = arith.index_cast %scan3A_333 : i32 to index
      %swap3A_368 = arith.constant 64 : index
      %swap3A_369 = tpu.vector_load %arg8[%swap3A_367, %swap3A_368] {strides = array<i32>} : memref<80x128xf32, #tpu.memory_space<vmem>>, vector<16xf32>,
      tpu.vector_store %arg8[%swap3A_367, %swap3A_368], %mul3A_366 {strides = array<i32>} : memref<80x128xf32, #tpu.memory_space<vmem>>, vector<16xf32>,
      %get3A_370 = arith.index_cast %scan3A_333 : i32 to index
      %get3A_371 = arith.constant 80 : index
      %get3A_372 = tpu.vector_load %arg8[%get3A_370, %get3A_371] {strides = array<i32>} : memref<80x128xf32, #tpu.memory_space<vmem>>, vector<16xf32>,
      %mul3A_373 = arith.mulf %get3A_372, %gather3A : vector<16xf32>
      %swap3A_374 = arith.index_cast %scan3A_333 : i32 to index
      %swap3A_375 = arith.constant 80 : index
      %swap3A_376 = tpu.vector_load %arg8[%swap3A_374, %swap3A_375] {strides = array<i32>} : memref<80x128xf32, #tpu.memory_space<vmem>>, vector<16xf32>,
      tpu.vector_store %arg8[%swap3A_374, %swap3A_375], %mul3A_373 {strides = array<i32>} : memref<80x128xf32, #tpu.memory_space<vmem>>, vector<16xf32>,
      %get3A_377 = arith.index_cast %scan3A_333 : i32 to index
      %get3A_378 = arith.constant 96 : index
      %get3A_379 = tpu.vector_load %arg8[%get3A_377, %get3A_378] {strides = array<i32>} : memref<80x128xf32, #tpu.memory_space<vmem>>, vector<16xf32>,
      %mul3A_380 = arith.mulf %get3A_379, %gather3A : vector<16xf32>
      %swap3A_381 = arith.index_cast %scan3A_333 : i32 to index
      %swap3A_382 = arith.constant 96 : index
      %swap3A_383 = tpu.vector_load %arg8[%swap3A_381, %swap3A_382] {strides = array<i32>} : memref<80x128xf32, #tpu.memory_space<vmem>>, vector<16xf32>,
      tpu.vector_store %arg8[%swap3A_381, %swap3A_382], %mul3A_380 {strides = array<i32>} : memref<80x128xf32, #tpu.memory_space<vmem>>, vector<16xf32>,
      %get3A_384 = arith.index_cast %scan3A_333 : i32 to index
      %get3A_385 = arith.constant 112 : index
      %get3A_386 = tpu.vector_load %arg8[%get3A_384, %get3A_385] {strides = array<i32>} : memref<80x128xf32, #tpu.memory_space<vmem>>, vector<16xf32>,
      %mul3A_387 = arith.mulf %get3A_386, %gather3A : vector<16xf32>
      %swap3A_388 = arith.index_cast %scan3A_333 : i32 to index
      %swap3A_389 = arith.constant 112 : index
      %swap3A_390 = tpu.vector_load %arg8[%swap3A_388, %swap3A_389] {strides = array<i32>} : memref<80x128xf32, #tpu.memory_space<vmem>>, vector<16xf32>,
      tpu.vector_store %arg8[%swap3A_388, %swap3A_389], %mul3A_387 {strides = array<i32>} : memref<80x128xf32, #tpu.memory_space<vmem>>, vector<16xf32>,
    }
    %scan3A_293 = arith.constant 80 : i32
    %dma_start3A_294 = arith.constant 0 : i32
    %dma_start3A_295 = arith.constant 0 : i32
    %dma_start3A_296 = tpu.memref_slice %arg12[%dma_start3A_294, %dma_start3A_295] : memref<1x80xi32, #tpu.memory_space<vmem>> -> memref<1x80xi32, #tpu.memory_space<vmem>>
    %dma_start3A_297 = tpu.memref_squeeze %dma_start3A_296 : memref<1x80xi32, #tpu.memory_space<vmem>> -> memref<80xi32, #tpu.memory_space<vmem>>
    %dma_start3A_298 = arith.constant 0 : i32
    %dma_start3A_299 = arith.constant 0 : i32
    %dma_start3A_300 = tpu.memref_slice %arg20[%dma_start3A_298, %dma_start3A_299] : memref<10000x128xf32, #tpu.memory_space<vmem_shared>> -> memref<10000x128xf32, #tpu.memory_space<vmem_shared>>
    tpu.enqueue_indirect_dma source(%arg8 : memref<80x128xf32, #tpu.memory_space<vmem>>) target(%dma_start3A_300 : memref<10000x128xf32, #tpu.memory_space<vmem_shared>>) offsets(%dma_start3A_297 : memref<80xi32, #tpu.memory_space<vmem>>) semaphore(%arg25 : memref<!tpu.dma_semaphore, #tpu.memory_space<semaphore_mem>>) {add = true}
    %dma_wait3A_301 = arith.constant 0 : i32
    %dma_wait3A_302 = arith.constant 0 : i32
    %dma_wait3A_303 = tpu.memref_slice %arg12[%dma_wait3A_301, %dma_wait3A_302] : memref<1x80xi32, #tpu.memory_space<vmem>> -> memref<1x80xi32, #tpu.memory_space<vmem>>
    %dma_wait3A_304 = tpu.memref_squeeze %dma_wait3A_303 : memref<1x80xi32, #tpu.memory_space<vmem>> -> memref<80xi32, #tpu.memory_space<vmem>>
    %dma_wait3A_305 = arith.constant 0 : i32
    %dma_wait3A_306 = arith.constant 0 : i32
    %dma_wait3A_307 = tpu.memref_slice %arg20[%dma_wait3A_305, %dma_wait3A_306] : memref<10000x128xf32, #tpu.memory_space<vmem_shared>> -> memref<10000x128xf32, #tpu.memory_space<vmem_shared>>
    tpu.wait_indirect_dma semaphore(%arg25 : memref<!tpu.dma_semaphore, #tpu.memory_space<semaphore_mem>>) src(%arg8 : memref<80x128xf32, #tpu.memory_space<vmem>>) dst(%dma_wait3A_307 : memref<10000x128xf32, #tpu.memory_space<vmem_shared>>)
    %barrier3A_308 = arith.constant 0 : index
    tpu.barrier barrier_id(%barrier3A_308)
    %mul3A_309 = arith.constant 625 : i32
    %mul3A_310 = arith.muli %arg1, %mul3A_309 : i32
    %add3A_311 = arith.constant 0 : i32
    %add3A_312 = arith.addi %mul3A_310, %add3A_311 : i32
    %run_scoped3A = arith.constant 0 : i32
    "tpu.region"() ({
      %run_scoped3A_333 = tpu.sem_alloc : memref<!tpu.dma_semaphore, #tpu.memory_space<semaphore_mem>>
      %dma_start3A_334 = arith.constant 0 : i32
      %dma_start3A_335 = arith.constant 0 : i32
      %dma_start3A_336 = tpu.memref_slice %arg7[%arg0, %arg1, %run_scoped3A, %dma_start3A_334, %dma_start3A_335] : memref<2x16x5x125x128xf32, #tpu.memory_space<hbm>> -> memref<1x1x1x125x128xf32, #tpu.memory_space<hbm>>
      %dma_start3A_337 = tpu.memref_squeeze %dma_start3A_336 : memref<1x1x1x125x128xf32, #tpu.memory_space<hbm>> -> memref<125x128xf32, #tpu.memory_space<hbm>>
      %dma_start3A_338 = arith.constant 0 : i32
      %dma_start3A_339 = tpu.memref_slice %arg20[%add3A_312, %dma_start3A_338] : memref<10000x128xf32, #tpu.memory_space<vmem_shared>> -> memref<125x128xf32, #tpu.memory_space<vmem_shared>>
      tpu.enqueue_dma source(%dma_start3A_339 : memref<125x128xf32, #tpu.memory_space<vmem_shared>>) target(%dma_start3A_337 : memref<125x128xf32, #tpu.memory_space<hbm>>) target_semaphore(%run_scoped3A_333 : memref<!tpu.dma_semaphore, #tpu.memory_space<semaphore_mem>>)
      %dma_wait3A_340 = arith.constant 0 : i32
      %dma_wait3A_341 = arith.constant 0 : i32
      %dma_wait3A_342 = tpu.memref_slice %arg7[%arg0, %arg1, %run_scoped3A, %dma_wait3A_340, %dma_wait3A_341] : memref<2x16x5x125x128xf32, #tpu.memory_space<hbm>> -> memref<1x1x1x125x128xf32, #tpu.memory_space<hbm>>
      %dma_wait3A_343 = tpu.memref_squeeze %dma_wait3A_342 : memref<1x1x1x125x128xf32, #tpu.memory_space<hbm>> -> memref<125x128xf32, #tpu.memory_space<hbm>>
      %dma_wait3A_344 = arith.constant 0 : i32
      %dma_wait3A_345 = tpu.memref_slice %arg20[%add3A_312, %dma_wait3A_344] : memref<10000x128xf32, #tpu.memory_space<vmem_shared>> -> memref<125x128xf32, #tpu.memory_space<vmem_shared>>
      tpu.wait_dma2 semaphore(%run_scoped3A_333 : memref<!tpu.dma_semaphore, #tpu.memory_space<semaphore_mem>>) src(%dma_wait3A_345 : memref<125x128xf32, #tpu.memory_space<vmem_shared>>) dst(%dma_wait3A_343 : memref<125x128xf32, #tpu.memory_space<hbm>>)
      tpu.yield
    }) : () -> ()
    %mul3A_313 = arith.constant 625 : i32
    %mul3A_314 = arith.muli %arg1, %mul3A_313 : i32
    %add3A_315 = arith.constant 125 : i32
    %add3A_316 = arith.addi %mul3A_314, %add3A_315 : i32
    %run_scoped3A_317 = arith.constant 1 : i32
    "tpu.region"() ({
      %run_scoped3A_333 = tpu.sem_alloc : memref<!tpu.dma_semaphore, #tpu.memory_space<semaphore_mem>>
      %dma_start3A_334 = arith.constant 0 : i32
      %dma_start3A_335 = arith.constant 0 : i32
      %dma_start3A_336 = tpu.memref_slice %arg7[%arg0, %arg1, %run_scoped3A_317, %dma_start3A_334, %dma_start3A_335] : memref<2x16x5x125x128xf32, #tpu.memory_space<hbm>> -> memref<1x1x1x125x128xf32, #tpu.memory_space<hbm>>
      %dma_start3A_337 = tpu.memref_squeeze %dma_start3A_336 : memref<1x1x1x125x128xf32, #tpu.memory_space<hbm>> -> memref<125x128xf32, #tpu.memory_space<hbm>>
      %dma_start3A_338 = arith.constant 0 : i32
      %dma_start3A_339 = tpu.memref_slice %arg20[%add3A_316, %dma_start3A_338] : memref<10000x128xf32, #tpu.memory_space<vmem_shared>> -> memref<125x128xf32, #tpu.memory_space<vmem_shared>>
      tpu.enqueue_dma source(%dma_start3A_339 : memref<125x128xf32, #tpu.memory_space<vmem_shared>>) target(%dma_start3A_337 : memref<125x128xf32, #tpu.memory_space<hbm>>) target_semaphore(%run_scoped3A_333 : memref<!tpu.dma_semaphore, #tpu.memory_space<semaphore_mem>>)
      %dma_wait3A_340 = arith.constant 0 : i32
      %dma_wait3A_341 = arith.constant 0 : i32
      %dma_wait3A_342 = tpu.memref_slice %arg7[%arg0, %arg1, %run_scoped3A_317, %dma_wait3A_340, %dma_wait3A_341] : memref<2x16x5x125x128xf32, #tpu.memory_space<hbm>> -> memref<1x1x1x125x128xf32, #tpu.memory_space<hbm>>
      %dma_wait3A_343 = tpu.memref_squeeze %dma_wait3A_342 : memref<1x1x1x125x128xf32, #tpu.memory_space<hbm>> -> memref<125x128xf32, #tpu.memory_space<hbm>>
      %dma_wait3A_344 = arith.constant 0 : i32
      %dma_wait3A_345 = tpu.memref_slice %arg20[%add3A_316, %dma_wait3A_344] : memref<10000x128xf32, #tpu.memory_space<vmem_shared>> -> memref<125x128xf32, #tpu.memory_space<vmem_shared>>
      tpu.wait_dma2 semaphore(%run_scoped3A_333 : memref<!tpu.dma_semaphore, #tpu.memory_space<semaphore_mem>>) src(%dma_wait3A_345 : memref<125x128xf32, #tpu.memory_space<vmem_shared>>) dst(%dma_wait3A_343 : memref<125x128xf32, #tpu.memory_space<hbm>>)
      tpu.yield
    }) : () -> ()
    %mul3A_318 = arith.constant 625 : i32
    %mul3A_319 = arith.muli %arg1, %mul3A_318 : i32
    %add3A_320 = arith.constant 250 : i32
    %add3A_321 = arith.addi %mul3A_319, %add3A_320 : i32
    %run_scoped3A_322 = arith.constant 2 : i32
    "tpu.region"() ({
      %run_scoped3A_333 = tpu.sem_alloc : memref<!tpu.dma_semaphore, #tpu.memory_space<semaphore_mem>>
      %dma_start3A_334 = arith.constant 0 : i32
      %dma_start3A_335 = arith.constant 0 : i32
      %dma_start3A_336 = tpu.memref_slice %arg7[%arg0, %arg1, %run_scoped3A_322, %dma_start3A_334, %dma_start3A_335] : memref<2x16x5x125x128xf32, #tpu.memory_space<hbm>> -> memref<1x1x1x125x128xf32, #tpu.memory_space<hbm>>
      %dma_start3A_337 = tpu.memref_squeeze %dma_start3A_336 : memref<1x1x1x125x128xf32, #tpu.memory_space<hbm>> -> memref<125x128xf32, #tpu.memory_space<hbm>>
      %dma_start3A_338 = arith.constant 0 : i32
      %dma_start3A_339 = tpu.memref_slice %arg20[%add3A_321, %dma_start3A_338] : memref<10000x128xf32, #tpu.memory_space<vmem_shared>> -> memref<125x128xf32, #tpu.memory_space<vmem_shared>>
      tpu.enqueue_dma source(%dma_start3A_339 : memref<125x128xf32, #tpu.memory_space<vmem_shared>>) target(%dma_start3A_337 : memref<125x128xf32, #tpu.memory_space<hbm>>) target_semaphore(%run_scoped3A_333 : memref<!tpu.dma_semaphore, #tpu.memory_space<semaphore_mem>>)
      %dma_wait3A_340 = arith.constant 0 : i32
      %dma_wait3A_341 = arith.constant 0 : i32
      %dma_wait3A_342 = tpu.memref_slice %arg7[%arg0, %arg1, %run_scoped3A_322, %dma_wait3A_340, %dma_wait3A_341] : memref<2x16x5x125x128xf32, #tpu.memory_space<hbm>> -> memref<1x1x1x125x128xf32, #tpu.memory_space<hbm>>
      %dma_wait3A_343 = tpu.memref_squeeze %dma_wait3A_342 : memref<1x1x1x125x128xf32, #tpu.memory_space<hbm>> -> memref<125x128xf32, #tpu.memory_space<hbm>>
      %dma_wait3A_344 = arith.constant 0 : i32
      %dma_wait3A_345 = tpu.memref_slice %arg20[%add3A_321, %dma_wait3A_344] : memref<10000x128xf32, #tpu.memory_space<vmem_shared>> -> memref<125x128xf32, #tpu.memory_space<vmem_shared>>
      tpu.wait_dma2 semaphore(%run_scoped3A_333 : memref<!tpu.dma_semaphore, #tpu.memory_space<semaphore_mem>>) src(%dma_wait3A_345 : memref<125x128xf32, #tpu.memory_space<vmem_shared>>) dst(%dma_wait3A_343 : memref<125x128xf32, #tpu.memory_space<hbm>>)
      tpu.yield
    }) : () -> ()
    %mul3A_323 = arith.constant 625 : i32
    %mul3A_324 = arith.muli %arg1, %mul3A_323 : i32
    %add3A_325 = arith.constant 375 : i32
    %add3A_326 = arith.addi %mul3A_324, %add3A_325 : i32
    %run_scoped3A_327 = arith.constant 3 : i32
    "tpu.region"() ({
      %run_scoped3A_333 = tpu.sem_alloc : memref<!tpu.dma_semaphore, #tpu.memory_space<semaphore_mem>>
      %dma_start3A_334 = arith.constant 0 : i32
      %dma_start3A_335 = arith.constant 0 : i32
      %dma_start3A_336 = tpu.memref_slice %arg7[%arg0, %arg1, %run_scoped3A_327, %dma_start3A_334, %dma_start3A_335] : memref<2x16x5x125x128xf32, #tpu.memory_space<hbm>> -> memref<1x1x1x125x128xf32, #tpu.memory_space<hbm>>
      %dma_start3A_337 = tpu.memref_squeeze %dma_start3A_336 : memref<1x1x1x125x128xf32, #tpu.memory_space<hbm>> -> memref<125x128xf32, #tpu.memory_space<hbm>>
      %dma_start3A_338 = arith.constant 0 : i32
      %dma_start3A_339 = tpu.memref_slice %arg20[%add3A_326, %dma_start3A_338] : memref<10000x128xf32, #tpu.memory_space<vmem_shared>> -> memref<125x128xf32, #tpu.memory_space<vmem_shared>>
      tpu.enqueue_dma source(%dma_start3A_339 : memref<125x128xf32, #tpu.memory_space<vmem_shared>>) target(%dma_start3A_337 : memref<125x128xf32, #tpu.memory_space<hbm>>) target_semaphore(%run_scoped3A_333 : memref<!tpu.dma_semaphore, #tpu.memory_space<semaphore_mem>>)
      %dma_wait3A_340 = arith.constant 0 : i32
      %dma_wait3A_341 = arith.constant 0 : i32
      %dma_wait3A_342 = tpu.memref_slice %arg7[%arg0, %arg1, %run_scoped3A_327, %dma_wait3A_340, %dma_wait3A_341] : memref<2x16x5x125x128xf32, #tpu.memory_space<hbm>> -> memref<1x1x1x125x128xf32, #tpu.memory_space<hbm>>
      %dma_wait3A_343 = tpu.memref_squeeze %dma_wait3A_342 : memref<1x1x1x125x128xf32, #tpu.memory_space<hbm>> -> memref<125x128xf32, #tpu.memory_space<hbm>>
      %dma_wait3A_344 = arith.constant 0 : i32
      %dma_wait3A_345 = tpu.memref_slice %arg20[%add3A_326, %dma_wait3A_344] : memref<10000x128xf32, #tpu.memory_space<vmem_shared>> -> memref<125x128xf32, #tpu.memory_space<vmem_shared>>
      tpu.wait_dma2 semaphore(%run_scoped3A_333 : memref<!tpu.dma_semaphore, #tpu.memory_space<semaphore_mem>>) src(%dma_wait3A_345 : memref<125x128xf32, #tpu.memory_space<vmem_shared>>) dst(%dma_wait3A_343 : memref<125x128xf32, #tpu.memory_space<hbm>>)
      tpu.yield
    }) : () -> ()
    %mul3A_328 = arith.constant 625 : i32
    %mul3A_329 = arith.muli %arg1, %mul3A_328 : i32
    %add3A_330 = arith.constant 500 : i32
    %add3A_331 = arith.addi %mul3A_329, %add3A_330 : i32
    %run_scoped3A_332 = arith.constant 4 : i32
    "tpu.region"() ({
      %run_scoped3A_333 = tpu.sem_alloc : memref<!tpu.dma_semaphore, #tpu.memory_space<semaphore_mem>>
      %dma_start3A_334 = arith.constant 0 : i32
      %dma_start3A_335 = arith.constant 0 : i32
      %dma_start3A_336 = tpu.memref_slice %arg7[%arg0, %arg1, %run_scoped3A_332, %dma_start3A_334, %dma_start3A_335] : memref<2x16x5x125x128xf32, #tpu.memory_space<hbm>> -> memref<1x1x1x125x128xf32, #tpu.memory_space<hbm>>
      %dma_start3A_337 = tpu.memref_squeeze %dma_start3A_336 : memref<1x1x1x125x128xf32, #tpu.memory_space<hbm>> -> memref<125x128xf32, #tpu.memory_space<hbm>>
      %dma_start3A_338 = arith.constant 0 : i32
      %dma_start3A_339 = tpu.memref_slice %arg20[%add3A_331, %dma_start3A_338] : memref<10000x128xf32, #tpu.memory_space<vmem_shared>> -> memref<125x128xf32, #tpu.memory_space<vmem_shared>>
      tpu.enqueue_dma source(%dma_start3A_339 : memref<125x128xf32, #tpu.memory_space<vmem_shared>>) target(%dma_start3A_337 : memref<125x128xf32, #tpu.memory_space<hbm>>) target_semaphore(%run_scoped3A_333 : memref<!tpu.dma_semaphore, #tpu.memory_space<semaphore_mem>>)
      %dma_wait3A_340 = arith.constant 0 : i32
      %dma_wait3A_341 = arith.constant 0 : i32
      %dma_wait3A_342 = tpu.memref_slice %arg7[%arg0, %arg1, %run_scoped3A_332, %dma_wait3A_340, %dma_wait3A_341] : memref<2x16x5x125x128xf32, #tpu.memory_space<hbm>> -> memref<1x1x1x125x128xf32, #tpu.memory_space<hbm>>
      %dma_wait3A_343 = tpu.memref_squeeze %dma_wait3A_342 : memref<1x1x1x125x128xf32, #tpu.memory_space<hbm>> -> memref<125x128xf32, #tpu.memory_space<hbm>>
      %dma_wait3A_344 = arith.constant 0 : i32
      %dma_wait3A_345 = tpu.memref_slice %arg20[%add3A_331, %dma_wait3A_344] : memref<10000x128xf32, #tpu.memory_space<vmem_shared>> -> memref<125x128xf32, #tpu.memory_space<vmem_shared>>
      tpu.wait_dma2 semaphore(%run_scoped3A_333 : memref<!tpu.dma_semaphore, #tpu.memory_space<semaphore_mem>>) src(%dma_wait3A_345 : memref<125x128xf32, #tpu.memory_space<vmem_shared>>) dst(%dma_wait3A_343 : memref<125x128xf32, #tpu.memory_space<hbm>>)
      tpu.yield
    }) : () -> ()
    return
  }
}

module attributes {stable_mosaic.version = 14 : i64} {
  func.func @_tc_h_body(%arg0: i32, %arg1: memref<1000x128xf32, #tpu.memory_space<vmem>>, %arg2: memref<128x128xf32, #tpu.memory_space<vmem>>, %arg3: memref<1x128xf32, #tpu.memory_space<vmem>>, %arg4: memref<128x128xf32, #tpu.memory_space<vmem>>, %arg5: memref<1000x128xf32, #tpu.memory_space<vmem>>, %arg6: memref<1000x128xf32, #tpu.memory_space<vmem>>) attributes {dimension_semantics = [#tpu.dimension_semantics<arbitrary>], iteration_bounds = array<i64: 10>, scalar_prefetch = 0 : i64, scratch_operands = 0 : i64, tpu.core_type = #tpu.core_type<tc>, window_params = [{transform_indices = @transform_0, window_bounds = array<i64: 1000, 128>}, {pipeline_mode = #tpu.pipeline_mode<synchronous>, transform_indices = @transform_1, window_bounds = array<i64: 128, 128>}, {pipeline_mode = #tpu.pipeline_mode<synchronous>, transform_indices = @transform_2, window_bounds = array<i64: 1, 128>}, {pipeline_mode = #tpu.pipeline_mode<synchronous>, transform_indices = @transform_3, window_bounds = array<i64: 128, 128>}, {transform_indices = @transform_4, window_bounds = array<i64: 1000, 128>}, {transform_indices = @transform_5, window_bounds = array<i64: 1000, 128>}]} {
    %get3A = arith.constant 0 : index
    %get3A_0 = arith.constant 0 : index
    %get3A_1 = vector.load %arg1[%get3A, %get3A_0] : memref<1000x128xf32, #tpu.memory_space<vmem>>, vector<1000x128xf32>
    %get3A_2 = arith.constant 0 : index
    %get3A_3 = arith.constant 0 : index
    %get3A_4 = vector.load %arg2[%get3A_2, %get3A_3] : memref<128x128xf32, #tpu.memory_space<vmem>>, vector<128x128xf32>
    %dot_general3A = arith.constant dense<0.000000e+00> : vector<1000x128xf32>
    %dot_general3A_5 = tpu.matmul %get3A_1, %get3A_4, %dot_general3A {dimension_numbers = #tpu.dot_dimension_numbers<[1], [0], [0], [1], [0, 0, 1, 1], [], []>, transpose_lhs_hint = false} : vector<1000x128xf32>, vector<128x128xf32>, vector<1000x128xf32> -> vector<1000x128xf32>
    %get3A_6 = arith.constant 0 : index
    %get3A_7 = arith.constant 0 : index
    %get3A_8 = vector.load %arg3[%get3A_6, %get3A_7] : memref<1x128xf32, #tpu.memory_space<vmem>>, vector<1x128xf32>
    %add3A = vector.broadcast %get3A_8 : vector<1x128xf32> to vector<1000x128xf32>
    %add3A_9 = arith.addf %dot_general3A_5, %add3A : vector<1000x128xf32>
    %swap3A = arith.constant 0 : index
    %swap3A_10 = arith.constant 0 : index
    %swap3A_11 = vector.load %arg5[%swap3A, %swap3A_10] : memref<1000x128xf32, #tpu.memory_space<vmem>>, vector<1000x128xf32>
    tpu.vector_store %arg5[%swap3A, %swap3A_10], %add3A_9 {strides = array<i32>} : memref<1000x128xf32, #tpu.memory_space<vmem>>, vector<1000x128xf32>,
    %get3A_12 = arith.constant 0 : index
    %get3A_13 = arith.constant 0 : index
    %get3A_14 = vector.load %arg4[%get3A_12, %get3A_13] : memref<128x128xf32, #tpu.memory_space<vmem>>, vector<128x128xf32>
    %dot_general3A_15 = arith.constant dense<0.000000e+00> : vector<1000x128xf32>
    %dot_general3A_16 = tpu.matmul %add3A_9, %get3A_14, %dot_general3A_15 {dimension_numbers = #tpu.dot_dimension_numbers<[1], [0], [0], [1], [0, 0, 1, 1], [], []>, transpose_lhs_hint = false} : vector<1000x128xf32>, vector<128x128xf32>, vector<1000x128xf32> -> vector<1000x128xf32>
    %swap3A_17 = arith.constant 0 : index
    %swap3A_18 = arith.constant 0 : index
    %swap3A_19 = vector.load %arg6[%swap3A_17, %swap3A_18] : memref<1000x128xf32, #tpu.memory_space<vmem>>, vector<1000x128xf32>
    tpu.vector_store %arg6[%swap3A_17, %swap3A_18], %dot_general3A_16 {strides = array<i32>} : memref<1000x128xf32, #tpu.memory_space<vmem>>, vector<1000x128xf32>,
    return
  }
  func.func @transform_0(%arg0: i32) -> (i32, i32) {
    %c0_i32 = arith.constant 0 : i32
    %c0_i32_0 = arith.constant 0 : i32
    return %arg0, %c0_i32 : i32, i32
  }
  func.func @transform_1(%arg0: i32) -> (i32, i32) {
    %c0_i32 = arith.constant 0 : i32
    %c0_i32_0 = arith.constant 0 : i32
    %c0_i32_1 = arith.constant 0 : i32
    return %c0_i32, %c0_i32_0 : i32, i32
  }
  func.func @transform_2(%arg0: i32) -> (i32, i32) {
    %c0_i32 = arith.constant 0 : i32
    %c0_i32_0 = arith.constant 0 : i32
    %c0_i32_1 = arith.constant 0 : i32
    return %c0_i32, %c0_i32_0 : i32, i32
  }
  func.func @transform_3(%arg0: i32) -> (i32, i32) {
    %c0_i32 = arith.constant 0 : i32
    %c0_i32_0 = arith.constant 0 : i32
    %c0_i32_1 = arith.constant 0 : i32
    return %c0_i32, %c0_i32_0 : i32, i32
  }
  func.func @transform_4(%arg0: i32) -> (i32, i32) {
    %c0_i32 = arith.constant 0 : i32
    %c0_i32_0 = arith.constant 0 : i32
    return %arg0, %c0_i32 : i32, i32
  }
  func.func @transform_5(%arg0: i32) -> (i32, i32) {
    %c0_i32 = arith.constant 0 : i32
    %c0_i32_0 = arith.constant 0 : i32
    return %arg0, %c0_i32 : i32, i32
  }
}

</mosaic_0001>

<sc_bundles>
// kernel: kernel.5.cloned.1.call-start
scs
__scs_entry_jumppad:
0x0: {  	(pc) =	sbr.rel $0x88, $3  }
0x1: {  	(tag) =	ssettag $0x0;
	lr =	simm.s32 $0x1  }
0x2: {  	[smem:$0x3F9B] =	sst lr;
	_ =	strace $0xD0000000  }
0x3: {  	_ = 	snop  }
0x4: {  	_ = 	snop  }
0x5: {  	_ = 	snop  }
0x6: {  	_ = 	snop  }
0x7: {  	_ = 	snop  }
__scs_overlays_trampoline_lowered:
0x8: {  	[smem:$0x3FAA] =	sst s0  }
0x9: {  	[smem:$0x3FAB] =	sst s1  }
0xa: {  	[smem:$0x3FAC] =	sst s2  }
0xb: {  	[smem:$0x3FAD] =	sst s3  }
0xc: {  	[smem:$0x3FAE] =	sst s4  }
0xd: {  	[smem:$0x3FAF] =	sst s5  }
0xe: {  	[smem:$0x3FB0] =	sst s6  }
0xf: {  	[smem:$0x3FB1] =	sst s7  }
0x10: {  	[smem:$0x3FB2] =	sst s8  }
0x11: {  	[smem:$0x3FB3] =	sst s9;
	s0 =	simm.s32 @!p0 $0x0  }
0x12: {  	s1 =	sld [smem:$0x3F99];
	s0 =	simm.s32 @p0 $0x1  }
0x13: {  	[smem:$0x3FB4] =	sst s0;
	s0 =	simm.s32 @!p1 $0x0  }
0x14: {  	s2 =	sld [smem:$0x3F98];
	s0 =	simm.s32 @p1 $0x1  }
0x15: {  	[smem:$0x3FB5] =	sst s0;
	s0 =	simm.s32 @!p2 $0x0  }
0x16: {  	s3 =	sld [smem:$0x3FDB];
	s0 =	simm.s32 @p2 $0x1  }
0x17: {  	s4 =	simm.s32 $0x1BF5;
	[smem:$0x3FB7] =	sst s0  }
0x18: {  	s0 =	sld [smem:$0x3F9A];
	_ =	swait.ge [sflag:s4], $0x0  }
0x19: {  	s7 =	sld [smem:$0x3F9B]  }
0x1a: {  	s8 =	sadd.s32 $0xFFFFE003, lr  }
0x1b: {  	s9 =	sadd.s32 $0xFFFFFEF7, lr;
	s5 =	simm.s32 $0xFFFFFFFF;
	p2 =	slt.u32 s8, $0xFFFFF086  }
0x1c: {  	p1 =	slt.u32 s9, $0xF7A;
	s5 =	simm.s32 @!p2 $0x0  }
0x1d: {  	s5 =	simm.s32 @p1 $0x1;
	p0 =	seq.s32 s7, s2  }
0x1e: {  	s7 =	smul.u32 @!p0 $0xF7A, s2;
	p2 =	seq.s32 @!p0 s5, $0x0  }
0x1f: {  	s9 =	smul.u32 $0xF7A, s1;
	s8 =	simm.s32 @!p0 $0x1BF5;
	p2 =	por !p2, p0  }
0x20: {  	[sflag:s8] =	ssyncset.s32 @!p0 $0xFFFFF086;
	s6 =	sadd.s32 @!p0 s3, s7;
	s7 =	simm.s32 @!p0 $0x108  }
0x21: {  	s3 =	sadd.s32 s3, s9;
	s6 =	sadd.s32 @!p0 $0x88, s6;
	s7 =	simm.s32 @p2 $0x1082  }
0x22: {  	[simem:s7], [sflag:s8] =	dma.local @!p0 [hbm:s6], $0xF7A  }
0x23: {  	s9 =	sor.u32 $0xD0000000, s2;
	s6 =	simm.s32 $0x108;
	_ =	swait.ge @!p0 [sflag:s8], $0x0  }
0x24: {  	s3 =	sadd.s32 $0x88, s3;
	s6 =	simm.s32 @!p1 $0x1082;
	[sflag:s4] =	ssyncset.s32 $0xFFFFF086  }
0x25: {  	[simem:s6], [sflag:s4] =	dma.local [hbm:s3], $0xF7A  }
0x26: {  	[smem:$0x3F9B] =	sst s1;
	(tag) =	ssettag s2;
	_ =	strace s9  }
0x27: {  	s1 =	sld [smem:$0x3FAB]  }
0x28: {  	s2 =	sld [smem:$0x3FAC]  }
0x29: {  	s4 =	sld [smem:$0x3FAE]  }
0x2a: {  	p0 =	seq.s32 s5, $0x0;
	s5 =	sld [smem:$0x3FAF]  }
0x2b: {  	s6 =	sld [smem:$0x3FB0]  }
0x2c: {  	s7 =	sld [smem:$0x3FB1]  }
0x2d: {  	s3 =	simm.s32 $0x108;
	s8 =	sld [smem:$0x3FB2]  }
0x2e: {  	s3 =	simm.s32 @!p0 $0x1082;
	s9 =	sld [smem:$0x3FB3]  }
0x2f: {  	lr =	sadd.s32 s0, s3;
	s0 =	sld [smem:$0x3FAA]  }
0x30: {  	s3 =	sld [smem:$0x3FAD]  }
0x31: {  	[smem:$0x3FB6] =	sst s10  }
0x32: {  	s10 =	sld [smem:$0x3FB4];
	_ =	sdelay $0x3  }
0x33: {  	p0 =	seq.s32 s10, $0x1;
	s10 =	sld [smem:$0x3FB6];
	_ =	sdelay $0x3  }
0x34: {  	[smem:$0x3FB6] =	sst s10  }
0x35: {  	s10 =	sld [smem:$0x3FB5];
	_ =	sdelay $0x3  }
0x36: {  	p1 =	seq.s32 s10, $0x1;
	s10 =	sld [smem:$0x3FB6];
	_ =	sdelay $0x3  }
0x37: {  	[smem:$0x3FB6] =	sst s10  }
0x38: {  	s10 =	sld [smem:$0x3FB7]  }
0x39: {  	_ = 	snop;
	(pc) =	sbr.ind lr, $3  }
0x3a: {  	_ = 	snop  }
0x3b: {  	_ = 	snop  }
0x3c: {  	p2 =	seq.s32 s10, $0x1;
	s10 =	sld [smem:$0x3FB6]  }
0x3d: {  	_ =	shalt  }
0x3e: {  	_ =	shalt  }
0x3f: {  	_ =	shalt  }
0x40: {  	_ =	shalt  }
0x41: {  	_ =	shalt  }
0x42: {  	_ =	shalt  }
0x43: {  	_ =	shalt  }
0x44: {  	_ =	shalt  }
0x45: {  	_ =	shalt  }
0x46: {  	_ =	shalt  }
0x47: {  	_ =	shalt  }
0x48: {  	_ =	shalt  }
0x49: {  	_ =	shalt  }
0x4a: {  	_ =	shalt  }
0x4b: {  	_ =	shalt  }
0x4c: {  	_ =	shalt  }
0x4d: {  	_ =	shalt  }
0x4e: {  	_ =	shalt  }
0x4f: {  	_ =	shalt  }
0x50: {  	_ =	shalt  }
0x51: {  	_ =	shalt  }
0x52: {  	_ =	shalt  }
0x53: {  	_ =	shalt  }
0x54: {  	_ =	shalt  }
0x55: {  	_ =	shalt  }
0x56: {  	_ =	shalt  }
0x57: {  	_ =	shalt  }
0x58: {  	_ =	shalt  }
0x59: {  	_ =	shalt  }
0x5a: {  	_ =	shalt  }
0x5b: {  	_ =	shalt  }
0x5c: {  	_ =	shalt  }
0x5d: {  	_ =	shalt  }
0x5e: {  	_ =	shalt  }
0x5f: {  	_ =	shalt  }
0x60: {  	_ =	shalt  }
0x61: {  	_ =	shalt  }
0x62: {  	_ =	shalt  }
0x63: {  	_ =	shalt  }
0x64: {  	_ =	shalt  }
0x65: {  	_ =	shalt  }
0x66: {  	_ =	shalt  }
0x67: {  	_ =	shalt  }
0x68: {  	_ =	shalt  }
0x69: {  	_ =	shalt  }
0x6a: {  	_ =	shalt  }
0x6b: {  	_ =	shalt  }
0x6c: {  	_ =	shalt  }
0x6d: {  	_ =	shalt  }
0x6e: {  	_ =	shalt  }
0x6f: {  	_ =	shalt  }
0x70: {  	_ =	shalt  }
0x71: {  	_ =	shalt  }
0x72: {  	_ =	shalt  }
0x73: {  	_ =	shalt  }
0x74: {  	_ =	shalt  }
0x75: {  	_ =	shalt  }
0x76: {  	_ =	shalt  }
0x77: {  	_ =	shalt  }
0x78: {  	_ =	shalt  }
0x79: {  	_ =	shalt  }
0x7a: {  	_ =	shalt  }
0x7b: {  	_ =	shalt  }
0x7c: {  	_ =	shalt  }
0x7d: {  	_ =	shalt  }
0x7e: {  	_ =	shalt  }
0x7f: {  	_ =	shalt  }
0x80: {  	_ =	shalt  }
0x81: {  	_ =	shalt  }
0x82: {  	_ =	shalt  }
0x83: {  	_ =	shalt  }
0x84: {  	_ =	shalt  }
0x85: {  	_ =	shalt  }
0x86: {  	_ =	shalt  }
0x87: {  	_ =	shalt  }
.Lfunc_end0:
.L_simem_size_0:
called_computation_lowered:
.L_overlay_start_0:
0x88: {  	s2 =	sld [smem:$0x3FD9]  }
0x89: {  	s3 =	sld [smem:$0x3FFE];
	_ =	sdelay $0x1  }
0x8a: {  	s1 =	srdreg.scid  }
0x8b: {  	s0 =	sand.u32 $0x1, s1  }
0x8c: {  	s16 =	sshll.u32 s0, $0xA;
	s2 =	sadd.s32 s3, s2  }
0x8d: {  	s2 =	sadd.s32 s2, s16  }
0x8e: {  	[smem:$0x3FC2] =	sst s2  }
0x8f: {  	_ = 	snop  }
0x90: {  	(tm) =	ssettm $0x1  }
0x91: {  	s17 =	sld [smem:$0x3FFB];
	_ =	sdelay $0x3  }
0x92: {  	_ =	strace s17  }
0x93: {  	s2 =	sld [smem:$0x3FFC];
	_ =	sdelay $0x3  }
0x94: {  	_ =	strace s2  }
0x95: {  	s2 =	sld [smem:$0x3FFD];
	_ =	sdelay $0x3  }
0x96: {  	_ =	strace s2  }
0x97: {  	_ =	strace $0x8FFFFFFF  }
0x98: {  	s18 =	sld [smem:$0x3FDB];
	_ =	sdelay $0x1  }
0x99: {  	s19 =	simm.s32 $_scs_section_size  }
0x9a: {  	s4 =	simm.s32 $_size__tile_overlayer_lowered;
	s5 =	simm.s32 $_tile_overlayer_lowered  }
0x9b: {  	s22 =	simm.s32 $0x1BFF;
	s21 =	sshll.u32 s5, $0x1;
	s2 =	sadd.s32 s19, s18  }
0x9c: {  	s6 =	simm.s32 $0x0;
	s20 =	sshll.u32 s4, $0x1;
	s4 =	sadd.s32 s21, s2  }
0x9d: {  	[timem:s6], [sflag:s22] =	dma.local [hbm:s4], s20  }
0x9e: {  	_ =	swait.ge [sflag:s22], s20  }
0x9f: {  	s3 =	ssub.s32 $0x0, s20;
	[sflag:s22] =	ssyncset.done $0x0  }
0xa0: {  	[sflag:s22] =	ssyncadd.s32 s3;
	_ =	sdelay $0x1  }
0xa1: {  	s23 =	simm.s32 $0x1B8B  }
0xa2: {  	_ =	swait.ge [sflag:s23], $0x1  }
0xa3: {  	[sflag:s23] =	ssyncset.done $0x0  }
0xa4: {  	s25 =	simm.s32 $0x1B8E;
	s24 =	sld [smem:$0x3FFE];
	[sflag:s23] =	ssyncadd.s32 $0xFFFFFFFF  }
0xa5: {  	s26 =	simm.s32 $execute0_lowered;
	[smem:$0x3FD2] =	sst s25  }
0xa6: {  	s4 =	sshll.u32 s26, $0x1;
	_ =	strace $0x80000046;
	[dreg:$0x1] =	wrdreg $0xFFFFFFFF  }
0xa7: {  	s28 =	simm.s32 $_size_execute0_lowered;
	s2 =	sadd.s32 s2, s4;
	[dreg:$0x0] =	wrdreg $0x0  }
0xa8: {  	s4 =	sshll.u32 s28, $0x1;
	[dreg:$0x2] =	wrdreg s2  }
0xa9: {  	[dreg:$0x3] =	wrdreg s4  }
0xaa: {  	[dreg:$0x4] =	wrdreg $0xC0  }
0xab: {  	_ =	task [dreg:s6], $0x5FFFF  }
0xac: {  	[dreg:$0x1] =	wrdreg $0xFFFFFFFF  }
0xad: {  	[dreg:$0x0] =	wrdreg $0x60  }
0xae: {  	[dreg:$0x2] =	wrdreg s24  }
0xaf: {  	[dreg:$0x3] =	wrdreg $0x9  }
0xb0: {  	_ =	task.clear_ibuf [dreg:s6], $0x4FFFF;
	_ =	strace $0x90000046  }
0xb1: {  	s29 =	simm.s32 $0x9;
	_ =	strace $0x80000048  }
0xb2: {  	_ =	swait.ge [sflag:s29], $0x1  }
0xb3: {  	[sflag:s29] =	ssyncadd.s32 $0xFFFFFFFF  }
0xb4: {  	_ =	strace $0x90000048  }
0xb5: {  	_ =	sfence  }
0xb6: {  	s30 =	sld [smem:$0x0];
	_ =	sdelay $0x2  }
0xb7: {  	s31 =	sshll.u32 s1, $0xD;
	s1 =	sshrl.u32 s1, $0x2  }
0xb8: {  	s3 =	sand.u32 $0x4000, s31;
	s1 =	sadd.s32 s1, s30  }
0xb9: {  	s0 =	sor.u32 s3, s0;
	s1 =	sshll.u32 s1, $0x11  }
0xba: {  	s0 =	sor.u32 s1, s0  }
0xbb: {  	s0 =	sadd.s32 $0x8F2B, s0  }
0xbc: {  	[sflag:s0] =	ssyncadd.remote.s32 $0x1  }
0xbd: {  	_ =	sfence.sel $0xFFFF  }
0xbe: {  	[dreg:$0x0] =	wrdreg $0xFFFFFFFF;
	(pc) =	sbr.abs _section_cstart, $3  }
0xbf: {  	[dreg:$0x1] =	wrdreg $0xFFFFFFFF  }
0xc0: {  	_ =	task.clear_ibuf [dreg:s6], $0x2FFFF;
	_ =	strace $0x9FFFFFFF  }
0xc1: {  	(tm) =	ssettm $0x7FFFFFFF  }
tec
execute0_lowered:
.L_overlay_start_1:
0x0: {  	(tag) =	ssettag $0x1  }
0x1: {  	s2 =	rddreg [dreg:$0x0]  }
0x2: {  	s0 =	rddreg [dreg:$0x1]  }
0x3: {  	s3 =	simm.s32 $0x0;
	s4 =	srdreg.scid;
	s1 =	stileid.u32  }
0x4: {  	s12 =	simm.s32 $0x2780;
	s13 =	simm.s32 $0x4F00;
	s14 =	simm.s32 $0x8F00  }
0x5: {  	s15 =	simm.s32 $0x10F00;
	s16 =	simm.s32 $0xCF00;
	s17 =	simm.s32 $0x10F80  }
0x6: {  	s18 =	simm.s32 $0x0;
	[smem:$0x7FF] =	sst s3;
	s6 =	sand.u32 $0x1, s4  }
0x7: {  	s5 =	sshll.u32 s1, $0x1;
	s4 =	sadd.s32 $0x600, s2;
	_ =	strace $0x80000047  }
0x8: {  	s7 =	sor.u32 s6, s5;
	s5 =	sadd.s32 $0x20C00, s2;
	s6 =	ssub.s32 $0x2, s6  }
0x9: {  	s8 =	sshll.u32 s7, $0xB;
	s7 =	sshll.u32 s7, $0x4;
	s9 =	sshrl.u32 s6, $0x1  }
0xa: {  	s8 =	sadd.s32 s8, s2;
	s10 =	sadd.s32 s7, s2;
	s11 =	ssub.s32 s6, s9  }
0xb: {  	s6 =	sadd.s32 $0xC00, s8;
	s7 =	sadd.s32 $0x10C00, s8;
	s8 =	sadd.s32 $0x21000, s8  }
0xc: {  	vm0 =	vcmask $0x704;
	vm1 =	vcmask $0x3F04;
	s9 =	sadd.s32 $0x20E00, s10;
	s10 =	smax.u32 s11, $0x1;
	s11 =	simm.s32 $0x1  }
.LBB2_1:
0xd: {  	[tilespmem:s3], [sflag:$0x1] =	stream.linear.gather [hbm4b:s4+s3], $0x2780, $0x38;
	[tilespmem:$0x11000] =	vst v63  }
0xe: {  	_ =	swait.ge [sflag:s11], $0x2780  }
0xf: {  	[sflag:s11] =	ssyncset.done $0x0  }
0x10: {  	[sflag:s11] =	ssyncadd.s32 $0xFFFFD880  }
0x11: {  	[tilespmem:s12], [sflag:$0x1] =	stream.linear.gather [hbm4b:s2+s3], $0x2780, $0x38;
	[tilespmem:$0x11000] =	vst v63  }
0x12: {  	_ =	swait.ge [sflag:s11], $0x2780  }
0x13: {  	[sflag:s11] =	ssyncset.done $0x0  }
0x14: {  	[sflag:s11] =	ssyncadd.s32 $0xFFFFD880  }
0x15: {  	[tilespmem:s13], [sflag:$0x1] =	stream.linear.gather [hbm4b:s6+s3], $0x3E80, $0x38;
	[tilespmem:$0x11000] =	vst v63  }
0x16: {  	_ =	swait.ge [sflag:s11], $0x3E80  }
0x17: {  	[sflag:s11] =	ssyncset.done $0x0  }
0x18: {  	[sflag:s11] =	ssyncadd.s32 $0xFFFFC180  }
0x19: {  	[tilespmem:s14], [sflag:$0x1] =	stream.linear.gather [hbm4b:s7+s3], $0x3E80, $0x38;
	[tilespmem:$0x11000] =	vst v63  }
0x1a: {  	_ =	swait.ge [sflag:s11], $0x3E80  }
0x1b: {  	[sflag:s11] =	ssyncset.done $0x0  }
0x1c: {  	[sflag:s11] =	ssyncadd.s32 $0xFFFFC180  }
0x1d: {  	[tilespmem:s15], [sflag:$0x1] =	stream.linear.gather [hbm4b:s5+s3], $0x80, $0x38;
	[tilespmem:$0x11000] =	vst v63  }
0x1e: {  	_ =	swait.ge [sflag:s11], $0x80  }
0x1f: {  	[sflag:s11] =	ssyncset.done $0x0  }
0x20: {  	s19 =	simm.s32 $0x0;
	[sflag:s11] =	ssyncadd.s32 $0xFFFFFF80  }
0x21: {  	v0 =	vld [tilespmem:s19+$0x4F00]  }
0x22: {  	v1 =	vld [tilespmem:s19+$0x8F00];
	_ =	sdelay $0x6  }
0x23: {  	v2 =	vld.idx.msk [tilespmem:v0+s3+$0x0], $0xffff  }
0x24: {  	v1 =	vld.idx.msk [tilespmem:v1+s12+$0x0], $0xffff;
	_ =	sdelay $0x1  }
0x25: {  	v0 =	vld.msk [tilespmem:$0x10F00 ss:$0x0], $0xffff;
	_ =	sdelay $0x2  }
0x26: {  	v1 =	vadd.f32 v1, v2;
	v2 =	vld [tilespmem:s19+$0x4F10]  }
0x27: {  	v3 =	vld [tilespmem:s19+$0x8F10]  }
0x28: {  	v1 =	vadd.f32 v1, v0;
	_ =	sdelay $0x1  }
0x29: {  	v4 =	vmul.f32 $9.999999770e-03, v1  }
0x2a: {  	vm2 =	vge.f32 v1, $0.0e+00  }
0x2b: {  	v1 =	vsel vm2, v1, v4  }
0x2c: {  	[tilespmem:s19+$0xCF00] =	vst v1  }
0x2d: {  	v2 =	vld.idx.msk [tilespmem:v2+s3+$0x0], $0xffff  }
0x2e: {  	v3 =	vld.idx.msk [tilespmem:v3+s12+$0x0], $0xffff;
	_ =	sdelay $0x4  }
0x2f: {  	v2 =	vadd.f32 v3, v2;
	v3 =	vld [tilespmem:s19+$0x4F20]  }
0x30: {  	v4 =	vld [tilespmem:s19+$0x8F20]  }
0x31: {  	v2 =	vadd.f32 v2, v0;
	_ =	sdelay $0x1  }
0x32: {  	v5 =	vmul.f32 $9.999999770e-03, v2  }
0x33: {  	vm2 =	vge.f32 v2, $0.0e+00  }
0x34: {  	v2 =	vsel vm2, v2, v5  }
0x35: {  	[tilespmem:s19+$0xCF10] =	vst v2  }
0x36: {  	v3 =	vld.idx.msk [tilespmem:v3+s3+$0x0], $0xffff  }
0x37: {  	v4 =	vld.idx.msk [tilespmem:v4+s12+$0x0], $0xffff;
	_ =	sdelay $0x4  }
0x38: {  	v3 =	vadd.f32 v4, v3;
	v4 =	vld [tilespmem:s19+$0x4F30]  }
0x39: {  	v5 =	vld [tilespmem:s19+$0x8F30]  }
0x3a: {  	v3 =	vadd.f32 v3, v0;
	_ =	sdelay $0x1  }
0x3b: {  	v6 =	vmul.f32 $9.999999770e-03, v3  }
0x3c: {  	vm2 =	vge.f32 v3, $0.0e+00  }
0x3d: {  	v3 =	vsel vm2, v3, v6  }
0x3e: {  	[tilespmem:s19+$0xCF20] =	vst v3  }
0x3f: {  	v4 =	vld.idx.msk [tilespmem:v4+s3+$0x0], $0xffff  }
0x40: {  	v5 =	vld.idx.msk [tilespmem:v5+s12+$0x0], $0xffff;
	_ =	sdelay $0x4  }
0x41: {  	v4 =	vadd.f32 v5, v4;
	v5 =	vld [tilespmem:s19+$0x4F40]  }
0x42: {  	v6 =	vld [tilespmem:s19+$0x8F40]  }
0x43: {  	v4 =	vadd.f32 v4, v0;
	_ =	sdelay $0x1  }
0x44: {  	v7 =	vmul.f32 $9.999999770e-03, v4  }
0x45: {  	vm2 =	vge.f32 v4, $0.0e+00  }
0x46: {  	v7 =	vsel vm2, v4, v7  }
0x47: {  	[tilespmem:s19+$0xCF30] =	vst v7  }
0x48: {  	v4 =	vld.idx.msk [tilespmem:v5+s3+$0x0], $0xffff  }
0x49: {  	v5 =	vld.idx.msk [tilespmem:v6+s12+$0x0], $0xffff;
	_ =	sdelay $0x1  }
0x4a: {  	v6 =	vimm.f32 $-1.000000020e+30  }
0x4b: {  	v1 =	vmax.f32 v6, v1  }
0x4c: {  	s22 =	simm.s32 $0x80;
	v1 =	vmax.f32 v1, v2  }
0x4d: {  	v2 =	vld [tilespmem:s22+$0x4F00];
	v1 =	vmax.f32 v1, v3;
	v4 =	vadd.f32 v5, v4  }
0x4e: {  	s20 =	simm.s32 $0x400;
	v3 =	vld [tilespmem:s22+$0x8F00];
	v1 =	vmax.f32 v1, v7  }
.LBB2_2:
0x4f: {  	p0 =	sne.s32 s20, $0xF800;
	v4 =	vadd.f32 v4, v0;
	s21 =	smov.u32 s20;
	s20 =	sadd.s32 $0x200, s20  }
0x50: {  	_ = 	snop  }
0x51: {  	vm2 =	vge.f32 v4, $0.0e+00;
	v5 =	vmul.f32 $9.999999770e-03, v4;
	_ =	sdelay $0x1  }
0x52: {  	v4 =	vsel vm2, v4, v5  }
0x53: {  	[tilespmem:s19+$0xCF40] =	vst v4;
	v1 =	vmax.f32 v1, v4;
	s19 =	smov.u32 s22  }
0x54: {  	v2 =	vld.idx.msk [tilespmem:v2+s3+$0x0], $0xffff  }
0x55: {  	v3 =	vld.idx.msk [tilespmem:v3+s12+$0x0], $0xffff;
	_ =	sdelay $0x4  }
0x56: {  	v4 =	vld [tilespmem:s19+$0x8F10]  }
0x57: {  	v2 =	vadd.f32 v3, v2;
	v3 =	vld [tilespmem:s19+$0x4F10];
	_ =	sdelay $0x1  }
0x58: {  	v2 =	vadd.f32 v2, v0;
	_ =	sdelay $0x1  }
0x59: {  	vm2 =	vge.f32 v2, $0.0e+00;
	v5 =	vmul.f32 $9.999999770e-03, v2;
	_ =	sdelay $0x1  }
0x5a: {  	v2 =	vsel vm2, v2, v5  }
0x5b: {  	[tilespmem:s19+$0xCF00] =	vst v2  }
0x5c: {  	v3 =	vld.idx.msk [tilespmem:v3+s3+$0x0], $0xffff  }
0x5d: {  	v4 =	vld.idx.msk [tilespmem:v4+s12+$0x0], $0xffff;
	_ =	sdelay $0x4  }
0x5e: {  	v5 =	vld [tilespmem:s19+$0x8F20]  }
0x5f: {  	v3 =	vadd.f32 v4, v3;
	v4 =	vld [tilespmem:s19+$0x4F20];
	_ =	sdelay $0x1  }
0x60: {  	v3 =	vadd.f32 v3, v0;
	_ =	sdelay $0x1  }
0x61: {  	vm2 =	vge.f32 v3, $0.0e+00;
	v6 =	vmul.f32 $9.999999770e-03, v3;
	_ =	sdelay $0x1  }
0x62: {  	v3 =	vsel vm2, v3, v6  }
0x63: {  	[tilespmem:s19+$0xCF10] =	vst v3  }
0x64: {  	v4 =	vld.idx.msk [tilespmem:v4+s3+$0x0], $0xffff  }
0x65: {  	v5 =	vld.idx.msk [tilespmem:v5+s12+$0x0], $0xffff;
	_ =	sdelay $0x4  }
0x66: {  	v6 =	vld [tilespmem:s19+$0x8F30]  }
0x67: {  	v4 =	vadd.f32 v5, v4;
	v5 =	vld [tilespmem:s19+$0x4F30];
	_ =	sdelay $0x1  }
0x68: {  	v4 =	vadd.f32 v4, v0;
	_ =	sdelay $0x1  }
0x69: {  	vm2 =	vge.f32 v4, $0.0e+00;
	v7 =	vmul.f32 $9.999999770e-03, v4;
	_ =	sdelay $0x1  }
0x6a: {  	v4 =	vsel vm2, v4, v7  }
0x6b: {  	[tilespmem:s19+$0xCF20] =	vst v4  }
0x6c: {  	v5 =	vld.idx.msk [tilespmem:v5+s3+$0x0], $0xffff  }
0x6d: {  	v6 =	vld.idx.msk [tilespmem:v6+s12+$0x0], $0xffff;
	_ =	sdelay $0x4  }
0x6e: {  	v7 =	vld [tilespmem:s19+$0x8F40]  }
0x6f: {  	v5 =	vadd.f32 v6, v5;
	v6 =	vld [tilespmem:s19+$0x4F40];
	_ =	sdelay $0x1  }
0x70: {  	v5 =	vadd.f32 v5, v0;
	_ =	sdelay $0x1  }
0x71: {  	vm2 =	vge.f32 v5, $0.0e+00;
	v8 =	vmul.f32 $9.999999770e-03, v5;
	_ =	sdelay $0x1  }
0x72: {  	v5 =	vsel vm2, v5, v8  }
0x73: {  	[tilespmem:s19+$0xCF30] =	vst v5  }
0x74: {  	v6 =	vld.idx.msk [tilespmem:v6+s3+$0x0], $0xffff  }
0x75: {  	v7 =	vld.idx.msk [tilespmem:v7+s12+$0x0], $0xffff;
	_ =	sdelay $0x2  }
.Ltmp0:
0x76: {  	(pc) =	sbr.rel @p0 .LBB2_2-.Ltmp0, $4  }
0x77: {  	v1 =	vmax.f32 v1, v2  }
0x78: {  	s22 =	sshra.s32 s21, $0x2;
	v1 =	vmax.f32 v1, v3  }
0x79: {  	v1 =	vmax.f32 v1, v4;
	v4 =	vadd.f32 v7, v6;
	v2 =	vld [tilespmem:s22+$0x4F00]  }
0x7a: {  	v1 =	vmax.f32 v1, v5;
	v3 =	vld [tilespmem:s22+$0x8F00]  }
0x7b: {  	_ = 	snop  }
0x7c: {  	v4 =	vadd.f32 v4, v0;
	_ =	sdelay $0x1  }
0x7d: {  	v5 =	vmul.f32 $9.999999770e-03, v4  }
0x7e: {  	vm2 =	vge.f32 v4, $0.0e+00  }
0x7f: {  	v4 =	vsel vm2, v4, v5  }
0x80: {  	[tilespmem:s19+$0xCF40] =	vst v4  }
0x81: {  	v2 =	vld.idx.msk [tilespmem:v2+s3+$0x0], $0xffff  }
0x82: {  	v3 =	vld.idx.msk [tilespmem:v3+s12+$0x0], $0xffff;
	_ =	sdelay $0x4  }
0x83: {  	v2 =	vadd.f32 v3, v2;
	v3 =	vld [tilespmem:s22+$0x4F10]  }
0x84: {  	v5 =	vld [tilespmem:s22+$0x8F10]  }
0x85: {  	v2 =	vadd.f32 v2, v0;
	_ =	sdelay $0x1  }
0x86: {  	v6 =	vmul.f32 $9.999999770e-03, v2  }
0x87: {  	vm2 =	vge.f32 v2, $0.0e+00  }
0x88: {  	v2 =	vsel vm2, v2, v6  }
0x89: {  	[tilespmem:s22+$0xCF00] =	vst v2  }
0x8a: {  	v3 =	vld.idx.msk [tilespmem:v3+s3+$0x0], $0xffff  }
0x8b: {  	v5 =	vld.idx.msk [tilespmem:v5+s12+$0x0], $0xffff;
	_ =	sdelay $0x4  }
0x8c: {  	v3 =	vadd.f32 v5, v3;
	v5 =	vld [tilespmem:s22+$0x4F20]  }
0x8d: {  	v6 =	vld [tilespmem:s22+$0x8F20]  }
0x8e: {  	v3 =	vadd.f32 v3, v0;
	_ =	sdelay $0x1  }
0x8f: {  	v7 =	vmul.f32 $9.999999770e-03, v3  }
0x90: {  	vm2 =	vge.f32 v3, $0.0e+00  }
0x91: {  	v3 =	vsel vm2, v3, v7  }
0x92: {  	[tilespmem:s22+$0xCF10] =	vst v3  }
0x93: {  	v5 =	vld.idx.msk [tilespmem:v5+s3+$0x0], $0xffff  }
0x94: {  	v6 =	vld.idx.msk [tilespmem:v6+s12+$0x0], $0xffff;
	_ =	sdelay $0x4  }
0x95: {  	v5 =	vadd.f32 v6, v5;
	v6 =	vld [tilespmem:s22+$0x4F30]  }
0x96: {  	v7 =	vld [tilespmem:s22+$0x8F30]  }
0x97: {  	v5 =	vadd.f32 v5, v0;
	_ =	sdelay $0x1  }
0x98: {  	v8 =	vmul.f32 $9.999999770e-03, v5  }
0x99: {  	vm2 =	vge.f32 v5, $0.0e+00  }
0x9a: {  	v5 =	vsel vm2, v5, v8  }
0x9b: {  	[tilespmem:s22+$0xCF20] =	vst v5  }
0x9c: {  	v6 =	vld.idx.msk [tilespmem:v6+s3+$0x0], $0xffff  }
0x9d: {  	v7 =	vld.idx.msk [tilespmem:v7+s12+$0x0], $0xffff;
	_ =	sdelay $0x4  }
0x9e: {  	v6 =	vadd.f32 v7, v6;
	v7 =	vld [tilespmem:s22+$0x4F40]  }
0x9f: {  	v8 =	vld [tilespmem:s22+$0x8F40]  }
0xa0: {  	v6 =	vadd.f32 v6, v0;
	_ =	sdelay $0x1  }
0xa1: {  	v9 =	vmul.f32 $9.999999770e-03, v6  }
0xa2: {  	vm2 =	vge.f32 v6, $0.0e+00  }
0xa3: {  	v6 =	vsel vm2, v6, v9  }
0xa4: {  	[tilespmem:s22+$0xCF30] =	vst v6  }
0xa5: {  	v7 =	vld.idx.msk [tilespmem:v7+s3+$0x0], $0xffff  }
0xa6: {  	v8 =	vld.idx.msk [tilespmem:v8+s12+$0x0], $0xffff;
	_ =	sdelay $0x4  }
0xa7: {  	v7 =	vadd.f32 v8, v7;
	_ =	sdelay $0x1  }
0xa8: {  	v1 =	vmax.f32 v1, v4;
	v0 =	vadd.f32 v7, v0  }
0xa9: {  	v1 =	vmax.f32 v1, v2  }
0xaa: {  	v1 =	vmax.f32 v1, v3;
	v2 =	vmul.f32 $9.999999770e-03, v0  }
0xab: {  	v1 =	vmax.f32 v1, v5;
	vm2 =	vge.f32 v0, $0.0e+00  }
0xac: {  	v1 =	vmax.f32 v1, v6;
	v0 =	vsel vm2, v0, v2  }
0xad: {  	v1 =	vmax.f32 v1, v0  }
0xae: {  	(xrf0) =	vmax.scan.msk.f32 $0xffff, v1;
	_ =	sdelay $0x2  }
0xaf: {  	s30 =	simm.s32 $0x0;
	[tilespmem:s22+$0xCF40] =	vst v0  }
0xb0: {  	v1 =	vld [tilespmem:s30+$0xCF00];
	_ =	sdelay $0x1  }
0xb1: {  	v2 =	vld [tilespmem:s30+$0xCF10];
	v0, _, _ =	vpop (xrf0)  }
0xb2: {  	v0 =	vbroadcast v0, $0xF  }
0xb3: {  	v3 =	vld [tilespmem:s30+$0xCF20]  }
0xb4: {  	v1 =	vsub.f32 v1, v0  }
0xb5: {  	v4 =	vld [tilespmem:s30+$0xCF30]  }
0xb6: {  	v2 =	vsub.f32 v2, v0;
	v1 =	vmul.f32 $1.442695020e+00, v1  }
0xb7: {  	v5 =	vld [tilespmem:s30+$0xCF40]  }
0xb8: {  	s31 =	simm.s32 $0x80;
	v3 =	vsub.f32 v3, v0;
	v2 =	vmul.f32 $1.442695020e+00, v2;
	(erf) = vpow2.f32 v1  }
0xb9: {  	v1 =	vld [tilespmem:s31+$0xCF00]  }
0xba: {  	v4 =	vsub.f32 v4, v0;
	v3 =	vmul.f32 $1.442695020e+00, v3;
	(erf) = vpow2.f32 v2  }
0xbb: {  	v6 =	vld [tilespmem:s31+$0xCF10]  }
0xbc: {  	v7 =	vld [tilespmem:s31+$0xCF20];
	v5 =	vsub.f32 v5, v0;
	v4 =	vmul.f32 $1.442695020e+00, v4;
	(erf) = vpow2.f32 v3;
	_ =	sdelay $0x1  }
0xbd: {  	v5 =	vmul.f32 $1.442695020e+00, v5;
	v2 =	vld [tilespmem:s31+$0xCF30];
	(erf) = vpow2.f32 v4;
	v1 =	vsub.f32 v1, v0;
	_ =	sdelay $0x1  }
0xbe: {  	v6 =	vsub.f32 v6, v0;
	v3 =	vld [tilespmem:s31+$0xCF40];
	(erf) = vpow2.f32 v5;
	v8 =	vmul.f32 $1.442695020e+00, v1  }
0xbf: {  	v63 =	vimm.f32 $0.0e+00;
	s19 =	simm.s32 $0x100;
	v4 =	vsub.f32 v7, v0;
	v7 =	vpop (erf)  }
0xc0: {  	s20 =	simm.s32 $0x600;
	v5 =	vmul.f32 $1.442695020e+00, v6;
	v1 =	vld [tilespmem:s19+$0xCF00];
	(erf) = vpow2.f32 v8;
	v6 =	vadd.f32 v7, v63  }
.LBB2_4:
0xc1: {  	p0 =	sne.s32 s20, $0xF800;
	v2 =	vsub.f32 v2, v0;
	v7 =	vpop (erf)  }
0xc2: {  	v4 =	vmul.f32 $1.442695020e+00, v4;
	v8 =	vld [tilespmem:s19+$0xCF10];
	(erf) = vpow2.f32 v5;
	v10 =	vadd.f32 v7, v6  }
0xc3: {  	v3 =	vsub.f32 v3, v0;
	v6 =	vpop (erf)  }
0xc4: {  	v9 =	vmul.f32 $1.442695020e+00, v2;
	v7 =	vld [tilespmem:s19+$0xCF20];
	(erf) = vpow2.f32 v4;
	v4 =	vadd.f32 v6, v10  }
0xc5: {  	v1 =	vsub.f32 v1, v0;
	v5 =	vpop (erf)  }
.Ltmp1:
0xc6: {  	v6 =	vmul.f32 $1.442695020e+00, v3;
	v2 =	vld [tilespmem:s19+$0xCF30];
	(erf) = vpow2.f32 v9;
	v4 =	vadd.f32 v5, v4;
	(pc) =	sbr.rel @p0 .LBB2_4-.Ltmp1, $4  }
0xc7: {  	v5 =	vsub.f32 v8, v0;
	v8 =	vpop (erf)  }
0xc8: {  	v9 =	vmul.f32 $1.442695020e+00, v1;
	v3 =	vld [tilespmem:s19+$0xCF40];
	(erf) = vpow2.f32 v6;
	v6 =	vadd.f32 v8, v4  }
0xc9: {  	s19 =	sshra.s32 s20, $0x2;
	v4 =	vsub.f32 v7, v0;
	v7 =	vpop (erf)  }
0xca: {  	s20 =	sadd.s32 $0x200, s20;
	v5 =	vmul.f32 $1.442695020e+00, v5;
	v1 =	vld [tilespmem:s19+$0xCF00];
	(erf) = vpow2.f32 v9;
	v6 =	vadd.f32 v7, v6  }
0xcb: {  	v2 =	vsub.f32 v2, v0;
	v7 =	vpop (erf)  }
0xcc: {  	v8 =	vld [tilespmem:s19+$0xCF10];
	v4 =	vmul.f32 $1.442695020e+00, v4;
	(erf) = vpow2.f32 v5;
	v39 =	vadd.f32 v7, v6  }
0xcd: {  	v3 =	vsub.f32 v3, v0;
	v40 =	vpop (erf)  }
0xce: {  	v41 =	vld [tilespmem:s19+$0xCF20];
	v2 =	vmul.f32 $1.442695020e+00, v2;
	(erf) = vpow2.f32 v4;
	v42 =	vadd.f32 v40, v39  }
0xcf: {  	v1 =	vsub.f32 v1, v0;
	v43 =	vpop (erf)  }
0xd0: {  	v44 =	vld [tilespmem:s19+$0xCF30];
	v3 =	vmul.f32 $1.442695020e+00, v3;
	(erf) = vpow2.f32 v2;
	v45 =	vadd.f32 v43, v42  }
0xd1: {  	v46 =	vsub.f32 v8, v0;
	v47 =	vpop (erf)  }
0xd2: {  	v48 =	vld [tilespmem:s19+$0xCF40];
	v1 =	vmul.f32 $1.442695020e+00, v1;
	(erf) = vpow2.f32 v3;
	v2 =	vadd.f32 v47, v45  }
0xd3: {  	v49 =	vsub.f32 v41, v0;
	v50 =	vpop (erf)  }
0xd4: {  	v4 =	vmul.f32 $1.442695020e+00, v46;
	(erf) = vpow2.f32 v1;
	v51 =	vadd.f32 v50, v2  }
0xd5: {  	v52 =	vsub.f32 v44, v0;
	v53 =	vpop (erf)  }
0xd6: {  	v3 =	vmul.f32 $1.442695020e+00, v49;
	(erf) = vpow2.f32 v4;
	v1 =	vadd.f32 v53, v51  }
0xd7: {  	v54 =	vsub.f32 v48, v0;
	v55 =	vpop (erf)  }
0xd8: {  	v2 =	vmul.f32 $1.442695020e+00, v52;
	(erf) = vpow2.f32 v3;
	v1 =	vadd.f32 v55, v1  }
0xd9: {  	v56 =	vpop (erf)  }
0xda: {  	v4 =	vmul.f32 $1.442695020e+00, v54;
	(erf) = vpow2.f32 v2;
	v1 =	vadd.f32 v56, v1  }
0xdb: {  	v57 =	vpop (erf)  }
0xdc: {  	(erf) = vpow2.f32 v4;
	v1 =	vadd.f32 v57, v1  }
0xdd: {  	v58 =	vpop (erf)  }
0xde: {  	v1 =	vadd.f32 v58, v1  }
0xdf: {  	v59 =	vpop (erf)  }
0xe0: {  	v1 =	vadd.f32 v59, v1  }
0xe1: {  	v60 =	vpop (erf)  }
0xe2: {  	v1 =	vadd.f32 v60, v1  }
0xe3: {  	v61 =	vpop (erf)  }
0xe4: {  	v1 =	vadd.f32 v61, v1  }
0xe5: {  	v62 =	vpop (erf)  }
0xe6: {  	v1 =	vadd.f32 v62, v1;
	_ =	sdelay $0x1  }
0xe7: {  	(xrf2) =	vadd.scan.msk.f32 $0xffff, v1;
	_ =	sdelay $0x9  }
0xe8: {  	v1, _, _ =	vpop (xrf2)  }
0xe9: {  	[hbm4b:s8+s3] =	stream.linear.scatter [tilespmem:s16], [sflag:$0x1], $0x3E80, $0x38;
	v1 =	vbroadcast v1, $0xF;
	[tilespmem:$0x11000] =	vst v63  }
0xea: {  	_ =	swait.ge [sflag:s11], $0x3E80  }
0xeb: {  	s18 =	sadd.s32 $0x1, s18;
	[sflag:s11] =	ssyncset.done $0x0;
	v1 =	vnsel vm0, $0x0, v1  }
0xec: {  	p0 =	sne.s32 s18, s10;
	[sflag:s11] =	ssyncadd.s32 $0xFFFFC180;
	v63 =	vsel vm1, v1, v0  }
.Ltmp2:
0xed: {  	[tilespmem:$0x10F80] =	vst v63;
	(pc) =	sbr.rel @p0 .LBB2_1-.Ltmp2, $4  }
0xee: {  	[hbm4b:s9+s3] =	stream.linear.scatter [tilespmem:s17], [sflag:$0x1], $0x80, $0x38;
	[tilespmem:$0x11000] =	vst v63  }
0xef: {  	_ =	swait.ge [sflag:s11], $0x80  }
0xf0: {  	[sflag:s11] =	ssyncset.done $0x0  }
0xf1: {  	[sflag:s11] =	ssyncadd.s32 $0xFFFFFF80  }
0xf2: {  	_ =	sfence.sel $0x180000  }
0xf3: {  	[bflag:$0x0] =	sbarrier.arrive $0xFFFF  }
0xf4: {  	p0 =	sne.s32 s1, $0x0;
	_ =	strace $0x90000047  }
0xf5: {  	s0 =	sadd.s32 @!p0 $0x100000, s0;
	[bflag:$0x2] =	sbarrier.arrive $0xFFFF  }
0xf6: {  	[sflag:s0] =	ssyncadd.tile.s32 @!p0 $0x1;
	_ =	shalt  }
.Lfunc_end2:
_tile_overlayer_lowered:
.L_overlay_start_2:
0xf7: {  	(tag) =	ssettag $0x2  }
0xf8: {  	s0 =	rddreg [dreg:$0x0];
	s2 =	stileid.u32  }
0xf9: {  	s1 =	rddreg [dreg:$0x1];
	p0 =	sne.s32 s2, $0x0  }
0xfa: {  	s3 =	rddreg [dreg:$0x2];
	[bflag:$0x3] =	sbarrier.arrive $0xFFFF;
	s2 =	simm.s32 @!p0 $0x1C01  }
0xfb: {  	[timem:s3], [sflag:s2] =	dma.local @!p0 [hbm:s0], s1  }
0xfc: {  	s0 =	simm.s32 @!p0 $0x1  }
0xfd: {  	_ =	swait.ge @!p0 [sflag:s0], s1  }
0xfe: {  	s1 =	ssub.s32 @!p0 $0x0, s1;
	[sflag:s0] =	ssyncset.done @!p0 $0x0  }
0xff: {  	[sflag:s0] =	ssyncadd.s32 @!p0 s1  }
0x100: {  	[bflag:$0x3] =	sbarrier.arrive $0xFFFF  }
0x101: {  	_ =	shalt  }

// kernel: kernel.8.cloned.1.call-start
scs
__scs_entry_jumppad:
0x0: {  	(pc) =	sbr.rel $0x88, $3  }
0x1: {  	(tag) =	ssettag $0x0;
	lr =	simm.s32 $0x1  }
0x2: {  	[smem:$0x3F9B] =	sst lr;
	_ =	strace $0xD0000000  }
0x3: {  	_ = 	snop  }
0x4: {  	_ = 	snop  }
0x5: {  	_ = 	snop  }
0x6: {  	_ = 	snop  }
0x7: {  	_ = 	snop  }
__scs_overlays_trampoline_lowered:
0x8: {  	[smem:$0x3FAA] =	sst s0  }
0x9: {  	[smem:$0x3FAB] =	sst s1  }
0xa: {  	[smem:$0x3FAC] =	sst s2  }
0xb: {  	[smem:$0x3FAD] =	sst s3  }
0xc: {  	[smem:$0x3FAE] =	sst s4  }
0xd: {  	[smem:$0x3FAF] =	sst s5  }
0xe: {  	[smem:$0x3FB0] =	sst s6  }
0xf: {  	[smem:$0x3FB1] =	sst s7  }
0x10: {  	[smem:$0x3FB2] =	sst s8  }
0x11: {  	[smem:$0x3FB3] =	sst s9;
	s0 =	simm.s32 @!p0 $0x0  }
0x12: {  	s1 =	sld [smem:$0x3F99];
	s0 =	simm.s32 @p0 $0x1  }
0x13: {  	[smem:$0x3FB4] =	sst s0;
	s0 =	simm.s32 @!p1 $0x0  }
0x14: {  	s2 =	sld [smem:$0x3F98];
	s0 =	simm.s32 @p1 $0x1  }
0x15: {  	[smem:$0x3FB5] =	sst s0;
	s0 =	simm.s32 @!p2 $0x0  }
0x16: {  	s3 =	sld [smem:$0x3FDB];
	s0 =	simm.s32 @p2 $0x1  }
0x17: {  	s4 =	simm.s32 $0x1BF5;
	[smem:$0x3FB7] =	sst s0  }
0x18: {  	s0 =	sld [smem:$0x3F9A];
	_ =	swait.ge [sflag:s4], $0x0  }
0x19: {  	s7 =	sld [smem:$0x3F9B]  }
0x1a: {  	s8 =	sadd.s32 $0xFFFFE003, lr  }
0x1b: {  	s9 =	sadd.s32 $0xFFFFFEF7, lr;
	s5 =	simm.s32 $0xFFFFFFFF;
	p2 =	slt.u32 s8, $0xFFFFF086  }
0x1c: {  	p1 =	slt.u32 s9, $0xF7A;
	s5 =	simm.s32 @!p2 $0x0  }
0x1d: {  	s5 =	simm.s32 @p1 $0x1;
	p0 =	seq.s32 s7, s2  }
0x1e: {  	s7 =	smul.u32 @!p0 $0xF7A, s2;
	p2 =	seq.s32 @!p0 s5, $0x0  }
0x1f: {  	s9 =	smul.u32 $0xF7A, s1;
	s8 =	simm.s32 @!p0 $0x1BF5;
	p2 =	por !p2, p0  }
0x20: {  	[sflag:s8] =	ssyncset.s32 @!p0 $0xFFFFF086;
	s6 =	sadd.s32 @!p0 s3, s7;
	s7 =	simm.s32 @!p0 $0x108  }
0x21: {  	s3 =	sadd.s32 s3, s9;
	s6 =	sadd.s32 @!p0 $0x88, s6;
	s7 =	simm.s32 @p2 $0x1082  }
0x22: {  	[simem:s7], [sflag:s8] =	dma.local @!p0 [hbm:s6], $0xF7A  }
0x23: {  	s9 =	sor.u32 $0xD0000000, s2;
	s6 =	simm.s32 $0x108;
	_ =	swait.ge @!p0 [sflag:s8], $0x0  }
0x24: {  	s3 =	sadd.s32 $0x88, s3;
	s6 =	simm.s32 @!p1 $0x1082;
	[sflag:s4] =	ssyncset.s32 $0xFFFFF086  }
0x25: {  	[simem:s6], [sflag:s4] =	dma.local [hbm:s3], $0xF7A  }
0x26: {  	[smem:$0x3F9B] =	sst s1;
	(tag) =	ssettag s2;
	_ =	strace s9  }
0x27: {  	s1 =	sld [smem:$0x3FAB]  }
0x28: {  	s2 =	sld [smem:$0x3FAC]  }
0x29: {  	s4 =	sld [smem:$0x3FAE]  }
0x2a: {  	p0 =	seq.s32 s5, $0x0;
	s5 =	sld [smem:$0x3FAF]  }
0x2b: {  	s6 =	sld [smem:$0x3FB0]  }
0x2c: {  	s7 =	sld [smem:$0x3FB1]  }
0x2d: {  	s3 =	simm.s32 $0x108;
	s8 =	sld [smem:$0x3FB2]  }
0x2e: {  	s3 =	simm.s32 @!p0 $0x1082;
	s9 =	sld [smem:$0x3FB3]  }
0x2f: {  	lr =	sadd.s32 s0, s3;
	s0 =	sld [smem:$0x3FAA]  }
0x30: {  	s3 =	sld [smem:$0x3FAD]  }
0x31: {  	[smem:$0x3FB6] =	sst s10  }
0x32: {  	s10 =	sld [smem:$0x3FB4];
	_ =	sdelay $0x3  }
0x33: {  	p0 =	seq.s32 s10, $0x1;
	s10 =	sld [smem:$0x3FB6];
	_ =	sdelay $0x3  }
0x34: {  	[smem:$0x3FB6] =	sst s10  }
0x35: {  	s10 =	sld [smem:$0x3FB5];
	_ =	sdelay $0x3  }
0x36: {  	p1 =	seq.s32 s10, $0x1;
	s10 =	sld [smem:$0x3FB6];
	_ =	sdelay $0x3  }
0x37: {  	[smem:$0x3FB6] =	sst s10  }
0x38: {  	s10 =	sld [smem:$0x3FB7]  }
0x39: {  	_ = 	snop;
	(pc) =	sbr.ind lr, $3  }
0x3a: {  	_ = 	snop  }
0x3b: {  	_ = 	snop  }
0x3c: {  	p2 =	seq.s32 s10, $0x1;
	s10 =	sld [smem:$0x3FB6]  }
0x3d: {  	_ =	shalt  }
0x3e: {  	_ =	shalt  }
0x3f: {  	_ =	shalt  }
0x40: {  	_ =	shalt  }
0x41: {  	_ =	shalt  }
0x42: {  	_ =	shalt  }
0x43: {  	_ =	shalt  }
0x44: {  	_ =	shalt  }
0x45: {  	_ =	shalt  }
0x46: {  	_ =	shalt  }
0x47: {  	_ =	shalt  }
0x48: {  	_ =	shalt  }
0x49: {  	_ =	shalt  }
0x4a: {  	_ =	shalt  }
0x4b: {  	_ =	shalt  }
0x4c: {  	_ =	shalt  }
0x4d: {  	_ =	shalt  }
0x4e: {  	_ =	shalt  }
0x4f: {  	_ =	shalt  }
0x50: {  	_ =	shalt  }
0x51: {  	_ =	shalt  }
0x52: {  	_ =	shalt  }
0x53: {  	_ =	shalt  }
0x54: {  	_ =	shalt  }
0x55: {  	_ =	shalt  }
0x56: {  	_ =	shalt  }
0x57: {  	_ =	shalt  }
0x58: {  	_ =	shalt  }
0x59: {  	_ =	shalt  }
0x5a: {  	_ =	shalt  }
0x5b: {  	_ =	shalt  }
0x5c: {  	_ =	shalt  }
0x5d: {  	_ =	shalt  }
0x5e: {  	_ =	shalt  }
0x5f: {  	_ =	shalt  }
0x60: {  	_ =	shalt  }
0x61: {  	_ =	shalt  }
0x62: {  	_ =	shalt  }
0x63: {  	_ =	shalt  }
0x64: {  	_ =	shalt  }
0x65: {  	_ =	shalt  }
0x66: {  	_ =	shalt  }
0x67: {  	_ =	shalt  }
0x68: {  	_ =	shalt  }
0x69: {  	_ =	shalt  }
0x6a: {  	_ =	shalt  }
0x6b: {  	_ =	shalt  }
0x6c: {  	_ =	shalt  }
0x6d: {  	_ =	shalt  }
0x6e: {  	_ =	shalt  }
0x6f: {  	_ =	shalt  }
0x70: {  	_ =	shalt  }
0x71: {  	_ =	shalt  }
0x72: {  	_ =	shalt  }
0x73: {  	_ =	shalt  }
0x74: {  	_ =	shalt  }
0x75: {  	_ =	shalt  }
0x76: {  	_ =	shalt  }
0x77: {  	_ =	shalt  }
0x78: {  	_ =	shalt  }
0x79: {  	_ =	shalt  }
0x7a: {  	_ =	shalt  }
0x7b: {  	_ =	shalt  }
0x7c: {  	_ =	shalt  }
0x7d: {  	_ =	shalt  }
0x7e: {  	_ =	shalt  }
0x7f: {  	_ =	shalt  }
0x80: {  	_ =	shalt  }
0x81: {  	_ =	shalt  }
0x82: {  	_ =	shalt  }
0x83: {  	_ =	shalt  }
0x84: {  	_ =	shalt  }
0x85: {  	_ =	shalt  }
0x86: {  	_ =	shalt  }
0x87: {  	_ =	shalt  }
.Lfunc_end0:
.L_simem_size_0:
called_computation.1_lowered:
.L_overlay_start_0:
0x88: {  	s2 =	sld [smem:$0x3FD9]  }
0x89: {  	s3 =	sld [smem:$0x3FFE];
	_ =	sdelay $0x1  }
0x8a: {  	s1 =	srdreg.scid  }
0x8b: {  	s0 =	sand.u32 $0x1, s1  }
0x8c: {  	s17 =	sshll.u32 s0, $0xA;
	s2 =	sadd.s32 s3, s2  }
0x8d: {  	s2 =	sadd.s32 s2, s17  }
0x8e: {  	[smem:$0x3FC2] =	sst s2  }
0x8f: {  	_ = 	snop  }
0x90: {  	s2 =	sld [smem:$0x3FD0];
	(tm) =	ssettm $0x1  }
0x91: {  	s18 =	sld [smem:$0x3FFB];
	_ =	sdelay $0x3  }
0x92: {  	_ =	strace s18  }
0x93: {  	s3 =	sld [smem:$0x3FFC];
	_ =	sdelay $0x3  }
0x94: {  	_ =	strace s3  }
0x95: {  	s3 =	sld [smem:$0x3FFD];
	_ =	sdelay $0x3  }
0x96: {  	_ =	strace s3  }
0x97: {  	_ =	strace $0x8FFFFFFF  }
0x98: {  	s19 =	sld [smem:$0x3FDB];
	_ =	sdelay $0x1  }
0x99: {  	s4 =	simm.s32 $_scs_section_size  }
0x9a: {  	s5 =	simm.s32 $_size__tile_overlayer_lowered;
	s6 =	simm.s32 $_tile_overlayer_lowered  }
0x9b: {  	s22 =	simm.s32 $0x1BFF;
	s21 =	sshll.u32 s6, $0x1;
	s3 =	sadd.s32 s4, s19  }
0x9c: {  	s7 =	simm.s32 $0x0;
	s20 =	sshll.u32 s5, $0x1;
	s5 =	sadd.s32 s21, s3  }
0x9d: {  	[timem:s7], [sflag:s22] =	dma.local [hbm:s5], s20  }
0x9e: {  	_ =	swait.ge [sflag:s22], s20  }
0x9f: {  	s4 =	ssub.s32 $0x0, s20;
	[sflag:s22] =	ssyncset.done $0x0  }
0xa0: {  	[sflag:s22] =	ssyncadd.s32 s4;
	_ =	sdelay $0x1  }
0xa1: {  	s23 =	simm.s32 $0x1B8B  }
0xa2: {  	_ =	swait.ge [sflag:s23], $0x1  }
0xa3: {  	[sflag:s23] =	ssyncset.done $0x0  }
0xa4: {  	s25 =	simm.s32 $0x1B8E;
	s24 =	sld [smem:$0x3FFE];
	[sflag:s23] =	ssyncadd.s32 $0xFFFFFFFF  }
0xa5: {  	s26 =	simm.s32 $execute0_lowered;
	[smem:$0x3FD2] =	sst s25  }
0xa6: {  	s5 =	sshll.u32 s26, $0x1;
	_ =	strace $0x80000049;
	[dreg:$0x1] =	wrdreg $0xFFFFFFFF  }
0xa7: {  	s28 =	simm.s32 $_size_execute0_lowered;
	s3 =	sadd.s32 s3, s5;
	[dreg:$0x0] =	wrdreg $0x0  }
0xa8: {  	s5 =	sshll.u32 s28, $0x1;
	[dreg:$0x2] =	wrdreg s3  }
0xa9: {  	[dreg:$0x3] =	wrdreg s5  }
0xaa: {  	[dreg:$0x4] =	wrdreg $0xC0  }
0xab: {  	_ =	task [dreg:s7], $0x5FFFF  }
0xac: {  	[dreg:$0x1] =	wrdreg $0xFFFFFFFF  }
0xad: {  	[dreg:$0x0] =	wrdreg $0x60  }
0xae: {  	[dreg:$0x2] =	wrdreg s2  }
0xaf: {  	[dreg:$0x3] =	wrdreg s24  }
0xb0: {  	[dreg:$0x4] =	wrdreg $0x64800  }
0xb1: {  	[dreg:$0x5] =	wrdreg $0x9  }
0xb2: {  	_ =	task.clear_ibuf [dreg:s7], $0x6FFFF;
	_ =	strace $0x90000049  }
0xb3: {  	s29 =	simm.s32 $0x9;
	_ =	strace $0x8000004B  }
0xb4: {  	_ =	swait.ge [sflag:s29], $0x1  }
0xb5: {  	[sflag:s29] =	ssyncadd.s32 $0xFFFFFFFF  }
0xb6: {  	_ =	strace $0x9000004B  }
0xb7: {  	_ =	sfence  }
0xb8: {  	s30 =	sld [smem:$0x0];
	_ =	sdelay $0x2  }
0xb9: {  	s31 =	sshll.u32 s1, $0xD;
	s1 =	sshrl.u32 s1, $0x2  }
0xba: {  	s3 =	sand.u32 $0x4000, s31;
	s1 =	sadd.s32 s1, s30  }
0xbb: {  	s0 =	sor.u32 s3, s0;
	s1 =	sshll.u32 s1, $0x11  }
0xbc: {  	s0 =	sor.u32 s1, s0  }
0xbd: {  	s0 =	sadd.s32 $0x8F2B, s0  }
0xbe: {  	[sflag:s0] =	ssyncadd.remote.s32 $0x1  }
0xbf: {  	_ =	sfence.sel $0xFFFF  }
0xc0: {  	[dreg:$0x0] =	wrdreg $0xFFFFFFFF;
	(pc) =	sbr.abs _section_cstart, $3  }
0xc1: {  	[dreg:$0x1] =	wrdreg $0xFFFFFFFF  }
0xc2: {  	_ =	task.clear_ibuf [dreg:s7], $0x2FFFF;
	_ =	strace $0x9FFFFFFF  }
0xc3: {  	(tm) =	ssettm $0x7FFFFFFF  }
tec
execute0_lowered:
.L_overlay_start_1:
0x0: {  	(tag) =	ssettag $0x1  }
0x1: {  	s1 =	rddreg [dreg:$0x0]  }
0x2: {  	s11 =	rddreg [dreg:$0x1]  }
0x3: {  	s3 =	rddreg [dreg:$0x2];
	s9 =	stileid.u32  }
0x4: {  	s5 =	simm.s32 $0x0;
	s0 =	srdreg.scid;
	s4 =	smul.u32 $0x14000, s9  }
0x5: {  	s0 =	sand.u32 $0x1, s0;
	s21 =	sshll.u32 s9, $0x1;
	s9 =	smul.u32 $0x4E200, s9  }
0x6: {  	[smem:$0x7FF] =	sst s5;
	s2 =	smul.u32 $0x140000, s0  }
0x7: {  	_ =	strace $0x8000004A;
	s10 =	ssub.s32 $0x2, s0;
	s9 =	sshrl.u32 s9, $0x2  }
0x8: {  	s0 =	sor.u32 s0, s21;
	s22 =	sshrl.u32 s10, $0x1;
	s14 =	sadd.s32 s9, s3  }
0x9: {  	s0 =	smul.u32 $0x3F80, s0;
	s9 =	sadd.s32 $0xC80, s14;
	[dreg:$0x4] =	wrdreg s14  }
0xa: {  	s2 =	sadd.s32 s4, s2;
	s23 =	sadd.s32 $0x1900, s14;
	[dreg:$0x5] =	wrdreg s9  }
0xb: {  	s4 =	ssub.s32 s10, s22;
	s10 =	sadd.s32 $0x8980, s14;
	[dreg:$0x6] =	wrdreg s23  }
0xc: {  	s7 =	sadd.s32 $0x40E00, s11;
	s28 =	sadd.s32 $0x3E80, s14;
	[dreg:$0x1b] =	wrdreg s10  }
0xd: {  	s24 =	sshrl.u32 s0, $0x3;
	s29 =	sadd.s32 $0x7D00, s14;
	[dreg:$0x15] =	wrdreg s28  }
0xe: {  	s6 =	sadd.s32 $0x31000, s11;
	s25 =	sadd.s32 s7, s24;
	[dreg:$0x1a] =	wrdreg s29  }
0xf: {  	s8 =	sadd.s32 $0x200, s11;
	s26 =	sadd.s32 s6, s24;
	[dreg:$0x7] =	wrdreg s25  }
0x10: {  	s2 =	sshrl.u32 s2, $0x3;
	s9 =	sadd.s32 s8, s24;
	[dreg:$0x8] =	wrdreg s26  }
0x11: {  	s2 =	sadd.s32 s2, s11;
	s23 =	smax.u32 s4, $0x1;
	[dreg:$0x9] =	wrdreg s9  }
0x12: {  	s11 =	sadd.s32 $0x10, s24;
	s24 =	sadd.s32 $0x2580, s14;
	[dreg:$0x12] =	wrdreg s23  }
0x13: {  	s4 =	sadd.s32 $0x6400, s14;
	[dreg:$0x13] =	wrdreg s24  }
0x14: {  	s12 =	sadd.s32 s7, s11;
	[dreg:$0x18] =	wrdreg s4  }
0x15: {  	s13 =	sadd.s32 s6, s11;
	[dreg:$0xa] =	wrdreg s12  }
0x16: {  	s15 =	sadd.s32 s8, s11;
	[dreg:$0xb] =	wrdreg s13  }
0x17: {  	s16 =	sadd.s32 $0x50C00, s2;
	[dreg:$0xc] =	wrdreg s15  }
0x18: {  	s17 =	sadd.s32 $0x51400, s2;
	[dreg:$0xd] =	wrdreg s16  }
0x19: {  	s20 =	sadd.s32 $0x51C00, s2;
	[dreg:$0xe] =	wrdreg s17  }
0x1a: {  	s21 =	sadd.s32 $0x52400, s2;
	[dreg:$0xf] =	wrdreg s20  }
0x1b: {  	s22 =	sadd.s32 $0x52C00, s2;
	[dreg:$0x10] =	wrdreg s21  }
0x1c: {  	s25 =	sadd.s32 $0x3200, s14;
	[dreg:$0x11] =	wrdreg s22  }
0x1d: {  	s26 =	sadd.s32 $0x4B00, s14;
	[dreg:$0x14] =	wrdreg s25  }
0x1e: {  	s2 =	sadd.s32 $0x5780, s14;
	[dreg:$0x16] =	wrdreg s26  }
0x1f: {  	s9 =	sadd.s32 $0x7080, s14;
	[dreg:$0x17] =	wrdreg s2  }
0x20: {  	s11 =	sadd.s32 $0x9600, s14;
	[dreg:$0x19] =	wrdreg s9  }
0x21: {  	s23 =	sadd.s32 $0x10680, s14;
	[dreg:$0x1c] =	wrdreg s11  }
0x22: {  	s24 =	sadd.s32 $0x11300, s14;
	[smem:$0x7FA] =	sst s23  }
0x23: {  	s12 =	sadd.s32 $0xA280, s14;
	[smem:$0x7FB] =	sst s24  }
0x24: {  	s30 =	simm.s32 $0x5000;
	s13 =	sadd.s32 $0xAF00, s14;
	[dreg:$0x1d] =	wrdreg s12  }
0x25: {  	s31 =	simm.s32 $0x5100;
	s15 =	sadd.s32 $0xBB80, s14;
	[dreg:$0x1e] =	wrdreg s13  }
0x26: {  	s18 =	sadd.s32 $0x100, s0;
	s16 =	sadd.s32 $0xC800, s14;
	[dreg:$0x1f] =	wrdreg s15  }
0x27: {  	s19 =	sadd.s32 $0x180, s0;
	s17 =	sadd.s32 $0xD480, s14;
	[smem:$0x7F5] =	sst s16  }
0x28: {  	s0 =	simm.s32 $0x5200;
	s20 =	sadd.s32 $0xE100, s14;
	[smem:$0x7F6] =	sst s17  }
0x29: {  	s10 =	simm.s32 $0x50;
	s21 =	sadd.s32 $0xED80, s14;
	[smem:$0x7F7] =	sst s20  }
0x2a: {  	s22 =	sadd.s32 $0xFA00, s14;
	s25 =	sadd.s32 $0x11F80, s14;
	[smem:$0x7F8] =	sst s21  }
0x2b: {  	s26 =	sadd.s32 $0x12C00, s14;
	s2 =	simm.s32 $0x1;
	[smem:$0x7F9] =	sst s22  }
0x2c: {  	s11 =	simm.s32 $0x5080;
	s23 =	simm.s32 $0x5;
	[smem:$0x7FC] =	sst s25  }
0x2d: {  	s24 =	simm.s32 $0x5380;
	s9 =	simm.s32 $0x0;
	[smem:$0x7FD] =	sst s26  }
0x2e: {  	s26 =	simm.s32 $0x7;
	s12 =	simm.s32 $0x5180;
	s13 =	simm.s32 $0x5280  }
0x2f: {  	s15 =	simm.s32 $0x2;
	s16 =	simm.s32 $0x2800;
	s17 =	simm.s32 $0x3  }
0x30: {  	v0 =	vimm.f32 $0.0e+00;
	s20 =	simm.s32 $0x5300;
	s22 =	simm.s32 $0x4;
	s25 =	simm.s32 $0x6  }
.LBB2_1:
0x31: {  	[smem:$0x7F4] =	sst s9  }
0x32: {  	s4 =	rddreg [dreg:$0x1];
	s21 =	simm.s32 $0x6400  }
0x33: {  	[tilespmem:s21], [sflag:$0x7] =	stream.linear.gather [hbm4b:s4+s5], $0x80, $0x38;
	[tilespmem:$0x19D00] =	vst v63  }
0x34: {  	_ =	swait.ge [sflag:s26], $0x80  }
0x35: {  	[sflag:s26] =	ssyncset.done $0x0  }
0x36: {  	[sflag:s26] =	ssyncadd.s32 $0xFFFFFF80  }
0x37: {  	s9 =	simm.s32 $0x200;
	s4 =	simm.s32 $0x0;
	v1 =	vld [tilespmem:$0x6400]  }
.LBB2_2:
0x38: {  	p0 =	sne.s32 s9, $0x3000;
	[tilespmem:s4+$0x5470] =	vst v0  }
0x39: {  	[tilespmem:s4+$0x5400] =	vst v0  }
0x3a: {  	[tilespmem:s4+$0x5410] =	vst v0  }
.Ltmp0:
0x3b: {  	[tilespmem:s4+$0x5420] =	vst v0;
	(pc) =	sbr.rel @p0 .LBB2_2-.Ltmp0, $4  }
0x3c: {  	[tilespmem:s4+$0x5430] =	vst v0  }
0x3d: {  	[tilespmem:s4+$0x5440] =	vst v0  }
0x3e: {  	[tilespmem:s4+$0x5450] =	vst v0  }
0x3f: {  	[tilespmem:s4+$0x5460] =	vst v0;
	s4 =	sshra.s32 s9, $0x2;
	s9 =	sadd.s32 $0x200, s9  }
0x40: {  	[tilespmem:s4+$0x5470] =	vst v0  }
0x41: {  	[tilespmem:s4+$0x5400] =	vst v0  }
0x42: {  	[tilespmem:s4+$0x5410] =	vst v0  }
0x43: {  	[tilespmem:s4+$0x5420] =	vst v0  }
0x44: {  	[tilespmem:s4+$0x5430] =	vst v0  }
0x45: {  	[tilespmem:s4+$0x5440] =	vst v0  }
0x46: {  	[tilespmem:s4+$0x5450] =	vst v0  }
0x47: {  	[tilespmem:s4+$0x5460] =	vst v0;
	s9 =	simm.s32 $0x5400  }
0x48: {  	[spmem:s14] =	stream.linear.scatter [tilespmem:s9], [sflag:$0x7], $0xC80, $0x38;
	[tilespmem:$0x19D00] =	vst v63  }
0x49: {  	_ =	swait.ge [sflag:s26], $0xC80  }
0x4a: {  	[sflag:s26] =	ssyncset.done $0x0  }
0x4b: {  	s14 =	rddreg [dreg:$0x5];
	[sflag:s26] =	ssyncadd.s32 $0xFFFFF380  }
0x4c: {  	[spmem:s14] =	stream.linear.scatter [tilespmem:s9], [sflag:$0x7], $0xC80, $0x38;
	[tilespmem:$0x19D00] =	vst v63  }
0x4d: {  	_ =	swait.ge [sflag:s26], $0xC80  }
0x4e: {  	[sflag:s26] =	ssyncset.done $0x0  }
0x4f: {  	s21 =	rddreg [dreg:$0x6];
	[sflag:s26] =	ssyncadd.s32 $0xFFFFF380  }
0x50: {  	[spmem:s21] =	stream.linear.scatter [tilespmem:s9], [sflag:$0x7], $0xC80, $0x38;
	[tilespmem:$0x19D00] =	vst v63  }
0x51: {  	_ =	swait.ge [sflag:s26], $0xC80  }
0x52: {  	[sflag:s26] =	ssyncset.done $0x0  }
0x53: {  	s14 =	rddreg [dreg:$0x13];
	[sflag:s26] =	ssyncadd.s32 $0xFFFFF380  }
0x54: {  	[spmem:s14] =	stream.linear.scatter [tilespmem:s9], [sflag:$0x7], $0xC80, $0x38;
	[tilespmem:$0x19D00] =	vst v63  }
0x55: {  	_ =	swait.ge [sflag:s26], $0xC80  }
0x56: {  	[sflag:s26] =	ssyncset.done $0x0  }
0x57: {  	s21 =	rddreg [dreg:$0x14];
	[sflag:s26] =	ssyncadd.s32 $0xFFFFF380  }
0x58: {  	[spmem:s21] =	stream.linear.scatter [tilespmem:s9], [sflag:$0x7], $0xC80, $0x38;
	[tilespmem:$0x19D00] =	vst v63  }
0x59: {  	_ =	swait.ge [sflag:s26], $0xC80  }
0x5a: {  	[sflag:s26] =	ssyncset.done $0x0  }
0x5b: {  	[sflag:s26] =	ssyncadd.s32 $0xFFFFF380  }
0x5c: {  	[spmem:s28] =	stream.linear.scatter [tilespmem:s9], [sflag:$0x7], $0xC80, $0x38;
	[tilespmem:$0x19D00] =	vst v63  }
0x5d: {  	_ =	swait.ge [sflag:s26], $0xC80  }
0x5e: {  	[sflag:s26] =	ssyncset.done $0x0  }
0x5f: {  	s28 =	rddreg [dreg:$0x16];
	[sflag:s26] =	ssyncadd.s32 $0xFFFFF380  }
0x60: {  	[spmem:s28] =	stream.linear.scatter [tilespmem:s9], [sflag:$0x7], $0xC80, $0x38;
	[tilespmem:$0x19D00] =	vst v63  }
0x61: {  	_ =	swait.ge [sflag:s26], $0xC80  }
0x62: {  	[sflag:s26] =	ssyncset.done $0x0  }
0x63: {  	s14 =	rddreg [dreg:$0x17];
	[sflag:s26] =	ssyncadd.s32 $0xFFFFF380  }
0x64: {  	[spmem:s14] =	stream.linear.scatter [tilespmem:s9], [sflag:$0x7], $0xC80, $0x38;
	[tilespmem:$0x19D00] =	vst v63  }
0x65: {  	_ =	swait.ge [sflag:s26], $0xC80  }
0x66: {  	[sflag:s26] =	ssyncset.done $0x0  }
0x67: {  	s21 =	rddreg [dreg:$0x18];
	[sflag:s26] =	ssyncadd.s32 $0xFFFFF380  }
0x68: {  	[spmem:s21] =	stream.linear.scatter [tilespmem:s9], [sflag:$0x7], $0xC80, $0x38;
	[tilespmem:$0x19D00] =	vst v63  }
0x69: {  	_ =	swait.ge [sflag:s26], $0xC80  }
0x6a: {  	[sflag:s26] =	ssyncset.done $0x0  }
0x6b: {  	s28 =	rddreg [dreg:$0x19];
	[sflag:s26] =	ssyncadd.s32 $0xFFFFF380  }
0x6c: {  	[spmem:s28] =	stream.linear.scatter [tilespmem:s9], [sflag:$0x7], $0xC80, $0x38;
	[tilespmem:$0x19D00] =	vst v63  }
0x6d: {  	_ =	swait.ge [sflag:s26], $0xC80  }
0x6e: {  	[sflag:s26] =	ssyncset.done $0x0  }
0x6f: {  	[sflag:s26] =	ssyncadd.s32 $0xFFFFF380  }
0x70: {  	[spmem:s29] =	stream.linear.scatter [tilespmem:s9], [sflag:$0x7], $0xC80, $0x38;
	[tilespmem:$0x19D00] =	vst v63  }
0x71: {  	_ =	swait.ge [sflag:s26], $0xC80  }
0x72: {  	[sflag:s26] =	ssyncset.done $0x0  }
0x73: {  	s14 =	rddreg [dreg:$0x1b];
	[sflag:s26] =	ssyncadd.s32 $0xFFFFF380  }
0x74: {  	[spmem:s14] =	stream.linear.scatter [tilespmem:s9], [sflag:$0x7], $0xC80, $0x38;
	[tilespmem:$0x19D00] =	vst v63  }
0x75: {  	_ =	swait.ge [sflag:s26], $0xC80  }
0x76: {  	[sflag:s26] =	ssyncset.done $0x0  }
0x77: {  	s21 =	rddreg [dreg:$0x1c];
	[sflag:s26] =	ssyncadd.s32 $0xFFFFF380  }
0x78: {  	[spmem:s21] =	stream.linear.scatter [tilespmem:s9], [sflag:$0x7], $0xC80, $0x38;
	[tilespmem:$0x19D00] =	vst v63  }
0x79: {  	_ =	swait.ge [sflag:s26], $0xC80  }
0x7a: {  	[sflag:s26] =	ssyncset.done $0x0  }
0x7b: {  	s28 =	rddreg [dreg:$0x1d];
	[sflag:s26] =	ssyncadd.s32 $0xFFFFF380  }
0x7c: {  	[spmem:s28] =	stream.linear.scatter [tilespmem:s9], [sflag:$0x7], $0xC80, $0x38;
	[tilespmem:$0x19D00] =	vst v63  }
0x7d: {  	_ =	swait.ge [sflag:s26], $0xC80  }
0x7e: {  	[sflag:s26] =	ssyncset.done $0x0  }
0x7f: {  	s29 =	rddreg [dreg:$0x1e];
	[sflag:s26] =	ssyncadd.s32 $0xFFFFF380  }
0x80: {  	[spmem:s29] =	stream.linear.scatter [tilespmem:s9], [sflag:$0x7], $0xC80, $0x38;
	[tilespmem:$0x19D00] =	vst v63  }
0x81: {  	_ =	swait.ge [sflag:s26], $0xC80  }
0x82: {  	[sflag:s26] =	ssyncset.done $0x0  }
0x83: {  	s14 =	rddreg [dreg:$0x1f];
	[sflag:s26] =	ssyncadd.s32 $0xFFFFF380  }
0x84: {  	[spmem:s14] =	stream.linear.scatter [tilespmem:s9], [sflag:$0x7], $0xC80, $0x38;
	[tilespmem:$0x19D00] =	vst v63  }
0x85: {  	_ =	swait.ge [sflag:s26], $0xC80  }
0x86: {  	s21 =	sld [smem:$0x7F5]  }
0x87: {  	[sflag:s26] =	ssyncset.done $0x0  }
0x88: {  	[sflag:s26] =	ssyncadd.s32 $0xFFFFF380  }
0x89: {  	[spmem:s21] =	stream.linear.scatter [tilespmem:s9], [sflag:$0x7], $0xC80, $0x38;
	[tilespmem:$0x19D00] =	vst v63  }
0x8a: {  	_ =	swait.ge [sflag:s26], $0xC80  }
0x8b: {  	s28 =	sld [smem:$0x7F6]  }
0x8c: {  	[sflag:s26] =	ssyncset.done $0x0  }
0x8d: {  	[sflag:s26] =	ssyncadd.s32 $0xFFFFF380  }
0x8e: {  	[spmem:s28] =	stream.linear.scatter [tilespmem:s9], [sflag:$0x7], $0xC80, $0x38;
	[tilespmem:$0x19D00] =	vst v63  }
0x8f: {  	_ =	swait.ge [sflag:s26], $0xC80  }
0x90: {  	s29 =	sld [smem:$0x7F7]  }
0x91: {  	[sflag:s26] =	ssyncset.done $0x0  }
0x92: {  	[sflag:s26] =	ssyncadd.s32 $0xFFFFF380  }
0x93: {  	[spmem:s29] =	stream.linear.scatter [tilespmem:s9], [sflag:$0x7], $0xC80, $0x38;
	[tilespmem:$0x19D00] =	vst v63  }
0x94: {  	_ =	swait.ge [sflag:s26], $0xC80  }
0x95: {  	s14 =	sld [smem:$0x7F8]  }
0x96: {  	[sflag:s26] =	ssyncset.done $0x0  }
0x97: {  	[sflag:s26] =	ssyncadd.s32 $0xFFFFF380  }
0x98: {  	[spmem:s14] =	stream.linear.scatter [tilespmem:s9], [sflag:$0x7], $0xC80, $0x38;
	[tilespmem:$0x19D00] =	vst v63  }
0x99: {  	_ =	swait.ge [sflag:s26], $0xC80  }
0x9a: {  	s21 =	sld [smem:$0x7F9]  }
0x9b: {  	[sflag:s26] =	ssyncset.done $0x0  }
0x9c: {  	[sflag:s26] =	ssyncadd.s32 $0xFFFFF380  }
0x9d: {  	[spmem:s21] =	stream.linear.scatter [tilespmem:s9], [sflag:$0x7], $0xC80, $0x38;
	[tilespmem:$0x19D00] =	vst v63  }
0x9e: {  	_ =	swait.ge [sflag:s26], $0xC80  }
0x9f: {  	s28 =	sld [smem:$0x7FA]  }
0xa0: {  	[sflag:s26] =	ssyncset.done $0x0  }
0xa1: {  	[sflag:s26] =	ssyncadd.s32 $0xFFFFF380  }
0xa2: {  	[spmem:s28] =	stream.linear.scatter [tilespmem:s9], [sflag:$0x7], $0xC80, $0x38;
	[tilespmem:$0x19D00] =	vst v63  }
0xa3: {  	_ =	swait.ge [sflag:s26], $0xC80  }
0xa4: {  	s29 =	sld [smem:$0x7FB]  }
0xa5: {  	[sflag:s26] =	ssyncset.done $0x0  }
0xa6: {  	[sflag:s26] =	ssyncadd.s32 $0xFFFFF380  }
0xa7: {  	[spmem:s29] =	stream.linear.scatter [tilespmem:s9], [sflag:$0x7], $0xC80, $0x38;
	[tilespmem:$0x19D00] =	vst v63  }
0xa8: {  	_ =	swait.ge [sflag:s26], $0xC80  }
0xa9: {  	s14 =	sld [smem:$0x7FC]  }
0xaa: {  	[sflag:s26] =	ssyncset.done $0x0  }
0xab: {  	[sflag:s26] =	ssyncadd.s32 $0xFFFFF380  }
0xac: {  	[spmem:s14] =	stream.linear.scatter [tilespmem:s9], [sflag:$0x7], $0xC80, $0x38;
	[tilespmem:$0x19D00] =	vst v63  }
0xad: {  	_ =	swait.ge [sflag:s26], $0xC80  }
0xae: {  	s21 =	sld [smem:$0x7FD]  }
0xaf: {  	[sflag:s26] =	ssyncset.done $0x0  }
0xb0: {  	[sflag:s26] =	ssyncadd.s32 $0xFFFFF380  }
0xb1: {  	[spmem:s21] =	stream.linear.scatter [tilespmem:s9], [sflag:$0x7], $0xC80, $0x38;
	[tilespmem:$0x19D00] =	vst v63  }
0xb2: {  	_ =	swait.ge [sflag:s26], $0xC80  }
0xb3: {  	[sflag:s26] =	ssyncset.done $0x0  }
0xb4: {  	[sflag:s26] =	ssyncadd.s32 $0xFFFFF380  }
0xb5: {  	[bflag:$0x0] =	sbarrier.arrive $0xFFFF  }
0xb6: {  	s4 =	simm.s32 $0x0;
	s28 =	rddreg [dreg:$0x7]  }
0xb7: {  	[tilespmem:s30], [sflag:$0x1] =	stream.linear.gather [hbm4b:s28+s4], $0x80, $0x38;
	[tilespmem:$0x19D00] =	vst v63  }
0xb8: {  	s29 =	rddreg [dreg:$0x8]  }
0xb9: {  	[tilespmem:s31], [sflag:$0x1] =	stream.linear.gather [hbm4b:s29+s4], $0x80, $0x38;
	[tilespmem:$0x19D00] =	vst v63  }
0xba: {  	s14 =	rddreg [dreg:$0x9]  }
0xbb: {  	[tilespmem:s0], [sflag:$0x1] =	stream.linear.gather [hbm4b:s14+s4], $0x80, $0x38;
	[tilespmem:$0x19D00] =	vst v63  }
0xbc: {  	_ =	swait.ge [sflag:s2], $0x80  }
0xbd: {  	[sflag:s2] =	ssyncset.done $0x0  }
0xbe: {  	[sflag:s2] =	ssyncadd.s32 $0xFFFFFF80  }
0xbf: {  	_ =	swait.ge [sflag:s2], $0x80  }
0xc0: {  	[sflag:s2] =	ssyncset.done $0x0  }
0xc1: {  	[sflag:s2] =	ssyncadd.s32 $0xFFFFFF80  }
0xc2: {  	_ =	swait.ge [sflag:s2], $0x80  }
0xc3: {  	[sflag:s2] =	ssyncset.done $0x0  }
0xc4: {  	[sflag:s2] =	ssyncadd.s32 $0xFFFFFF80  }
0xc5: {  	[tilespmem:s4], [sflag:$0x3] =	stream.indirect.gather [hbm4b:s1+s10], $0x80, s30, s10, $0xb8;
	[tilespmem:$0x19D00] =	vst v63  }
0xc6: {  	s21 =	rddreg [dreg:$0xa]  }
0xc7: {  	[tilespmem:s11], [sflag:$0x2] =	stream.linear.gather [hbm4b:s21+s4], $0x80, $0x38;
	[tilespmem:$0x19D00] =	vst v63  }
0xc8: {  	s28 =	rddreg [dreg:$0xb]  }
0xc9: {  	[tilespmem:s12], [sflag:$0x2] =	stream.linear.gather [hbm4b:s28+s4], $0x80, $0x38;
	[tilespmem:$0x19D00] =	vst v63  }
0xca: {  	s14 =	simm.s32 $0x0;
	s29 =	rddreg [dreg:$0xc]  }
0xcb: {  	v2 =	vbroadcast v1, $0x0;
	v1 =	vbroadcast v1, $0x1;
	[tilespmem:s13], [sflag:$0x2] =	stream.linear.gather [hbm4b:s29+s4], $0x80, $0x38;
	[tilespmem:$0x19D00] =	vst v63  }
.LBB2_4:
0xcc: {  	_ =	swait.ge [sflag:s15], $0x80  }
0xcd: {  	[sflag:s15] =	ssyncset.done $0x0  }
0xce: {  	[sflag:s15] =	ssyncadd.s32 $0xFFFFFF80  }
0xcf: {  	_ =	swait.ge [sflag:s15], $0x80  }
0xd0: {  	[sflag:s15] =	ssyncset.done $0x0  }
0xd1: {  	[sflag:s15] =	ssyncadd.s32 $0xFFFFFF80  }
0xd2: {  	_ =	swait.ge [sflag:s15], $0x80  }
0xd3: {  	[sflag:s15] =	ssyncset.done $0x0  }
0xd4: {  	[sflag:s15] =	ssyncadd.s32 $0xFFFFFF80  }
0xd5: {  	[tilespmem:s16], [sflag:$0x4] =	stream.indirect.gather [hbm4b:s1+s10], $0x80, s11, s10, $0xb8;
	[tilespmem:$0x19D00] =	vst v63  }
0xd6: {  	_ =	swait.ge [sflag:s17], $0x2800  }
0xd7: {  	[sflag:s17] =	ssyncset.done $0x0  }
0xd8: {  	[sflag:s17] =	ssyncadd.s32 $0xFFFFD800  }
0xd9: {  	v3 =	vld [tilespmem:$0x5200]  }
0xda: {  	v4 =	vld [tilespmem:$0x5210]  }
0xdb: {  	v5 =	vld [tilespmem:$0x5220]  }
0xdc: {  	v6 =	vld [tilespmem:$0x5230]  }
0xdd: {  	v7 =	vld [tilespmem:$0x5240]  }
0xde: {  	v3 =	vsub.f32 v3, v2  }
0xdf: {  	v4 =	vsub.f32 v4, v2  }
0xe0: {  	v5 =	vsub.f32 v5, v2;
	v3 =	vmul.f32 $1.442695020e+00, v3  }
0xe1: {  	v6 =	vsub.f32 v6, v2;
	v4 =	vmul.f32 $1.442695020e+00, v4  }
0xe2: {  	(erf) = vpow2.f32 v3;
	v3 =	vmul.f32 $1.442695020e+00, v5;
	v5 =	vsub.f32 v7, v2  }
0xe3: {  	(erf) = vpow2.f32 v4;
	v4 =	vmul.f32 $1.442695020e+00, v6  }
0xe4: {  	(erf) = vpow2.f32 v3;
	v3 =	vmul.f32 $1.442695020e+00, v5  }
0xe5: {  	(erf) = vpow2.f32 v4  }
0xe6: {  	(erf) = vpow2.f32 v3;
	_ =	sdelay $0x4  }
0xe7: {  	v3 =	vpop (erf)  }
0xe8: {  	v4 =	vpop (erf);
	v3 =	vmul.f32 v3, v1  }
0xe9: {  	v5 =	vpop (erf);
	v4 =	vmul.f32 v4, v1  }
0xea: {  	v6 =	vpop (erf);
	[tilespmem:$0x5300] =	vst v3;
	v3 =	vmul.f32 v5, v1  }
0xeb: {  	[tilespmem:$0x5310] =	vst v4;
	v4 =	vmul.f32 v6, v1;
	v5 =	vpop (erf)  }
0xec: {  	[tilespmem:$0x5320] =	vst v3;
	v3 =	vmul.f32 v5, v1  }
0xed: {  	[tilespmem:$0x5330] =	vst v4;
	v4 =	vmov s4  }
0xee: {  	s21 =	simm.s32 $0x40;
	[tilespmem:$0x5340] =	vst v3  }
0xef: {  	v7 =	vld [tilespmem:s21+$0x30]  }
0xf0: {  	v10 =	vld [tilespmem:s21+$0x10]  }
0xf1: {  	v8 =	vld [tilespmem:s21+$0xFFFFFFC0]  }
0xf2: {  	v4 =	vld.idx.msk [tilespmem:v4+s20+$0x0], $0xffff  }
0xf3: {  	v12 =	vld [tilespmem:s21+$0xFFFFFFE0]  }
0xf4: {  	v3 =	vld [tilespmem:s21+$0xFFFFFFF0]  }
0xf5: {  	v5 =	vld [tilespmem:s21+$0x20]  }
0xf6: {  	v6 =	vld [tilespmem:s21+$0xFFFFFFD0]  }
0xf7: {  	v11 =	vmul.f32 v7, v4;
	v7 =	vld [tilespmem:s21+$0x0]  }
0xf8: {  	v9 =	vmul.f32 v8, v4  }
0xf9: {  	s9 =	simm.s32 $0x1;
	s29 =	simm.s32 $0x40;
	v8 =	vmul.f32 v12, v4;
	v10 =	vmul.f32 v10, v4  }
.LBB2_5:
0xfa: {  	p0 =	sne.s32 s9, $0x4F  }
0xfb: {  	v6 =	vmul.f32 v6, v4;
	v5 =	vmul.f32 v5, v4;
	[tilespmem:s21+$0x30] =	vst v11;
	s29 =	sadd.s32 $0x80, s29;
	s28 =	smov.u32 s9;
	s9 =	sadd.s32 $0x1, s9  }
0xfc: {  	[tilespmem:s21+$0xFFFFFFC0] =	vst v9;
	v9 =	vmul.f32 v3, v4;
	v4 =	vmul.f32 v7, v4  }
0xfd: {  	[tilespmem:s21+$0x10] =	vst v10  }
0xfe: {  	v7 =	vmov s28;
	[tilespmem:s21+$0xFFFFFFE0] =	vst v8  }
0xff: {  	v3 =	vld [tilespmem:s29+$0xFFFFFFF0];
	[tilespmem:s21+$0xFFFFFFF0] =	vst v9  }
0x100: {  	v8 =	vld [tilespmem:s29+$0x30];
	[tilespmem:s21+$0x0] =	vst v4  }
0x101: {  	v10 =	vld [tilespmem:s29+$0x10];
	[tilespmem:s21+$0x20] =	vst v5  }
0x102: {  	v9 =	vld [tilespmem:s29+$0xFFFFFFC0];
	[tilespmem:s21+$0xFFFFFFD0] =	vst v6;
	s21 =	smov.u32 s29  }
0x103: {  	v4 =	vld.idx.msk [tilespmem:v7+s20+$0x0], $0xffff  }
0x104: {  	v12 =	vld [tilespmem:s29+$0xFFFFFFE0]  }
0x105: {  	v5 =	vld [tilespmem:s29+$0x20]  }
.Ltmp1:
0x106: {  	v6 =	vld [tilespmem:s29+$0xFFFFFFD0];
	(pc) =	sbr.rel @p0 .LBB2_5-.Ltmp1, $3  }
0x107: {  	v7 =	vld [tilespmem:s29+$0x0];
	_ =	sdelay $0x1  }
0x108: {  	v9 =	vmul.f32 v9, v4;
	v11 =	vmul.f32 v8, v4  }
0x109: {  	v10 =	vmul.f32 v10, v4;
	v8 =	vmul.f32 v12, v4  }
0x10a: {  	[tilespmem:s21+$0x30] =	vst v11  }
0x10b: {  	[tilespmem:s21+$0xFFFFFFC0] =	vst v9  }
0x10c: {  	v3 =	vmul.f32 v3, v4;
	[tilespmem:s21+$0x10] =	vst v10  }
0x10d: {  	v5 =	vmul.f32 v5, v4;
	[tilespmem:s21+$0xFFFFFFE0] =	vst v8  }
0x10e: {  	v7 =	vmul.f32 v7, v4;
	[tilespmem:s21+$0xFFFFFFF0] =	vst v3  }
0x10f: {  	v3 =	vmul.f32 v6, v4;
	[tilespmem:s21+$0x20] =	vst v5  }
0x110: {  	[tilespmem:s21+$0x0] =	vst v7  }
0x111: {  	s9 =	simm.s32 $0x0;
	[tilespmem:s21+$0xFFFFFFD0] =	vst v3  }
0x112: {  	[spmem:s3] =	stream.indirect.scatter.add.f32 [tilespmem:s9], [sflag:$0x5], $0x80, s31, s10, $0xb8;
	[tilespmem:$0x19D00] =	vst v63  }
0x113: {  	_ =	swait.ge [sflag:s22], $0x2800  }
0x114: {  	[sflag:s22] =	ssyncset.done $0x0  }
0x115: {  	[sflag:s22] =	ssyncadd.s32 $0xFFFFD800  }
0x116: {  	v3 =	vld [tilespmem:$0x5280]  }
0x117: {  	v4 =	vld [tilespmem:$0x5290]  }
0x118: {  	v5 =	vld [tilespmem:$0x52A0]  }
0x119: {  	v6 =	vld [tilespmem:$0x52B0]  }
0x11a: {  	v7 =	vld [tilespmem:$0x52C0]  }
0x11b: {  	v3 =	vsub.f32 v3, v2  }
0x11c: {  	v4 =	vsub.f32 v4, v2  }
0x11d: {  	v5 =	vsub.f32 v5, v2;
	v3 =	vmul.f32 $1.442695020e+00, v3  }
0x11e: {  	v6 =	vsub.f32 v6, v2;
	v4 =	vmul.f32 $1.442695020e+00, v4  }
0x11f: {  	(erf) = vpow2.f32 v3;
	v3 =	vmul.f32 $1.442695020e+00, v5;
	v5 =	vsub.f32 v7, v2  }
0x120: {  	(erf) = vpow2.f32 v4;
	v4 =	vmul.f32 $1.442695020e+00, v6  }
0x121: {  	(erf) = vpow2.f32 v3;
	v3 =	vmul.f32 $1.442695020e+00, v5  }
0x122: {  	(erf) = vpow2.f32 v4  }
0x123: {  	(erf) = vpow2.f32 v3;
	_ =	sdelay $0x4  }
0x124: {  	v3 =	vpop (erf)  }
0x125: {  	v4 =	vpop (erf);
	v3 =	vmul.f32 v3, v1  }
0x126: {  	v5 =	vpop (erf);
	v4 =	vmul.f32 v4, v1  }
0x127: {  	v6 =	vpop (erf);
	[tilespmem:$0x5380] =	vst v3;
	v3 =	vmul.f32 v5, v1  }
0x128: {  	[tilespmem:$0x5390] =	vst v4;
	v4 =	vmul.f32 v6, v1;
	v5 =	vpop (erf)  }
0x129: {  	[tilespmem:$0x53A0] =	vst v3;
	v3 =	vmul.f32 v5, v1  }
0x12a: {  	[tilespmem:$0x53B0] =	vst v4  }
0x12b: {  	s28 =	sshll.u32 s14, $0x8;
	[tilespmem:$0x53C0] =	vst v3  }
0x12c: {  	s21 =	sadd.s32 s28, s18;
	_ =	swait.ge [sflag:s23], $0x2800  }
0x12d: {  	s21 =	sshrl.u32 s21, $0x3;
	[sflag:s23] =	ssyncset.done $0x0  }
0x12e: {  	s28 =	sadd.s32 s7, s21;
	[sflag:s23] =	ssyncadd.s32 $0xFFFFD800  }
0x12f: {  	[tilespmem:s30], [sflag:$0x1] =	stream.linear.gather [hbm4b:s28+s9], $0x80, $0x38;
	[tilespmem:$0x19D00] =	vst v63  }
0x130: {  	s28 =	sadd.s32 s6, s21  }
0x131: {  	[tilespmem:s31], [sflag:$0x1] =	stream.linear.gather [hbm4b:s28+s9], $0x80, $0x38;
	[tilespmem:$0x19D00] =	vst v63  }
0x132: {  	s21 =	sadd.s32 s8, s21  }
0x133: {  	v3 =	vmov s9;
	[tilespmem:s0], [sflag:$0x1] =	stream.linear.gather [hbm4b:s21+s9], $0x80, $0x38;
	[tilespmem:$0x19D00] =	vst v63  }
0x134: {  	s21 =	simm.s32 $0x2840  }
0x135: {  	v7 =	vld [tilespmem:s21+$0x30]  }
0x136: {  	v10 =	vld [tilespmem:s21+$0x10]  }
0x137: {  	v8 =	vld [tilespmem:s21+$0xFFFFFFC0]  }
0x138: {  	v4 =	vld.idx.msk [tilespmem:v3+s24+$0x0], $0xffff  }
0x139: {  	v12 =	vld [tilespmem:s21+$0xFFFFFFE0]  }
0x13a: {  	v3 =	vld [tilespmem:s21+$0xFFFFFFF0]  }
0x13b: {  	v5 =	vld [tilespmem:s21+$0x20]  }
0x13c: {  	v6 =	vld [tilespmem:s21+$0xFFFFFFD0]  }
0x13d: {  	v11 =	vmul.f32 v7, v4;
	v7 =	vld [tilespmem:s21+$0x0]  }
0x13e: {  	v9 =	vmul.f32 v8, v4  }
0x13f: {  	s29 =	simm.s32 $0x2840;
	s9 =	simm.s32 $0x1;
	v8 =	vmul.f32 v12, v4;
	v10 =	vmul.f32 v10, v4  }
.LBB2_7:
0x140: {  	p0 =	sne.s32 s9, $0x4F  }
0x141: {  	v6 =	vmul.f32 v6, v4;
	v5 =	vmul.f32 v5, v4;
	[tilespmem:s21+$0x30] =	vst v11;
	s29 =	sadd.s32 $0x80, s29;
	s28 =	smov.u32 s9;
	s9 =	sadd.s32 $0x1, s9  }
0x142: {  	[tilespmem:s21+$0xFFFFFFC0] =	vst v9;
	v9 =	vmul.f32 v3, v4;
	v4 =	vmul.f32 v7, v4  }
0x143: {  	[tilespmem:s21+$0x10] =	vst v10  }
0x144: {  	v7 =	vmov s28;
	[tilespmem:s21+$0xFFFFFFE0] =	vst v8  }
0x145: {  	v3 =	vld [tilespmem:s29+$0xFFFFFFF0];
	[tilespmem:s21+$0xFFFFFFF0] =	vst v9  }
0x146: {  	v8 =	vld [tilespmem:s29+$0x30];
	[tilespmem:s21+$0x0] =	vst v4  }
0x147: {  	v10 =	vld [tilespmem:s29+$0x10];
	[tilespmem:s21+$0x20] =	vst v5  }
0x148: {  	v9 =	vld [tilespmem:s29+$0xFFFFFFC0];
	[tilespmem:s21+$0xFFFFFFD0] =	vst v6;
	s21 =	smov.u32 s29  }
0x149: {  	v4 =	vld.idx.msk [tilespmem:v7+s24+$0x0], $0xffff  }
0x14a: {  	v12 =	vld [tilespmem:s29+$0xFFFFFFE0]  }
0x14b: {  	v5 =	vld [tilespmem:s29+$0x20]  }
.Ltmp2:
0x14c: {  	v6 =	vld [tilespmem:s29+$0xFFFFFFD0];
	(pc) =	sbr.rel @p0 .LBB2_7-.Ltmp2, $3  }
0x14d: {  	v7 =	vld [tilespmem:s29+$0x0];
	_ =	sdelay $0x1  }
0x14e: {  	v9 =	vmul.f32 v9, v4;
	v11 =	vmul.f32 v8, v4  }
0x14f: {  	v10 =	vmul.f32 v10, v4;
	v8 =	vmul.f32 v12, v4  }
0x150: {  	[tilespmem:s21+$0x30] =	vst v11  }
0x151: {  	[tilespmem:s21+$0xFFFFFFC0] =	vst v9  }
0x152: {  	v3 =	vmul.f32 v3, v4;
	[tilespmem:s21+$0x10] =	vst v10  }
0x153: {  	v5 =	vmul.f32 v5, v4;
	[tilespmem:s21+$0xFFFFFFE0] =	vst v8  }
0x154: {  	v7 =	vmul.f32 v7, v4;
	[tilespmem:s21+$0xFFFFFFF0] =	vst v3  }
0x155: {  	v3 =	vmul.f32 v6, v4;
	[tilespmem:s21+$0x20] =	vst v5  }
0x156: {  	[tilespmem:s21+$0x0] =	vst v7  }
0x157: {  	[tilespmem:s21+$0xFFFFFFD0] =	vst v3  }
0x158: {  	[spmem:s3] =	stream.indirect.scatter.add.f32 [tilespmem:s16], [sflag:$0x6], $0x80, s12, s10, $0xb8;
	[tilespmem:$0x19D00] =	vst v63  }
0x159: {  	_ =	swait.ge [sflag:s2], $0x80  }
0x15a: {  	[sflag:s2] =	ssyncset.done $0x0  }
0x15b: {  	[sflag:s2] =	ssyncadd.s32 $0xFFFFFF80  }
0x15c: {  	_ =	swait.ge [sflag:s2], $0x80  }
0x15d: {  	[sflag:s2] =	ssyncset.done $0x0  }
0x15e: {  	[sflag:s2] =	ssyncadd.s32 $0xFFFFFF80  }
0x15f: {  	s9 =	sshll.u32 s14, $0x1;
	_ =	swait.ge [sflag:s2], $0x80  }
0x160: {  	s9 =	smin.u32 s9, $0x7B;
	[sflag:s2] =	ssyncset.done $0x0  }
0x161: {  	s9 =	sshll.u32 s9, $0x7;
	[sflag:s2] =	ssyncadd.s32 $0xFFFFFF80  }
0x162: {  	[tilespmem:s5], [sflag:$0x3] =	stream.indirect.gather [hbm4b:s1+s10], $0x80, s30, s10, $0xb8;
	[tilespmem:$0x19D00] =	vst v63  }
0x163: {  	s9 =	sadd.s32 s9, s19;
	_ =	swait.ge [sflag:s25], $0x2800  }
0x164: {  	s14 =	sadd.s32 $0x1, s14;
	s9 =	sshrl.u32 s9, $0x3;
	[sflag:s25] =	ssyncset.done $0x0  }
0x165: {  	p0 =	sne.s32 s14, $0x3F;
	s28 =	sadd.s32 s7, s9;
	[sflag:s25] =	ssyncadd.s32 $0xFFFFD800  }
0x166: {  	[tilespmem:s11], [sflag:$0x2] =	stream.linear.gather [hbm4b:s28+s5], $0x80, $0x38;
	[tilespmem:$0x19D00] =	vst v63  }
.Ltmp3:
0x167: {  	_ = 	snop;
	(pc) =	sbr.rel @p0 .LBB2_4-.Ltmp3, $4  }
0x168: {  	s29 =	sadd.s32 s6, s9  }
0x169: {  	[tilespmem:s12], [sflag:$0x2] =	stream.linear.gather [hbm4b:s29+s5], $0x80, $0x38;
	[tilespmem:$0x19D00] =	vst v63  }
0x16a: {  	s9 =	sadd.s32 s8, s9  }
0x16b: {  	[tilespmem:s13], [sflag:$0x2] =	stream.linear.gather [hbm4b:s9+s5], $0x80, $0x38;
	[tilespmem:$0x19D00] =	vst v63  }
0x16c: {  	_ =	swait.ge [sflag:s15], $0x80  }
0x16d: {  	[sflag:s15] =	ssyncset.done $0x0  }
0x16e: {  	[sflag:s15] =	ssyncadd.s32 $0xFFFFFF80  }
0x16f: {  	_ =	swait.ge [sflag:s15], $0x80  }
0x170: {  	[sflag:s15] =	ssyncset.done $0x0  }
0x171: {  	[sflag:s15] =	ssyncadd.s32 $0xFFFFFF80  }
0x172: {  	_ =	swait.ge [sflag:s15], $0x80  }
0x173: {  	[sflag:s15] =	ssyncset.done $0x0  }
0x174: {  	[sflag:s15] =	ssyncadd.s32 $0xFFFFFF80  }
0x175: {  	_ =	swait.ge [sflag:s17], $0x2800  }
0x176: {  	[sflag:s17] =	ssyncset.done $0x0  }
0x177: {  	[sflag:s17] =	ssyncadd.s32 $0xFFFFD800  }
0x178: {  	v3 =	vld [tilespmem:$0x5200]  }
0x179: {  	v4 =	vld [tilespmem:$0x5210]  }
0x17a: {  	v5 =	vld [tilespmem:$0x5220]  }
0x17b: {  	v6 =	vld [tilespmem:$0x5230]  }
0x17c: {  	v7 =	vld [tilespmem:$0x5240]  }
0x17d: {  	v3 =	vsub.f32 v3, v2  }
0x17e: {  	v4 =	vsub.f32 v4, v2  }
0x17f: {  	v5 =	vsub.f32 v5, v2;
	v3 =	vmul.f32 $1.442695020e+00, v3  }
0x180: {  	v6 =	vsub.f32 v6, v2;
	v4 =	vmul.f32 $1.442695020e+00, v4  }
0x181: {  	v2 =	vsub.f32 v7, v2;
	(erf) = vpow2.f32 v3;
	v3 =	vmul.f32 $1.442695020e+00, v5  }
0x182: {  	(erf) = vpow2.f32 v4;
	v4 =	vmul.f32 $1.442695020e+00, v6  }
0x183: {  	v2 =	vmul.f32 $1.442695020e+00, v2;
	(erf) = vpow2.f32 v3  }
0x184: {  	(erf) = vpow2.f32 v4  }
0x185: {  	(erf) = vpow2.f32 v2;
	_ =	sdelay $0x4  }
0x186: {  	v2 =	vpop (erf)  }
0x187: {  	v3 =	vpop (erf);
	v2 =	vmul.f32 v2, v1  }
0x188: {  	v4 =	vpop (erf);
	v3 =	vmul.f32 v3, v1  }
0x189: {  	v5 =	vpop (erf);
	[tilespmem:$0x5300] =	vst v2;
	v2 =	vmul.f32 v4, v1  }
0x18a: {  	[tilespmem:$0x5310] =	vst v3;
	v3 =	vmul.f32 v5, v1;
	v4 =	vpop (erf)  }
0x18b: {  	s4 =	simm.s32 $0x0;
	[tilespmem:$0x5320] =	vst v2;
	v1 =	vmul.f32 v4, v1  }
0x18c: {  	v2 =	vmov s4;
	[tilespmem:$0x5330] =	vst v3  }
0x18d: {  	s4 =	simm.s32 $0x40;
	[tilespmem:$0x5340] =	vst v1  }
0x18e: {  	v5 =	vld [tilespmem:s4+$0x30]  }
0x18f: {  	v8 =	vld [tilespmem:s4+$0x10]  }
0x190: {  	v6 =	vld [tilespmem:s4+$0xFFFFFFC0]  }
0x191: {  	v2 =	vld.idx.msk [tilespmem:v2+s20+$0x0], $0xffff  }
0x192: {  	v10 =	vld [tilespmem:s4+$0xFFFFFFE0]  }
0x193: {  	v1 =	vld [tilespmem:s4+$0xFFFFFFF0]  }
0x194: {  	v3 =	vld [tilespmem:s4+$0x20]  }
0x195: {  	v4 =	vld [tilespmem:s4+$0xFFFFFFD0]  }
0x196: {  	v9 =	vmul.f32 v5, v2;
	v5 =	vld [tilespmem:s4+$0x0]  }
0x197: {  	v7 =	vmul.f32 v6, v2  }
0x198: {  	s9 =	simm.s32 $0x1;
	s14 =	simm.s32 $0x40;
	v6 =	vmul.f32 v10, v2;
	v8 =	vmul.f32 v8, v2  }
.LBB2_10:
0x199: {  	p0 =	sne.s32 s9, $0x4F  }
0x19a: {  	v4 =	vmul.f32 v4, v2;
	v3 =	vmul.f32 v3, v2;
	[tilespmem:s4+$0x30] =	vst v9;
	s14 =	sadd.s32 $0x80, s14;
	s21 =	smov.u32 s9;
	s9 =	sadd.s32 $0x1, s9  }
0x19b: {  	[tilespmem:s4+$0xFFFFFFC0] =	vst v7;
	v7 =	vmul.f32 v1, v2;
	v2 =	vmul.f32 v5, v2  }
0x19c: {  	[tilespmem:s4+$0x10] =	vst v8  }
0x19d: {  	v5 =	vmov s21;
	[tilespmem:s4+$0xFFFFFFE0] =	vst v6  }
0x19e: {  	v1 =	vld [tilespmem:s14+$0xFFFFFFF0];
	[tilespmem:s4+$0xFFFFFFF0] =	vst v7  }
0x19f: {  	v6 =	vld [tilespmem:s14+$0x30];
	[tilespmem:s4+$0x0] =	vst v2  }
0x1a0: {  	v8 =	vld [tilespmem:s14+$0x10];
	[tilespmem:s4+$0x20] =	vst v3  }
0x1a1: {  	v7 =	vld [tilespmem:s14+$0xFFFFFFC0];
	[tilespmem:s4+$0xFFFFFFD0] =	vst v4;
	s4 =	smov.u32 s14  }
0x1a2: {  	v2 =	vld.idx.msk [tilespmem:v5+s20+$0x0], $0xffff  }
0x1a3: {  	v10 =	vld [tilespmem:s14+$0xFFFFFFE0]  }
0x1a4: {  	v3 =	vld [tilespmem:s14+$0x20]  }
.Ltmp4:
0x1a5: {  	v4 =	vld [tilespmem:s14+$0xFFFFFFD0];
	(pc) =	sbr.rel @p0 .LBB2_10-.Ltmp4, $3  }
0x1a6: {  	v5 =	vld [tilespmem:s14+$0x0];
	_ =	sdelay $0x1  }
0x1a7: {  	v7 =	vmul.f32 v7, v2;
	v9 =	vmul.f32 v6, v2  }
0x1a8: {  	v8 =	vmul.f32 v8, v2;
	v6 =	vmul.f32 v10, v2  }
0x1a9: {  	[tilespmem:s4+$0x30] =	vst v9  }
0x1aa: {  	[tilespmem:s4+$0xFFFFFFC0] =	vst v7  }
0x1ab: {  	v1 =	vmul.f32 v1, v2;
	[tilespmem:s4+$0x10] =	vst v8  }
0x1ac: {  	v3 =	vmul.f32 v3, v2;
	[tilespmem:s4+$0xFFFFFFE0] =	vst v6  }
0x1ad: {  	v5 =	vmul.f32 v5, v2;
	[tilespmem:s4+$0xFFFFFFF0] =	vst v1  }
0x1ae: {  	v1 =	vmul.f32 v4, v2;
	[tilespmem:s4+$0x20] =	vst v3  }
0x1af: {  	[tilespmem:s4+$0x0] =	vst v5  }
0x1b0: {  	[tilespmem:s4+$0xFFFFFFD0] =	vst v1  }
0x1b1: {  	[spmem:s3] =	stream.indirect.scatter.add.f32 [tilespmem:s5], [sflag:$0x5], $0x80, s31, s10, $0xb8;
	[tilespmem:$0x19D00] =	vst v63  }
0x1b2: {  	_ =	swait.ge [sflag:s23], $0x2800  }
0x1b3: {  	[sflag:s23] =	ssyncset.done $0x0  }
0x1b4: {  	[sflag:s23] =	ssyncadd.s32 $0xFFFFD800  }
0x1b5: {  	s14 =	stileid.u32;
	[bflag:$0x0] =	sbarrier.arrive $0xFFFF  }
0x1b6: {  	s4 =	sshll.u32 s14, $0x6;
	s14 =	rddreg [dreg:$0x4]  }
0x1b7: {  	s4 =	sor.u32 $0x1C07, s4;
	s21 =	rddreg [dreg:$0xd];
	s9 =	sshrl.u32 s14, $0x3  }
0x1b8: {  	[hbm:s21], [sflag:s4] =	dma.local [spmem:s9], $0x7D0  }
0x1b9: {  	_ =	swait.ge [sflag:s26], $0x7D0  }
0x1ba: {  	[sflag:s26] =	ssyncset.done $0x0;
	s28 =	rddreg [dreg:$0x15]  }
0x1bb: {  	s21 =	rddreg [dreg:$0xe];
	[sflag:s26] =	ssyncadd.s32 $0xFFFFF830;
	s9 =	sshrl.u32 s28, $0x3  }
0x1bc: {  	[hbm:s21], [sflag:s4] =	dma.local [spmem:s9], $0x7D0  }
0x1bd: {  	_ =	swait.ge [sflag:s26], $0x7D0  }
0x1be: {  	[sflag:s26] =	ssyncset.done $0x0;
	s29 =	rddreg [dreg:$0x1a]  }
0x1bf: {  	s21 =	rddreg [dreg:$0xf];
	[sflag:s26] =	ssyncadd.s32 $0xFFFFF830;
	s9 =	sshrl.u32 s29, $0x3  }
0x1c0: {  	[hbm:s21], [sflag:s4] =	dma.local [spmem:s9], $0x7D0  }
0x1c1: {  	_ =	swait.ge [sflag:s26], $0x7D0  }
0x1c2: {  	[sflag:s26] =	ssyncset.done $0x0;
	s21 =	rddreg [dreg:$0x1f]  }
0x1c3: {  	[sflag:s26] =	ssyncadd.s32 $0xFFFFF830;
	s9 =	sshrl.u32 s21, $0x3;
	s21 =	rddreg [dreg:$0x10]  }
0x1c4: {  	[hbm:s21], [sflag:s4] =	dma.local [spmem:s9], $0x7D0  }
0x1c5: {  	_ =	swait.ge [sflag:s26], $0x7D0  }
0x1c6: {  	s21 =	sld [smem:$0x7F9];
	_ =	sdelay $0x1  }
0x1c7: {  	[sflag:s26] =	ssyncset.done $0x0  }
0x1c8: {  	[sflag:s26] =	ssyncadd.s32 $0xFFFFF830;
	s9 =	sshrl.u32 s21, $0x3;
	s21 =	rddreg [dreg:$0x11]  }
0x1c9: {  	[hbm:s21], [sflag:s4] =	dma.local [spmem:s9], $0x7D0  }
0x1ca: {  	_ =	swait.ge [sflag:s26], $0x7D0  }
0x1cb: {  	s4 =	sld [smem:$0x7F4];
	_ =	sdelay $0x2  }
0x1cc: {  	s21 =	rddreg [dreg:$0x12];
	s9 =	sadd.s32 $0x1, s4  }
0x1cd: {  	p0 =	sne.s32 s9, s21  }
.Ltmp5:
0x1ce: {  	_ = 	snop;
	(pc) =	sbr.rel @p0 .LBB2_1-.Ltmp5, $3  }
0x1cf: {  	_ =	sdelay $0x1  }
0x1d0: {  	[sflag:s26] =	ssyncset.done $0x0  }
0x1d1: {  	[sflag:s26] =	ssyncadd.s32 $0xFFFFF830  }
0x1d2: {  	_ =	sfence.sel $0x180000  }
0x1d3: {  	[bflag:$0x0] =	sbarrier.arrive $0xFFFF  }
0x1d4: {  	_ =	strace $0x9000004A  }
0x1d5: {  	s0 =	stileid.u32;
	[bflag:$0x2] =	sbarrier.arrive $0xFFFF  }
0x1d6: {  	p0 =	sne.s32 s0, $0x0;
	s0 =	rddreg [dreg:$0x3]  }
0x1d7: {  	s0 =	sadd.s32 @!p0 $0x100000, s0  }
0x1d8: {  	[sflag:s0] =	ssyncadd.tile.s32 @!p0 $0x1;
	_ =	shalt  }
.Lfunc_end2:
_tile_overlayer_lowered:
.L_overlay_start_2:
0x1d9: {  	(tag) =	ssettag $0x2  }
0x1da: {  	s0 =	rddreg [dreg:$0x0];
	s2 =	stileid.u32  }
0x1db: {  	s1 =	rddreg [dreg:$0x1];
	p0 =	sne.s32 s2, $0x0  }
0x1dc: {  	s3 =	rddreg [dreg:$0x2];
	[bflag:$0x3] =	sbarrier.arrive $0xFFFF;
	s2 =	simm.s32 @!p0 $0x1C07  }
0x1dd: {  	[timem:s3], [sflag:s2] =	dma.local @!p0 [hbm:s0], s1  }
0x1de: {  	s0 =	simm.s32 @!p0 $0x7  }
0x1df: {  	_ =	swait.ge @!p0 [sflag:s0], s1  }
0x1e0: {  	s1 =	ssub.s32 @!p0 $0x0, s1;
	[sflag:s0] =	ssyncset.done @!p0 $0x0  }
0x1e1: {  	[sflag:s0] =	ssyncadd.s32 @!p0 s1  }
0x1e2: {  	[bflag:$0x3] =	sbarrier.arrive $0xFFFF  }
0x1e3: {  	_ =	shalt  }

</sc_bundles>
